<compile_context>
chip_gen: v7x
topology: tpu7x:2x2x1
jax: 0.10.2.dev20260603
libtpu: 0.0.44.dev20260713+nightly
codegen_flags: <defaults>
</compile_context>

<pallas_src>
import functools
import math

import jax
import jax.numpy as jnp
import numpy as np
from jax import lax
from jax.experimental import pallas as pl
from jax.experimental.pallas import tpu as pltpu
from jax.experimental.pallas import tpu_sc as plsc

D_MODEL = 1024
POS_MAX = 300
TYPE_VOCAB = 4
LN_EPS = 1e-12

POS_PAD = 304
CTAB = 1216
TOK_OFF = 384
TAB = 512
N_ROWS = 16384
N_SC = 1024
BLK = 1024

NC, NS = 1, 16
NW = NC * NS
ROWS_PER_W = N_SC // NW
CH = 32
NCHUNK = ROWS_PER_W // CH
LANES = 16
NVEC = D_MODEL // LANES


def _make_pe_np(d_model, max_len):
    position = np.arange(max_len, dtype=np.float32)[:, None]
    div_term = np.exp(
        np.arange(0, d_model, 2, dtype=np.float32) * -(math.log(1000.0) / d_model)
    )
    pe = np.zeros((max_len, d_model), dtype=np.float32)
    pe[:, 0::2] = np.sin(position * div_term)
    pe[:, 1::2] = np.cos(position * div_term)
    return pe


_PE_POS = np.zeros((POS_PAD, D_MODEL), dtype=np.float32)
_PE_POS[:POS_MAX] = _make_pe_np(D_MODEL, POS_MAX)
_PE_TOK = np.zeros((8, D_MODEL), dtype=np.float32)
_PE_TOK[:TYPE_VOCAB] = _make_pe_np(D_MODEL, TYPE_VOCAB)

_R_EXP = np.zeros((CTAB, POS_PAD), dtype=np.float32)
_S_EXP = np.zeros((CTAB, 8), dtype=np.float32)
for _i in range(POS_MAX * TYPE_VOCAB):
    _R_EXP[_i, _i // TYPE_VOCAB] = 1.0
    _S_EXP[_i, _i % TYPE_VOCAB] = 1.0


def _proj_body(pe_pos_ref, pe_tok_ref, wpt_ref, bp_ref, wtt_ref, bt_ref,
               r_ref, s_ref, c_ref, t_ref):
    a = (
        jnp.dot(pe_pos_ref[...], wpt_ref[...], preferred_element_type=jnp.float32)
        + bp_ref[...]
    )
    tk = (
        jnp.dot(pe_tok_ref[...], wtt_ref[...], preferred_element_type=jnp.float32)
        + bt_ref[...]
    )
    c_ref[...] = (
        jnp.dot(r_ref[...], a, preferred_element_type=jnp.float32)
        + jnp.dot(s_ref[...], tk, preferred_element_type=jnp.float32)
    )
    t_ref[0:POS_PAD, :] = a
    t_ref[POS_PAD:TOK_OFF, :] = jnp.zeros((TOK_OFF - POS_PAD, D_MODEL), jnp.float32)
    t_ref[TOK_OFF:TOK_OFF + 8, :] = tk
    t_ref[TOK_OFF + 8:TAB, :] = jnp.zeros((TAB - TOK_OFF - 8, D_MODEL), jnp.float32)


def _sc_body(x_hbm, pid_hbm, tid_hbm, c_hbm, gamma_hbm, beta_hbm, out_hbm,
             x_v, g_v, pid_v, tid_v, idx_v, gb_v, red_v, dsem):
    wid = lax.axis_index("s") * NC + lax.axis_index("c")
    base = wid * ROWS_PER_W
    pltpu.sync_copy(gamma_hbm, gb_v.at[0])
    pltpu.sync_copy(beta_hbm, gb_v.at[1])

    def chunk_body(ci, carry):
        off = base + ci * CH
        pltpu.sync_copy(pid_hbm.at[pl.ds(off, CH)], pid_v)
        pltpu.sync_copy(tid_hbm.at[pl.ds(off, CH)], tid_v)
        for j in range(CH // LANES):
            sl = pl.ds(j * LANES, LANES)
            idx_v[sl] = pid_v[sl] * TYPE_VOCAB + tid_v[sl]
        gcopy = pltpu.async_copy(c_hbm.at[idx_v], g_v, dsem)
        pltpu.sync_copy(x_hbm.at[pl.ds(off, CH)], x_v)
        gcopy.wait()

        def row_body(r, rcarry):
            zero = jnp.zeros((LANES,), jnp.float32)
            acc_s = [zero, zero, zero, zero]
            acc_q = [zero, zero, zero, zero]
            for j in range(NVEC):
                sl = pl.ds(j * LANES, LANES)
                v = x_v[r, sl] + g_v[r, sl]
                x_v[r, sl] = v
                acc_s[j % 4] = acc_s[j % 4] + v
                acc_q[j % 4] = acc_q[j % 4] + v * v
            s = (acc_s[0] + acc_s[1]) + (acc_s[2] + acc_s[3])
            q = (acc_q[0] + acc_q[1]) + (acc_q[2] + acc_q[3])
            lane = lax.iota(jnp.int32, LANES)
            for k in (8, 4, 2, 1):
                red_v[pl.ds(0, LANES)] = s
                red_v[pl.ds(LANES, LANES)] = q
                perm = lax.bitwise_xor(lane, k)
                s = s + plsc.load_gather(red_v, [perm])
                q = q + plsc.load_gather(red_v, [perm + LANES])
            m = s * (1.0 / D_MODEL)
            var = q * (1.0 / D_MODEL) - m * m
            vv = var + LN_EPS
            bits = plsc.bitcast(vv, jnp.int32)
            y = plsc.bitcast(
                jnp.full((LANES,), 0x5F3759DF, jnp.int32)
                - lax.shift_right_arithmetic(bits, 1),
                jnp.float32,
            )
            h = vv * 0.5
            for _ in range(4):
                y = y * (1.5 - h * y * y)
            for j in range(NVEC):
                sl = pl.ds(j * LANES, LANES)
                v = x_v[r, sl]
                x_v[r, sl] = (v - m) * y * gb_v[0, sl] + gb_v[1, sl]
            return rcarry

        lax.fori_loop(0, CH, row_body, 0)
        pltpu.sync_copy(x_v, out_hbm.at[pl.ds(off, CH)])
        return carry

    lax.fori_loop(0, NCHUNK, chunk_body, 0)


def _fused_body(x_ref, pid_ref, tid_ref, t_ref, g_ref, b_ref, o_ref):
    x = x_ref[...]
    pid = pid_ref[...]
    tid = tid_ref[...]
    iota = jax.lax.broadcasted_iota(jnp.int32, (BLK, TAB), 1)
    sel = ((iota == pid) | (iota == tid + TOK_OFF)).astype(jnp.float32)
    x = x + jnp.dot(sel, t_ref[...], preferred_element_type=jnp.float32)
    mean = jnp.mean(x, axis=1, keepdims=True)
    xc = x - mean
    var = jnp.mean(xc * xc, axis=1, keepdims=True)
    o_ref[...] = xc * (jax.lax.rsqrt(var + LN_EPS) * g_ref[...]) + b_ref[...]


@jax.jit
def kernel(token_type_ids, position_ids, inputs_embeds, W_pos, b_pos,
           W_tok, b_tok, ln_gamma, ln_beta):
    B, S, D = inputs_embeds.shape
    n = B * S
    x = inputs_embeds.reshape(n, D)
    pid = position_ids.reshape(n).astype(jnp.int32)
    tid = token_type_ids.reshape(n).astype(jnp.int32)

    ctab, ttab = pl.pallas_call(
        _proj_body,
        out_shape=(
            jax.ShapeDtypeStruct((CTAB, D_MODEL), jnp.float32),
            jax.ShapeDtypeStruct((TAB, D_MODEL), jnp.float32),
        ),
    )(
        jnp.asarray(_PE_POS), jnp.asarray(_PE_TOK),
        W_pos.T, b_pos.reshape(1, D_MODEL),
        W_tok.T, b_tok.reshape(1, D_MODEL),
        jnp.asarray(_R_EXP), jnp.asarray(_S_EXP),
    )

    n_tc = n - N_SC
    sc_blocks = N_SC // BLK
    out_tc = pl.pallas_call(
        _fused_body,
        grid=(n_tc // BLK,),
        in_specs=[
            pl.BlockSpec((BLK, D_MODEL), lambda i: (i + sc_blocks, 0)),
            pl.BlockSpec((BLK, 1), lambda i: (i + sc_blocks, 0)),
            pl.BlockSpec((BLK, 1), lambda i: (i + sc_blocks, 0)),
            pl.BlockSpec((TAB, D_MODEL), lambda i: (0, 0)),
            pl.BlockSpec((1, D_MODEL), lambda i: (0, 0)),
            pl.BlockSpec((1, D_MODEL), lambda i: (0, 0)),
        ],
        out_specs=pl.BlockSpec((BLK, D_MODEL), lambda i: (i, 0)),
        out_shape=jax.ShapeDtypeStruct((n_tc, D_MODEL), jnp.float32),
    )(
        x, pid.reshape(n, 1), tid.reshape(n, 1), ttab,
        ln_gamma.reshape(1, D_MODEL), ln_beta.reshape(1, D_MODEL),
    )

    mesh = plsc.VectorSubcoreMesh(
        core_axis_name="c", subcore_axis_name="s", num_cores=NC)
    sc = functools.partial(
        pl.kernel,
        mesh=mesh,
        compiler_params=pltpu.CompilerParams(needs_layout_passes=False),
        out_type=jax.ShapeDtypeStruct((N_SC, D), jnp.float32),
        scratch_types=[
            pltpu.VMEM((CH, D_MODEL), jnp.float32),
            pltpu.VMEM((CH, D_MODEL), jnp.float32),
            pltpu.VMEM((CH,), jnp.int32),
            pltpu.VMEM((CH,), jnp.int32),
            pltpu.VMEM((CH,), jnp.int32),
            pltpu.VMEM((2, D_MODEL), jnp.float32),
            pltpu.VMEM((2 * LANES,), jnp.float32),
            pltpu.SemaphoreType.DMA,
        ],
    )(_sc_body)
    out_sc = sc(x, pid, tid, ctab, ln_gamma, ln_beta)

    out = jnp.concatenate([out_sc, out_tc], axis=0)
    return out.reshape(B, S, D)

# --- scband reference (transcript-rebuilt; emitter-appended) ---
"""Pipeline reference for scband-bert-embeddings-sincos-35802847380187 (READ-ONLY COPY).

The authoritative reference and input builder live on the scoring server;
editing this copy changes nothing except your own understanding.
"""

import jax, jax.numpy as jnp
import numpy as np
import math

D_MODEL = 1024
POS_MAX = 300
TYPE_VOCAB = 4
LN_EPS = 1e-12


def make_pe(d_model, max_len):
    position = np.arange(max_len, dtype=np.float32)[:, None]
    div_term = np.exp(np.arange(0, d_model, 2, dtype=np.float32) * -(math.log(1000.0) / d_model))
    pe = np.zeros((max_len, d_model), dtype=np.float32)
    pe[:, 0::2] = np.sin(position * div_term)
    pe[:, 1::2] = np.cos(position * div_term)
    return jnp.asarray(pe)


def setup_inputs(seed: int = 0) -> dict:
    key = jax.random.key(seed)
    ks = jax.random.split(key, 8)
    B, S = 4, 4096
    token_type_ids = jax.random.randint(ks[0], (B, S), 0, TYPE_VOCAB, dtype=jnp.int64 if jax.config.jax_enable_x64 else jnp.int32)
    position_ids = jax.random.randint(ks[1], (B, S), 0, POS_MAX, dtype=jnp.int64 if jax.config.jax_enable_x64 else jnp.int32)
    inputs_embeds = jax.random.normal(ks[2], (B, S, D_MODEL), dtype=jnp.float32)
    scale = 1.0 / math.sqrt(D_MODEL)
    W_pos = jax.random.uniform(ks[3], (D_MODEL, D_MODEL), jnp.float32, -scale, scale)
    b_pos = jax.random.uniform(ks[4], (D_MODEL,), jnp.float32, -scale, scale)
    W_tok = jax.random.uniform(ks[5], (D_MODEL, D_MODEL), jnp.float32, -scale, scale)
    b_tok = jax.random.uniform(ks[6], (D_MODEL,), jnp.float32, -scale, scale)
    ln_gamma = jnp.ones((D_MODEL,), jnp.float32)
    ln_beta = jnp.zeros((D_MODEL,), jnp.float32)
    return {
        'token_type_ids': token_type_ids,
        'position_ids': position_ids,
        'inputs_embeds': inputs_embeds,
        'W_pos': W_pos, 'b_pos': b_pos,
        'W_tok': W_tok, 'b_tok': b_tok,
        'ln_gamma': ln_gamma, 'ln_beta': ln_beta,
    }


def reference(token_type_ids, position_ids, inputs_embeds, W_pos, b_pos, W_tok, b_tok, ln_gamma, ln_beta):
    pe_pos = make_pe(D_MODEL, POS_MAX)
    pe_tok = make_pe(D_MODEL, TYPE_VOCAB)
    # gather sin-cos position encodings, then linear projection (torch Linear: x @ W.T + b)
    position_embeddings = jnp.take(pe_pos, position_ids, axis=0)
    position_embeddings = position_embeddings @ W_pos.T + b_pos
    embeddings = inputs_embeds + position_embeddings
    stroke_embeddings = jnp.take(pe_tok, token_type_ids, axis=0)
    stroke_embeddings = stroke_embeddings @ W_tok.T + b_tok
    embeddings = embeddings + stroke_embeddings
    # LayerNorm (biased variance, as in torch)
    mean = jnp.mean(embeddings, axis=-1, keepdims=True)
    var = jnp.mean((embeddings - mean) ** 2, axis=-1, keepdims=True)
    embeddings = (embeddings - mean) / jnp.sqrt(var + LN_EPS) * ln_gamma + ln_beta
    # dropout p=0.0 -> identity
    return embeddings

if __name__ == "__main__":
    import jax
    _d = setup_inputs()
    print(jax.jit(kernel)(*tuple(_d.values())))

</pallas_src>

<mosaic_0001>
#map = affine_map<(d0, d1) -> (0, 0)>
#map1 = affine_map<(d0, d1) -> (0)>
module attributes {stable_mosaic.version = 14 : i64} {
  func.func @_sc_body(%arg0: i32, %arg1: i32, %arg2: memref<16384x1024xf32, #tpu.memory_space<hbm>>, %arg3: memref<16384xi32, #tpu.memory_space<hbm>>, %arg4: memref<16384xi32, #tpu.memory_space<hbm>>, %arg5: memref<1216x1024xf32, #tpu.memory_space<hbm>>, %arg6: memref<1024xf32, #tpu.memory_space<hbm>>, %arg7: memref<1024xf32, #tpu.memory_space<hbm>>, %arg8: memref<1024x1024xf32, #tpu.memory_space<hbm>>, %arg9: memref<32x1024xf32, #tpu.memory_space<vmem>>, %arg10: memref<32x1024xf32, #tpu.memory_space<vmem>>, %arg11: memref<32xi32, #tpu.memory_space<vmem>>, %arg12: memref<32xi32, #tpu.memory_space<vmem>>, %arg13: memref<32xi32, #tpu.memory_space<vmem>>, %arg14: memref<2x1024xf32, #tpu.memory_space<vmem>>, %arg15: memref<32xf32, #tpu.memory_space<vmem>>, %arg16: memref<!tpu.dma_semaphore, #tpu.memory_space<semaphore_mem>>) attributes {dimension_semantics = [#tpu.dimension_semantics<core_parallel>, #tpu.dimension_semantics<subcore_parallel>], iteration_bounds = array<i64: 1, 16>, scalar_prefetch = 0 : i64, scratch_operands = 8 : i64, tpu.core_type = #tpu.core_type<sc_vector_subcore>, window_params = [{transform_indices = #map}, {transform_indices = #map1}, {transform_indices = #map1}, {transform_indices = #map}, {transform_indices = #map1}, {transform_indices = #map1}, {transform_indices = #map}]} {
    %mul3A = arith.constant 1 : i32
    %mul3A_0 = arith.muli %arg1, %mul3A : i32
    %add3A = arith.addi %mul3A_0, %arg0 : i32
    %mul3A_1 = arith.constant 64 : i32
    %mul3A_2 = arith.muli %add3A, %mul3A_1 : i32
    %run_scoped3A = arith.constant 0 : i32
    "tpu.region"() ({
      %run_scoped3A_9 = tpu.sem_alloc : memref<!tpu.dma_semaphore, #tpu.memory_space<semaphore_mem>>
      %dma_start3A = arith.constant 0 : i32
      %dma_start3A_10 = tpu.memref_slice %arg14[%run_scoped3A, %dma_start3A] : memref<2x1024xf32, #tpu.memory_space<vmem>> -> memref<1x1024xf32, #tpu.memory_space<vmem>>
      %dma_start3A_11 = tpu.memref_squeeze %dma_start3A_10 : memref<1x1024xf32, #tpu.memory_space<vmem>> -> memref<1024xf32, #tpu.memory_space<vmem>>
      %dma_start3A_12 = arith.constant 0 : i32
      %dma_start3A_13 = tpu.memref_slice %arg14[%run_scoped3A, %dma_start3A_12] : memref<2x1024xf32, #tpu.memory_space<vmem>> -> memref<1x1024xf32, #tpu.memory_space<vmem>>
      %dma_start3A_14 = tpu.memref_squeeze %dma_start3A_13 : memref<1x1024xf32, #tpu.memory_space<vmem>> -> memref<1024xf32, #tpu.memory_space<vmem>>
      tpu.enqueue_dma source(%arg6 : memref<1024xf32, #tpu.memory_space<hbm>>) target(%dma_start3A_14 : memref<1024xf32, #tpu.memory_space<vmem>>) target_semaphore(%run_scoped3A_9 : memref<!tpu.dma_semaphore, #tpu.memory_space<semaphore_mem>>)
      %dma_wait3A = arith.constant 0 : i32
      %dma_wait3A_15 = tpu.memref_slice %arg14[%run_scoped3A, %dma_wait3A] : memref<2x1024xf32, #tpu.memory_space<vmem>> -> memref<1x1024xf32, #tpu.memory_space<vmem>>
      %dma_wait3A_16 = tpu.memref_squeeze %dma_wait3A_15 : memref<1x1024xf32, #tpu.memory_space<vmem>> -> memref<1024xf32, #tpu.memory_space<vmem>>
      %dma_wait3A_17 = arith.constant 0 : i32
      %dma_wait3A_18 = tpu.memref_slice %arg14[%run_scoped3A, %dma_wait3A_17] : memref<2x1024xf32, #tpu.memory_space<vmem>> -> memref<1x1024xf32, #tpu.memory_space<vmem>>
      %dma_wait3A_19 = tpu.memref_squeeze %dma_wait3A_18 : memref<1x1024xf32, #tpu.memory_space<vmem>> -> memref<1024xf32, #tpu.memory_space<vmem>>
      tpu.wait_dma2 semaphore(%run_scoped3A_9 : memref<!tpu.dma_semaphore, #tpu.memory_space<semaphore_mem>>) src(%arg6 : memref<1024xf32, #tpu.memory_space<hbm>>) dst(%dma_wait3A_19 : memref<1024xf32, #tpu.memory_space<vmem>>)
      tpu.yield
    }) : () -> ()
    %run_scoped3A_3 = arith.constant 1 : i32
    "tpu.region"() ({
      %run_scoped3A_9 = tpu.sem_alloc : memref<!tpu.dma_semaphore, #tpu.memory_space<semaphore_mem>>
      %dma_start3A = arith.constant 0 : i32
      %dma_start3A_10 = tpu.memref_slice %arg14[%run_scoped3A_3, %dma_start3A] : memref<2x1024xf32, #tpu.memory_space<vmem>> -> memref<1x1024xf32, #tpu.memory_space<vmem>>
      %dma_start3A_11 = tpu.memref_squeeze %dma_start3A_10 : memref<1x1024xf32, #tpu.memory_space<vmem>> -> memref<1024xf32, #tpu.memory_space<vmem>>
      %dma_start3A_12 = arith.constant 0 : i32
      %dma_start3A_13 = tpu.memref_slice %arg14[%run_scoped3A_3, %dma_start3A_12] : memref<2x1024xf32, #tpu.memory_space<vmem>> -> memref<1x1024xf32, #tpu.memory_space<vmem>>
      %dma_start3A_14 = tpu.memref_squeeze %dma_start3A_13 : memref<1x1024xf32, #tpu.memory_space<vmem>> -> memref<1024xf32, #tpu.memory_space<vmem>>
      tpu.enqueue_dma source(%arg7 : memref<1024xf32, #tpu.memory_space<hbm>>) target(%dma_start3A_14 : memref<1024xf32, #tpu.memory_space<vmem>>) target_semaphore(%run_scoped3A_9 : memref<!tpu.dma_semaphore, #tpu.memory_space<semaphore_mem>>)
      %dma_wait3A = arith.constant 0 : i32
      %dma_wait3A_15 = tpu.memref_slice %arg14[%run_scoped3A_3, %dma_wait3A] : memref<2x1024xf32, #tpu.memory_space<vmem>> -> memref<1x1024xf32, #tpu.memory_space<vmem>>
      %dma_wait3A_16 = tpu.memref_squeeze %dma_wait3A_15 : memref<1x1024xf32, #tpu.memory_space<vmem>> -> memref<1024xf32, #tpu.memory_space<vmem>>
      %dma_wait3A_17 = arith.constant 0 : i32
      %dma_wait3A_18 = tpu.memref_slice %arg14[%run_scoped3A_3, %dma_wait3A_17] : memref<2x1024xf32, #tpu.memory_space<vmem>> -> memref<1x1024xf32, #tpu.memory_space<vmem>>
      %dma_wait3A_19 = tpu.memref_squeeze %dma_wait3A_18 : memref<1x1024xf32, #tpu.memory_space<vmem>> -> memref<1024xf32, #tpu.memory_space<vmem>>
      tpu.wait_dma2 semaphore(%run_scoped3A_9 : memref<!tpu.dma_semaphore, #tpu.memory_space<semaphore_mem>>) src(%arg7 : memref<1024xf32, #tpu.memory_space<hbm>>) dst(%dma_wait3A_19 : memref<1024xf32, #tpu.memory_space<vmem>>)
      tpu.yield
    }) : () -> ()
    %scan3A = arith.constant 0 : i32
    %scan3A_4 = arith.constant 0 : i32
    %scan3A_5 = arith.constant 2 : i32
    %scan3A_6 = arith.addi %scan3A_4, %scan3A_5 : i32
    %scan3A_7 = arith.constant 1 : i32
    scf.for %scan3A_9 = %scan3A_4 to %scan3A_6 step %scan3A_7  : i32 {
      %mul3A_10 = arith.constant 32 : i32
      %mul3A_11 = arith.muli %scan3A_9, %mul3A_10 : i32
      %add3A_12 = arith.addi %mul3A_2, %mul3A_11 : i32
      "tpu.region"() ({
        %run_scoped3A_41 = tpu.sem_alloc : memref<!tpu.dma_semaphore, #tpu.memory_space<semaphore_mem>>
        %dma_start3A_42 = tpu.memref_slice %arg3[%add3A_12] : memref<16384xi32, #tpu.memory_space<hbm>> -> memref<32xi32, #tpu.memory_space<hbm>>
        %dma_start3A_43 = tpu.memref_slice %arg3[%add3A_12] : memref<16384xi32, #tpu.memory_space<hbm>> -> memref<32xi32, #tpu.memory_space<hbm>>
        tpu.enqueue_dma source(%dma_start3A_43 : memref<32xi32, #tpu.memory_space<hbm>>) target(%arg11 : memref<32xi32, #tpu.memory_space<vmem>>) target_semaphore(%run_scoped3A_41 : memref<!tpu.dma_semaphore, #tpu.memory_space<semaphore_mem>>)
        %dma_wait3A_44 = tpu.memref_slice %arg3[%add3A_12] : memref<16384xi32, #tpu.memory_space<hbm>> -> memref<32xi32, #tpu.memory_space<hbm>>
        %dma_wait3A_45 = tpu.memref_slice %arg3[%add3A_12] : memref<16384xi32, #tpu.memory_space<hbm>> -> memref<32xi32, #tpu.memory_space<hbm>>
        tpu.wait_dma2 semaphore(%run_scoped3A_41 : memref<!tpu.dma_semaphore, #tpu.memory_space<semaphore_mem>>) src(%dma_wait3A_45 : memref<32xi32, #tpu.memory_space<hbm>>) dst(%arg11 : memref<32xi32, #tpu.memory_space<vmem>>)
        tpu.yield
      }) : () -> ()
      "tpu.region"() ({
        %run_scoped3A_41 = tpu.sem_alloc : memref<!tpu.dma_semaphore, #tpu.memory_space<semaphore_mem>>
        %dma_start3A_42 = tpu.memref_slice %arg4[%add3A_12] : memref<16384xi32, #tpu.memory_space<hbm>> -> memref<32xi32, #tpu.memory_space<hbm>>
        %dma_start3A_43 = tpu.memref_slice %arg4[%add3A_12] : memref<16384xi32, #tpu.memory_space<hbm>> -> memref<32xi32, #tpu.memory_space<hbm>>
        tpu.enqueue_dma source(%dma_start3A_43 : memref<32xi32, #tpu.memory_space<hbm>>) target(%arg12 : memref<32xi32, #tpu.memory_space<vmem>>) target_semaphore(%run_scoped3A_41 : memref<!tpu.dma_semaphore, #tpu.memory_space<semaphore_mem>>)
        %dma_wait3A_44 = tpu.memref_slice %arg4[%add3A_12] : memref<16384xi32, #tpu.memory_space<hbm>> -> memref<32xi32, #tpu.memory_space<hbm>>
        %dma_wait3A_45 = tpu.memref_slice %arg4[%add3A_12] : memref<16384xi32, #tpu.memory_space<hbm>> -> memref<32xi32, #tpu.memory_space<hbm>>
        tpu.wait_dma2 semaphore(%run_scoped3A_41 : memref<!tpu.dma_semaphore, #tpu.memory_space<semaphore_mem>>) src(%dma_wait3A_45 : memref<32xi32, #tpu.memory_space<hbm>>) dst(%arg12 : memref<32xi32, #tpu.memory_space<vmem>>)
        tpu.yield
      }) : () -> ()
      %get3A = arith.constant 0 : index
      %get3A_13 = tpu.vector_load %arg11[%get3A] {strides = array<i32>} : memref<32xi32, #tpu.memory_space<vmem>>, vector<16xi32>,
      %mul3A_14 = arith.constant 4 : i32
      %mul3A_15 = vector.broadcast %mul3A_14 : i32 to vector<16xi32>
      %mul3A_16 = arith.muli %get3A_13, %mul3A_15 : vector<16xi32>
      %get3A_17 = arith.constant 0 : index
      %get3A_18 = tpu.vector_load %arg12[%get3A_17] {strides = array<i32>} : memref<32xi32, #tpu.memory_space<vmem>>, vector<16xi32>,
      %add3A_19 = arith.addi %mul3A_16, %get3A_18 : vector<16xi32>
      %swap3A = arith.constant 0 : index
      %swap3A_20 = tpu.vector_load %arg13[%swap3A] {strides = array<i32>} : memref<32xi32, #tpu.memory_space<vmem>>, vector<16xi32>,
      tpu.vector_store %arg13[%swap3A], %add3A_19 {strides = array<i32>} : memref<32xi32, #tpu.memory_space<vmem>>, vector<16xi32>,
      %get3A_21 = arith.constant 16 : index
      %get3A_22 = tpu.vector_load %arg11[%get3A_21] {strides = array<i32>} : memref<32xi32, #tpu.memory_space<vmem>>, vector<16xi32>,
      %mul3A_23 = arith.constant 4 : i32
      %mul3A_24 = vector.broadcast %mul3A_23 : i32 to vector<16xi32>
      %mul3A_25 = arith.muli %get3A_22, %mul3A_24 : vector<16xi32>
      %get3A_26 = arith.constant 16 : index
      %get3A_27 = tpu.vector_load %arg12[%get3A_26] {strides = array<i32>} : memref<32xi32, #tpu.memory_space<vmem>>, vector<16xi32>,
      %add3A_28 = arith.addi %mul3A_25, %get3A_27 : vector<16xi32>
      %swap3A_29 = arith.constant 16 : index
      %swap3A_30 = tpu.vector_load %arg13[%swap3A_29] {strides = array<i32>} : memref<32xi32, #tpu.memory_space<vmem>>, vector<16xi32>,
      tpu.vector_store %arg13[%swap3A_29], %add3A_28 {strides = array<i32>} : memref<32xi32, #tpu.memory_space<vmem>>, vector<16xi32>,
      %dma_start3A = arith.constant 0 : i32
      %dma_start3A_31 = arith.constant 0 : i32
      %dma_start3A_32 = tpu.memref_slice %arg5[%dma_start3A, %dma_start3A_31] : memref<1216x1024xf32, #tpu.memory_space<hbm>> -> memref<1216x1024xf32, #tpu.memory_space<hbm>>
      tpu.enqueue_indirect_dma source(%dma_start3A_32 : memref<1216x1024xf32, #tpu.memory_space<hbm>>) target(%arg10 : memref<32x1024xf32, #tpu.memory_space<vmem>>) offsets(%arg13 : memref<32xi32, #tpu.memory_space<vmem>>) semaphore(%arg16 : memref<!tpu.dma_semaphore, #tpu.memory_space<semaphore_mem>>)
      "tpu.region"() ({
        %run_scoped3A_41 = tpu.sem_alloc : memref<!tpu.dma_semaphore, #tpu.memory_space<semaphore_mem>>
        %dma_start3A_42 = arith.constant 0 : i32
        %dma_start3A_43 = tpu.memref_slice %arg2[%add3A_12, %dma_start3A_42] : memref<16384x1024xf32, #tpu.memory_space<hbm>> -> memref<32x1024xf32, #tpu.memory_space<hbm>>
        %dma_start3A_44 = arith.constant 0 : i32
        %dma_start3A_45 = tpu.memref_slice %arg2[%add3A_12, %dma_start3A_44] : memref<16384x1024xf32, #tpu.memory_space<hbm>> -> memref<32x1024xf32, #tpu.memory_space<hbm>>
        tpu.enqueue_dma source(%dma_start3A_45 : memref<32x1024xf32, #tpu.memory_space<hbm>>) target(%arg9 : memref<32x1024xf32, #tpu.memory_space<vmem>>) target_semaphore(%run_scoped3A_41 : memref<!tpu.dma_semaphore, #tpu.memory_space<semaphore_mem>>)
        %dma_wait3A_46 = arith.constant 0 : i32
        %dma_wait3A_47 = tpu.memref_slice %arg2[%add3A_12, %dma_wait3A_46] : memref<16384x1024xf32, #tpu.memory_space<hbm>> -> memref<32x1024xf32, #tpu.memory_space<hbm>>
        %dma_wait3A_48 = arith.constant 0 : i32
        %dma_wait3A_49 = tpu.memref_slice %arg2[%add3A_12, %dma_wait3A_48] : memref<16384x1024xf32, #tpu.memory_space<hbm>> -> memref<32x1024xf32, #tpu.memory_space<hbm>>
        tpu.wait_dma2 semaphore(%run_scoped3A_41 : memref<!tpu.dma_semaphore, #tpu.memory_space<semaphore_mem>>) src(%dma_wait3A_49 : memref<32x1024xf32, #tpu.memory_space<hbm>>) dst(%arg9 : memref<32x1024xf32, #tpu.memory_space<vmem>>)
        tpu.yield
      }) : () -> ()
      %dma_wait3A = arith.constant 0 : i32
      %dma_wait3A_33 = arith.constant 0 : i32
      %dma_wait3A_34 = tpu.memref_slice %arg5[%dma_wait3A, %dma_wait3A_33] : memref<1216x1024xf32, #tpu.memory_space<hbm>> -> memref<1216x1024xf32, #tpu.memory_space<hbm>>
      tpu.wait_indirect_dma semaphore(%arg16 : memref<!tpu.dma_semaphore, #tpu.memory_space<semaphore_mem>>) src(%dma_wait3A_34 : memref<1216x1024xf32, #tpu.memory_space<hbm>>) dst(%arg10 : memref<32x1024xf32, #tpu.memory_space<vmem>>)
      %scan3A_35 = arith.constant 0 : i32
      %scan3A_36 = arith.constant 0 : i32
      %scan3A_37 = arith.constant 32 : i32
      %scan3A_38 = arith.addi %scan3A_36, %scan3A_37 : i32
      %scan3A_39 = arith.constant 1 : i32
      scf.for %scan3A_41 = %scan3A_36 to %scan3A_38 step %scan3A_39  : i32 {
        %broadcast_in_dim3A = arith.constant 0.000000e+00 : f32
        %broadcast_in_dim3A_42 = vector.broadcast %broadcast_in_dim3A : f32 to vector<16xf32>
        %get3A_43 = arith.index_cast %scan3A_41 : i32 to index
        %get3A_44 = arith.constant 0 : index
        %get3A_45 = tpu.vector_load %arg9[%get3A_43, %get3A_44] {strides = array<i32>} : memref<32x1024xf32, #tpu.memory_space<vmem>>, vector<16xf32>,
        %get3A_46 = arith.index_cast %scan3A_41 : i32 to index
        %get3A_47 = arith.constant 0 : index
        %get3A_48 = tpu.vector_load %arg10[%get3A_46, %get3A_47] {strides = array<i32>} : memref<32x1024xf32, #tpu.memory_space<vmem>>, vector<16xf32>,
        %add3A_49 = arith.addf %get3A_45, %get3A_48 : vector<16xf32>
        %swap3A_50 = arith.index_cast %scan3A_41 : i32 to index
        %swap3A_51 = arith.constant 0 : index
        %swap3A_52 = tpu.vector_load %arg9[%swap3A_50, %swap3A_51] {strides = array<i32>} : memref<32x1024xf32, #tpu.memory_space<vmem>>, vector<16xf32>,
        tpu.vector_store %arg9[%swap3A_50, %swap3A_51], %add3A_49 {strides = array<i32>} : memref<32x1024xf32, #tpu.memory_space<vmem>>, vector<16xf32>,
        %add3A_53 = arith.addf %broadcast_in_dim3A_42, %add3A_49 : vector<16xf32>
        %mul3A_54 = arith.mulf %add3A_49, %add3A_49 : vector<16xf32>
        %add3A_55 = arith.addf %broadcast_in_dim3A_42, %mul3A_54 : vector<16xf32>
        %get3A_56 = arith.index_cast %scan3A_41 : i32 to index
        %get3A_57 = arith.constant 16 : index
        %get3A_58 = tpu.vector_load %arg9[%get3A_56, %get3A_57] {strides = array<i32>} : memref<32x1024xf32, #tpu.memory_space<vmem>>, vector<16xf32>,
        %get3A_59 = arith.index_cast %scan3A_41 : i32 to index
        %get3A_60 = arith.constant 16 : index
        %get3A_61 = tpu.vector_load %arg10[%get3A_59, %get3A_60] {strides = array<i32>} : memref<32x1024xf32, #tpu.memory_space<vmem>>, vector<16xf32>,
        %add3A_62 = arith.addf %get3A_58, %get3A_61 : vector<16xf32>
        %swap3A_63 = arith.index_cast %scan3A_41 : i32 to index
        %swap3A_64 = arith.constant 16 : index
        %swap3A_65 = tpu.vector_load %arg9[%swap3A_63, %swap3A_64] {strides = array<i32>} : memref<32x1024xf32, #tpu.memory_space<vmem>>, vector<16xf32>,
        tpu.vector_store %arg9[%swap3A_63, %swap3A_64], %add3A_62 {strides = array<i32>} : memref<32x1024xf32, #tpu.memory_space<vmem>>, vector<16xf32>,
        %add3A_66 = arith.addf %broadcast_in_dim3A_42, %add3A_62 : vector<16xf32>
        %mul3A_67 = arith.mulf %add3A_62, %add3A_62 : vector<16xf32>
        %add3A_68 = arith.addf %broadcast_in_dim3A_42, %mul3A_67 : vector<16xf32>
        %get3A_69 = arith.index_cast %scan3A_41 : i32 to index
        %get3A_70 = arith.constant 32 : index
        %get3A_71 = tpu.vector_load %arg9[%get3A_69, %get3A_70] {strides = array<i32>} : memref<32x1024xf32, #tpu.memory_space<vmem>>, vector<16xf32>,
        %get3A_72 = arith.index_cast %scan3A_41 : i32 to index
        %get3A_73 = arith.constant 32 : index
        %get3A_74 = tpu.vector_load %arg10[%get3A_72, %get3A_73] {strides = array<i32>} : memref<32x1024xf32, #tpu.memory_space<vmem>>, vector<16xf32>,
        %add3A_75 = arith.addf %get3A_71, %get3A_74 : vector<16xf32>
        %swap3A_76 = arith.index_cast %scan3A_41 : i32 to index
        %swap3A_77 = arith.constant 32 : index
        %swap3A_78 = tpu.vector_load %arg9[%swap3A_76, %swap3A_77] {strides = array<i32>} : memref<32x1024xf32, #tpu.memory_space<vmem>>, vector<16xf32>,
        tpu.vector_store %arg9[%swap3A_76, %swap3A_77], %add3A_75 {strides = array<i32>} : memref<32x1024xf32, #tpu.memory_space<vmem>>, vector<16xf32>,
        %add3A_79 = arith.addf %broadcast_in_dim3A_42, %add3A_75 : vector<16xf32>
        %mul3A_80 = arith.mulf %add3A_75, %add3A_75 : vector<16xf32>
        %add3A_81 = arith.addf %broadcast_in_dim3A_42, %mul3A_80 : vector<16xf32>
        %get3A_82 = arith.index_cast %scan3A_41 : i32 to index
        %get3A_83 = arith.constant 48 : index
        %get3A_84 = tpu.vector_load %arg9[%get3A_82, %get3A_83] {strides = array<i32>} : memref<32x1024xf32, #tpu.memory_space<vmem>>, vector<16xf32>,
        %get3A_85 = arith.index_cast %scan3A_41 : i32 to index
        %get3A_86 = arith.constant 48 : index
        %get3A_87 = tpu.vector_load %arg10[%get3A_85, %get3A_86] {strides = array<i32>} : memref<32x1024xf32, #tpu.memory_space<vmem>>, vector<16xf32>,
        %add3A_88 = arith.addf %get3A_84, %get3A_87 : vector<16xf32>
        %swap3A_89 = arith.index_cast %scan3A_41 : i32 to index
        %swap3A_90 = arith.constant 48 : index
        %swap3A_91 = tpu.vector_load %arg9[%swap3A_89, %swap3A_90] {strides = array<i32>} : memref<32x1024xf32, #tpu.memory_space<vmem>>, vector<16xf32>,
        tpu.vector_store %arg9[%swap3A_89, %swap3A_90], %add3A_88 {strides = array<i32>} : memref<32x1024xf32, #tpu.memory_space<vmem>>, vector<16xf32>,
        %add3A_92 = arith.addf %broadcast_in_dim3A_42, %add3A_88 : vector<16xf32>
        %mul3A_93 = arith.mulf %add3A_88, %add3A_88 : vector<16xf32>
        %add3A_94 = arith.addf %broadcast_in_dim3A_42, %mul3A_93 : vector<16xf32>
        %get3A_95 = arith.index_cast %scan3A_41 : i32 to index
        %get3A_96 = arith.constant 64 : index
        %get3A_97 = tpu.vector_load %arg9[%get3A_95, %get3A_96] {strides = array<i32>} : memref<32x1024xf32, #tpu.memory_space<vmem>>, vector<16xf32>,
        %get3A_98 = arith.index_cast %scan3A_41 : i32 to index
        %get3A_99 = arith.constant 64 : index
        %get3A_100 = tpu.vector_load %arg10[%get3A_98, %get3A_99] {strides = array<i32>} : memref<32x1024xf32, #tpu.memory_space<vmem>>, vector<16xf32>,
        %add3A_101 = arith.addf %get3A_97, %get3A_100 : vector<16xf32>
        %swap3A_102 = arith.index_cast %scan3A_41 : i32 to index
        %swap3A_103 = arith.constant 64 : index
        %swap3A_104 = tpu.vector_load %arg9[%swap3A_102, %swap3A_103] {strides = array<i32>} : memref<32x1024xf32, #tpu.memory_space<vmem>>, vector<16xf32>,
        tpu.vector_store %arg9[%swap3A_102, %swap3A_103], %add3A_101 {strides = array<i32>} : memref<32x1024xf32, #tpu.memory_space<vmem>>, vector<16xf32>,
        %add3A_105 = arith.addf %add3A_53, %add3A_101 : vector<16xf32>
        %mul3A_106 = arith.mulf %add3A_101, %add3A_101 : vector<16xf32>
        %add3A_107 = arith.addf %add3A_55, %mul3A_106 : vector<16xf32>
        %get3A_108 = arith.index_cast %scan3A_41 : i32 to index
        %get3A_109 = arith.constant 80 : index
        %get3A_110 = tpu.vector_load %arg9[%get3A_108, %get3A_109] {strides = array<i32>} : memref<32x1024xf32, #tpu.memory_space<vmem>>, vector<16xf32>,
        %get3A_111 = arith.index_cast %scan3A_41 : i32 to index
        %get3A_112 = arith.constant 80 : index
        %get3A_113 = tpu.vector_load %arg10[%get3A_111, %get3A_112] {strides = array<i32>} : memref<32x1024xf32, #tpu.memory_space<vmem>>, vector<16xf32>,
        %add3A_114 = arith.addf %get3A_110, %get3A_113 : vector<16xf32>
        %swap3A_115 = arith.index_cast %scan3A_41 : i32 to index
        %swap3A_116 = arith.constant 80 : index
        %swap3A_117 = tpu.vector_load %arg9[%swap3A_115, %swap3A_116] {strides = array<i32>} : memref<32x1024xf32, #tpu.memory_space<vmem>>, vector<16xf32>,
        tpu.vector_store %arg9[%swap3A_115, %swap3A_116], %add3A_114 {strides = array<i32>} : memref<32x1024xf32, #tpu.memory_space<vmem>>, vector<16xf32>,
        %add3A_118 = arith.addf %add3A_66, %add3A_114 : vector<16xf32>
        %mul3A_119 = arith.mulf %add3A_114, %add3A_114 : vector<16xf32>
        %add3A_120 = arith.addf %add3A_68, %mul3A_119 : vector<16xf32>
        %get3A_121 = arith.index_cast %scan3A_41 : i32 to index
        %get3A_122 = arith.constant 96 : index
        %get3A_123 = tpu.vector_load %arg9[%get3A_121, %get3A_122] {strides = array<i32>} : memref<32x1024xf32, #tpu.memory_space<vmem>>, vector<16xf32>,
        %get3A_124 = arith.index_cast %scan3A_41 : i32 to index
        %get3A_125 = arith.constant 96 : index
        %get3A_126 = tpu.vector_load %arg10[%get3A_124, %get3A_125] {strides = array<i32>} : memref<32x1024xf32, #tpu.memory_space<vmem>>, vector<16xf32>,
        %add3A_127 = arith.addf %get3A_123, %get3A_126 : vector<16xf32>
        %swap3A_128 = arith.index_cast %scan3A_41 : i32 to index
        %swap3A_129 = arith.constant 96 : index
        %swap3A_130 = tpu.vector_load %arg9[%swap3A_128, %swap3A_129] {strides = array<i32>} : memref<32x1024xf32, #tpu.memory_space<vmem>>, vector<16xf32>,
        tpu.vector_store %arg9[%swap3A_128, %swap3A_129], %add3A_127 {strides = array<i32>} : memref<32x1024xf32, #tpu.memory_space<vmem>>, vector<16xf32>,
        %add3A_131 = arith.addf %add3A_79, %add3A_127 : vector<16xf32>
        %mul3A_132 = arith.mulf %add3A_127, %add3A_127 : vector<16xf32>
        %add3A_133 = arith.addf %add3A_81, %mul3A_132 : vector<16xf32>
        %get3A_134 = arith.index_cast %scan3A_41 : i32 to index
        %get3A_135 = arith.constant 112 : index
        %get3A_136 = tpu.vector_load %arg9[%get3A_134, %get3A_135] {strides = array<i32>} : memref<32x1024xf32, #tpu.memory_space<vmem>>, vector<16xf32>,
        %get3A_137 = arith.index_cast %scan3A_41 : i32 to index
        %get3A_138 = arith.constant 112 : index
        %get3A_139 = tpu.vector_load %arg10[%get3A_137, %get3A_138] {strides = array<i32>} : memref<32x1024xf32, #tpu.memory_space<vmem>>, vector<16xf32>,
        %add3A_140 = arith.addf %get3A_136, %get3A_139 : vector<16xf32>
        %swap3A_141 = arith.index_cast %scan3A_41 : i32 to index
        %swap3A_142 = arith.constant 112 : index
        %swap3A_143 = tpu.vector_load %arg9[%swap3A_141, %swap3A_142] {strides = array<i32>} : memref<32x1024xf32, #tpu.memory_space<vmem>>, vector<16xf32>,
        tpu.vector_store %arg9[%swap3A_141, %swap3A_142], %add3A_140 {strides = array<i32>} : memref<32x1024xf32, #tpu.memory_space<vmem>>, vector<16xf32>,
        %add3A_144 = arith.addf %add3A_92, %add3A_140 : vector<16xf32>
        %mul3A_145 = arith.mulf %add3A_140, %add3A_140 : vector<16xf32>
        %add3A_146 = arith.addf %add3A_94, %mul3A_145 : vector<16xf32>
        %get3A_147 = arith.index_cast %scan3A_41 : i32 to index
        %get3A_148 = arith.constant 128 : index
        %get3A_149 = tpu.vector_load %arg9[%get3A_147, %get3A_148] {strides = array<i32>} : memref<32x1024xf32, #tpu.memory_space<vmem>>, vector<16xf32>,
        %get3A_150 = arith.index_cast %scan3A_41 : i32 to index
        %get3A_151 = arith.constant 128 : index
        %get3A_152 = tpu.vector_load %arg10[%get3A_150, %get3A_151] {strides = array<i32>} : memref<32x1024xf32, #tpu.memory_space<vmem>>, vector<16xf32>,
        %add3A_153 = arith.addf %get3A_149, %get3A_152 : vector<16xf32>
        %swap3A_154 = arith.index_cast %scan3A_41 : i32 to index
        %swap3A_155 = arith.constant 128 : index
        %swap3A_156 = tpu.vector_load %arg9[%swap3A_154, %swap3A_155] {strides = array<i32>} : memref<32x1024xf32, #tpu.memory_space<vmem>>, vector<16xf32>,
        tpu.vector_store %arg9[%swap3A_154, %swap3A_155], %add3A_153 {strides = array<i32>} : memref<32x1024xf32, #tpu.memory_space<vmem>>, vector<16xf32>,
        %add3A_157 = arith.addf %add3A_105, %add3A_153 : vector<16xf32>
        %mul3A_158 = arith.mulf %add3A_153, %add3A_153 : vector<16xf32>
        %add3A_159 = arith.addf %add3A_107, %mul3A_158 : vector<16xf32>
        %get3A_160 = arith.index_cast %scan3A_41 : i32 to index
        %get3A_161 = arith.constant 144 : index
        %get3A_162 = tpu.vector_load %arg9[%get3A_160, %get3A_161] {strides = array<i32>} : memref<32x1024xf32, #tpu.memory_space<vmem>>, vector<16xf32>,
        %get3A_163 = arith.index_cast %scan3A_41 : i32 to index
        %get3A_164 = arith.constant 144 : index
        %get3A_165 = tpu.vector_load %arg10[%get3A_163, %get3A_164] {strides = array<i32>} : memref<32x1024xf32, #tpu.memory_space<vmem>>, vector<16xf32>,
        %add3A_166 = arith.addf %get3A_162, %get3A_165 : vector<16xf32>
        %swap3A_167 = arith.index_cast %scan3A_41 : i32 to index
        %swap3A_168 = arith.constant 144 : index
        %swap3A_169 = tpu.vector_load %arg9[%swap3A_167, %swap3A_168] {strides = array<i32>} : memref<32x1024xf32, #tpu.memory_space<vmem>>, vector<16xf32>,
        tpu.vector_store %arg9[%swap3A_167, %swap3A_168], %add3A_166 {strides = array<i32>} : memref<32x1024xf32, #tpu.memory_space<vmem>>, vector<16xf32>,
        %add3A_170 = arith.addf %add3A_118, %add3A_166 : vector<16xf32>
        %mul3A_171 = arith.mulf %add3A_166, %add3A_166 : vector<16xf32>
        %add3A_172 = arith.addf %add3A_120, %mul3A_171 : vector<16xf32>
        %get3A_173 = arith.index_cast %scan3A_41 : i32 to index
        %get3A_174 = arith.constant 160 : index
        %get3A_175 = tpu.vector_load %arg9[%get3A_173, %get3A_174] {strides = array<i32>} : memref<32x1024xf32, #tpu.memory_space<vmem>>, vector<16xf32>,
        %get3A_176 = arith.index_cast %scan3A_41 : i32 to index
        %get3A_177 = arith.constant 160 : index
        %get3A_178 = tpu.vector_load %arg10[%get3A_176, %get3A_177] {strides = array<i32>} : memref<32x1024xf32, #tpu.memory_space<vmem>>, vector<16xf32>,
        %add3A_179 = arith.addf %get3A_175, %get3A_178 : vector<16xf32>
        %swap3A_180 = arith.index_cast %scan3A_41 : i32 to index
        %swap3A_181 = arith.constant 160 : index
        %swap3A_182 = tpu.vector_load %arg9[%swap3A_180, %swap3A_181] {strides = array<i32>} : memref<32x1024xf32, #tpu.memory_space<vmem>>, vector<16xf32>,
        tpu.vector_store %arg9[%swap3A_180, %swap3A_181], %add3A_179 {strides = array<i32>} : memref<32x1024xf32, #tpu.memory_space<vmem>>, vector<16xf32>,
        %add3A_183 = arith.addf %add3A_131, %add3A_179 : vector<16xf32>
        %mul3A_184 = arith.mulf %add3A_179, %add3A_179 : vector<16xf32>
        %add3A_185 = arith.addf %add3A_133, %mul3A_184 : vector<16xf32>
        %get3A_186 = arith.index_cast %scan3A_41 : i32 to index
        %get3A_187 = arith.constant 176 : index
        %get3A_188 = tpu.vector_load %arg9[%get3A_186, %get3A_187] {strides = array<i32>} : memref<32x1024xf32, #tpu.memory_space<vmem>>, vector<16xf32>,
        %get3A_189 = arith.index_cast %scan3A_41 : i32 to index
        %get3A_190 = arith.constant 176 : index
        %get3A_191 = tpu.vector_load %arg10[%get3A_189, %get3A_190] {strides = array<i32>} : memref<32x1024xf32, #tpu.memory_space<vmem>>, vector<16xf32>,
        %add3A_192 = arith.addf %get3A_188, %get3A_191 : vector<16xf32>
        %swap3A_193 = arith.index_cast %scan3A_41 : i32 to index
        %swap3A_194 = arith.constant 176 : index
        %swap3A_195 = tpu.vector_load %arg9[%swap3A_193, %swap3A_194] {strides = array<i32>} : memref<32x1024xf32, #tpu.memory_space<vmem>>, vector<16xf32>,
        tpu.vector_store %arg9[%swap3A_193, %swap3A_194], %add3A_192 {strides = array<i32>} : memref<32x1024xf32, #tpu.memory_space<vmem>>, vector<16xf32>,
        %add3A_196 = arith.addf %add3A_144, %add3A_192 : vector<16xf32>
        %mul3A_197 = arith.mulf %add3A_192, %add3A_192 : vector<16xf32>
        %add3A_198 = arith.addf %add3A_146, %mul3A_197 : vector<16xf32>
        %get3A_199 = arith.index_cast %scan3A_41 : i32 to index
        %get3A_200 = arith.constant 192 : index
        %get3A_201 = tpu.vector_load %arg9[%get3A_199, %get3A_200] {strides = array<i32>} : memref<32x1024xf32, #tpu.memory_space<vmem>>, vector<16xf32>,
        %get3A_202 = arith.index_cast %scan3A_41 : i32 to index
        %get3A_203 = arith.constant 192 : index
        %get3A_204 = tpu.vector_load %arg10[%get3A_202, %get3A_203] {strides = array<i32>} : memref<32x1024xf32, #tpu.memory_space<vmem>>, vector<16xf32>,
        %add3A_205 = arith.addf %get3A_201, %get3A_204 : vector<16xf32>
        %swap3A_206 = arith.index_cast %scan3A_41 : i32 to index
        %swap3A_207 = arith.constant 192 : index
        %swap3A_208 = tpu.vector_load %arg9[%swap3A_206, %swap3A_207] {strides = array<i32>} : memref<32x1024xf32, #tpu.memory_space<vmem>>, vector<16xf32>,
        tpu.vector_store %arg9[%swap3A_206, %swap3A_207], %add3A_205 {strides = array<i32>} : memref<32x1024xf32, #tpu.memory_space<vmem>>, vector<16xf32>,
        %add3A_209 = arith.addf %add3A_157, %add3A_205 : vector<16xf32>
        %mul3A_210 = arith.mulf %add3A_205, %add3A_205 : vector<16xf32>
        %add3A_211 = arith.addf %add3A_159, %mul3A_210 : vector<16xf32>
        %get3A_212 = arith.index_cast %scan3A_41 : i32 to index
        %get3A_213 = arith.constant 208 : index
        %get3A_214 = tpu.vector_load %arg9[%get3A_212, %get3A_213] {strides = array<i32>} : memref<32x1024xf32, #tpu.memory_space<vmem>>, vector<16xf32>,
        %get3A_215 = arith.index_cast %scan3A_41 : i32 to index
        %get3A_216 = arith.constant 208 : index
        %get3A_217 = tpu.vector_load %arg10[%get3A_215, %get3A_216] {strides = array<i32>} : memref<32x1024xf32, #tpu.memory_space<vmem>>, vector<16xf32>,
        %add3A_218 = arith.addf %get3A_214, %get3A_217 : vector<16xf32>
        %swap3A_219 = arith.index_cast %scan3A_41 : i32 to index
        %swap3A_220 = arith.constant 208 : index
        %swap3A_221 = tpu.vector_load %arg9[%swap3A_219, %swap3A_220] {strides = array<i32>} : memref<32x1024xf32, #tpu.memory_space<vmem>>, vector<16xf32>,
        tpu.vector_store %arg9[%swap3A_219, %swap3A_220], %add3A_218 {strides = array<i32>} : memref<32x1024xf32, #tpu.memory_space<vmem>>, vector<16xf32>,
        %add3A_222 = arith.addf %add3A_170, %add3A_218 : vector<16xf32>
        %mul3A_223 = arith.mulf %add3A_218, %add3A_218 : vector<16xf32>
        %add3A_224 = arith.addf %add3A_172, %mul3A_223 : vector<16xf32>
        %get3A_225 = arith.index_cast %scan3A_41 : i32 to index
        %get3A_226 = arith.constant 224 : index
        %get3A_227 = tpu.vector_load %arg9[%get3A_225, %get3A_226] {strides = array<i32>} : memref<32x1024xf32, #tpu.memory_space<vmem>>, vector<16xf32>,
        %get3A_228 = arith.index_cast %scan3A_41 : i32 to index
        %get3A_229 = arith.constant 224 : index
        %get3A_230 = tpu.vector_load %arg10[%get3A_228, %get3A_229] {strides = array<i32>} : memref<32x1024xf32, #tpu.memory_space<vmem>>, vector<16xf32>,
        %add3A_231 = arith.addf %get3A_227, %get3A_230 : vector<16xf32>
        %swap3A_232 = arith.index_cast %scan3A_41 : i32 to index
        %swap3A_233 = arith.constant 224 : index
        %swap3A_234 = tpu.vector_load %arg9[%swap3A_232, %swap3A_233] {strides = array<i32>} : memref<32x1024xf32, #tpu.memory_space<vmem>>, vector<16xf32>,
        tpu.vector_store %arg9[%swap3A_232, %swap3A_233], %add3A_231 {strides = array<i32>} : memref<32x1024xf32, #tpu.memory_space<vmem>>, vector<16xf32>,
        %add3A_235 = arith.addf %add3A_183, %add3A_231 : vector<16xf32>
        %mul3A_236 = arith.mulf %add3A_231, %add3A_231 : vector<16xf32>
        %add3A_237 = arith.addf %add3A_185, %mul3A_236 : vector<16xf32>
        %get3A_238 = arith.index_cast %scan3A_41 : i32 to index
        %get3A_239 = arith.constant 240 : index
        %get3A_240 = tpu.vector_load %arg9[%get3A_238, %get3A_239] {strides = array<i32>} : memref<32x1024xf32, #tpu.memory_space<vmem>>, vector<16xf32>,
        %get3A_241 = arith.index_cast %scan3A_41 : i32 to index
        %get3A_242 = arith.constant 240 : index
        %get3A_243 = tpu.vector_load %arg10[%get3A_241, %get3A_242] {strides = array<i32>} : memref<32x1024xf32, #tpu.memory_space<vmem>>, vector<16xf32>,
        %add3A_244 = arith.addf %get3A_240, %get3A_243 : vector<16xf32>
        %swap3A_245 = arith.index_cast %scan3A_41 : i32 to index
        %swap3A_246 = arith.constant 240 : index
        %swap3A_247 = tpu.vector_load %arg9[%swap3A_245, %swap3A_246] {strides = array<i32>} : memref<32x1024xf32, #tpu.memory_space<vmem>>, vector<16xf32>,
        tpu.vector_store %arg9[%swap3A_245, %swap3A_246], %add3A_244 {strides = array<i32>} : memref<32x1024xf32, #tpu.memory_space<vmem>>, vector<16xf32>,
        %add3A_248 = arith.addf %add3A_196, %add3A_244 : vector<16xf32>
        %mul3A_249 = arith.mulf %add3A_244, %add3A_244 : vector<16xf32>
        %add3A_250 = arith.addf %add3A_198, %mul3A_249 : vector<16xf32>
        %get3A_251 = arith.index_cast %scan3A_41 : i32 to index
        %get3A_252 = arith.constant 256 : index
        %get3A_253 = tpu.vector_load %arg9[%get3A_251, %get3A_252] {strides = array<i32>} : memref<32x1024xf32, #tpu.memory_space<vmem>>, vector<16xf32>,
        %get3A_254 = arith.index_cast %scan3A_41 : i32 to index
        %get3A_255 = arith.constant 256 : index
        %get3A_256 = tpu.vector_load %arg10[%get3A_254, %get3A_255] {strides = array<i32>} : memref<32x1024xf32, #tpu.memory_space<vmem>>, vector<16xf32>,
        %add3A_257 = arith.addf %get3A_253, %get3A_256 : vector<16xf32>
        %swap3A_258 = arith.index_cast %scan3A_41 : i32 to index
        %swap3A_259 = arith.constant 256 : index
        %swap3A_260 = tpu.vector_load %arg9[%swap3A_258, %swap3A_259] {strides = array<i32>} : memref<32x1024xf32, #tpu.memory_space<vmem>>, vector<16xf32>,
        tpu.vector_store %arg9[%swap3A_258, %swap3A_259], %add3A_257 {strides = array<i32>} : memref<32x1024xf32, #tpu.memory_space<vmem>>, vector<16xf32>,
        %add3A_261 = arith.addf %add3A_209, %add3A_257 : vector<16xf32>
        %mul3A_262 = arith.mulf %add3A_257, %add3A_257 : vector<16xf32>
        %add3A_263 = arith.addf %add3A_211, %mul3A_262 : vector<16xf32>
        %get3A_264 = arith.index_cast %scan3A_41 : i32 to index
        %get3A_265 = arith.constant 272 : index
        %get3A_266 = tpu.vector_load %arg9[%get3A_264, %get3A_265] {strides = array<i32>} : memref<32x1024xf32, #tpu.memory_space<vmem>>, vector<16xf32>,
        %get3A_267 = arith.index_cast %scan3A_41 : i32 to index
        %get3A_268 = arith.constant 272 : index
        %get3A_269 = tpu.vector_load %arg10[%get3A_267, %get3A_268] {strides = array<i32>} : memref<32x1024xf32, #tpu.memory_space<vmem>>, vector<16xf32>,
        %add3A_270 = arith.addf %get3A_266, %get3A_269 : vector<16xf32>
        %swap3A_271 = arith.index_cast %scan3A_41 : i32 to index
        %swap3A_272 = arith.constant 272 : index
        %swap3A_273 = tpu.vector_load %arg9[%swap3A_271, %swap3A_272] {strides = array<i32>} : memref<32x1024xf32, #tpu.memory_space<vmem>>, vector<16xf32>,
        tpu.vector_store %arg9[%swap3A_271, %swap3A_272], %add3A_270 {strides = array<i32>} : memref<32x1024xf32, #tpu.memory_space<vmem>>, vector<16xf32>,
        %add3A_274 = arith.addf %add3A_222, %add3A_270 : vector<16xf32>
        %mul3A_275 = arith.mulf %add3A_270, %add3A_270 : vector<16xf32>
        %add3A_276 = arith.addf %add3A_224, %mul3A_275 : vector<16xf32>
        %get3A_277 = arith.index_cast %scan3A_41 : i32 to index
        %get3A_278 = arith.constant 288 : index
        %get3A_279 = tpu.vector_load %arg9[%get3A_277, %get3A_278] {strides = array<i32>} : memref<32x1024xf32, #tpu.memory_space<vmem>>, vector<16xf32>,
        %get3A_280 = arith.index_cast %scan3A_41 : i32 to index
        %get3A_281 = arith.constant 288 : index
        %get3A_282 = tpu.vector_load %arg10[%get3A_280, %get3A_281] {strides = array<i32>} : memref<32x1024xf32, #tpu.memory_space<vmem>>, vector<16xf32>,
        %add3A_283 = arith.addf %get3A_279, %get3A_282 : vector<16xf32>
        %swap3A_284 = arith.index_cast %scan3A_41 : i32 to index
        %swap3A_285 = arith.constant 288 : index
        %swap3A_286 = tpu.vector_load %arg9[%swap3A_284, %swap3A_285] {strides = array<i32>} : memref<32x1024xf32, #tpu.memory_space<vmem>>, vector<16xf32>,
        tpu.vector_store %arg9[%swap3A_284, %swap3A_285], %add3A_283 {strides = array<i32>} : memref<32x1024xf32, #tpu.memory_space<vmem>>, vector<16xf32>,
        %add3A_287 = arith.addf %add3A_235, %add3A_283 : vector<16xf32>
        %mul3A_288 = arith.mulf %add3A_283, %add3A_283 : vector<16xf32>
        %add3A_289 = arith.addf %add3A_237, %mul3A_288 : vector<16xf32>
        %get3A_290 = arith.index_cast %scan3A_41 : i32 to index
        %get3A_291 = arith.constant 304 : index
        %get3A_292 = tpu.vector_load %arg9[%get3A_290, %get3A_291] {strides = array<i32>} : memref<32x1024xf32, #tpu.memory_space<vmem>>, vector<16xf32>,
        %get3A_293 = arith.index_cast %scan3A_41 : i32 to index
        %get3A_294 = arith.constant 304 : index
        %get3A_295 = tpu.vector_load %arg10[%get3A_293, %get3A_294] {strides = array<i32>} : memref<32x1024xf32, #tpu.memory_space<vmem>>, vector<16xf32>,
        %add3A_296 = arith.addf %get3A_292, %get3A_295 : vector<16xf32>
        %swap3A_297 = arith.index_cast %scan3A_41 : i32 to index
        %swap3A_298 = arith.constant 304 : index
        %swap3A_299 = tpu.vector_load %arg9[%swap3A_297, %swap3A_298] {strides = array<i32>} : memref<32x1024xf32, #tpu.memory_space<vmem>>, vector<16xf32>,
        tpu.vector_store %arg9[%swap3A_297, %swap3A_298], %add3A_296 {strides = array<i32>} : memref<32x1024xf32, #tpu.memory_space<vmem>>, vector<16xf32>,
        %add3A_300 = arith.addf %add3A_248, %add3A_296 : vector<16xf32>
        %mul3A_301 = arith.mulf %add3A_296, %add3A_296 : vector<16xf32>
        %add3A_302 = arith.addf %add3A_250, %mul3A_301 : vector<16xf32>
        %get3A_303 = arith.index_cast %scan3A_41 : i32 to index
        %get3A_304 = arith.constant 320 : index
        %get3A_305 = tpu.vector_load %arg9[%get3A_303, %get3A_304] {strides = array<i32>} : memref<32x1024xf32, #tpu.memory_space<vmem>>, vector<16xf32>,
        %get3A_306 = arith.index_cast %scan3A_41 : i32 to index
        %get3A_307 = arith.constant 320 : index
        %get3A_308 = tpu.vector_load %arg10[%get3A_306, %get3A_307] {strides = array<i32>} : memref<32x1024xf32, #tpu.memory_space<vmem>>, vector<16xf32>,
        %add3A_309 = arith.addf %get3A_305, %get3A_308 : vector<16xf32>
        %swap3A_310 = arith.index_cast %scan3A_41 : i32 to index
        %swap3A_311 = arith.constant 320 : index
        %swap3A_312 = tpu.vector_load %arg9[%swap3A_310, %swap3A_311] {strides = array<i32>} : memref<32x1024xf32, #tpu.memory_space<vmem>>, vector<16xf32>,
        tpu.vector_store %arg9[%swap3A_310, %swap3A_311], %add3A_309 {strides = array<i32>} : memref<32x1024xf32, #tpu.memory_space<vmem>>, vector<16xf32>,
        %add3A_313 = arith.addf %add3A_261, %add3A_309 : vector<16xf32>
        %mul3A_314 = arith.mulf %add3A_309, %add3A_309 : vector<16xf32>
        %add3A_315 = arith.addf %add3A_263, %mul3A_314 : vector<16xf32>
        %get3A_316 = arith.index_cast %scan3A_41 : i32 to index
        %get3A_317 = arith.constant 336 : index
        %get3A_318 = tpu.vector_load %arg9[%get3A_316, %get3A_317] {strides = array<i32>} : memref<32x1024xf32, #tpu.memory_space<vmem>>, vector<16xf32>,
        %get3A_319 = arith.index_cast %scan3A_41 : i32 to index
        %get3A_320 = arith.constant 336 : index
        %get3A_321 = tpu.vector_load %arg10[%get3A_319, %get3A_320] {strides = array<i32>} : memref<32x1024xf32, #tpu.memory_space<vmem>>, vector<16xf32>,
        %add3A_322 = arith.addf %get3A_318, %get3A_321 : vector<16xf32>
        %swap3A_323 = arith.index_cast %scan3A_41 : i32 to index
        %swap3A_324 = arith.constant 336 : index
        %swap3A_325 = tpu.vector_load %arg9[%swap3A_323, %swap3A_324] {strides = array<i32>} : memref<32x1024xf32, #tpu.memory_space<vmem>>, vector<16xf32>,
        tpu.vector_store %arg9[%swap3A_323, %swap3A_324], %add3A_322 {strides = array<i32>} : memref<32x1024xf32, #tpu.memory_space<vmem>>, vector<16xf32>,
        %add3A_326 = arith.addf %add3A_274, %add3A_322 : vector<16xf32>
        %mul3A_327 = arith.mulf %add3A_322, %add3A_322 : vector<16xf32>
        %add3A_328 = arith.addf %add3A_276, %mul3A_327 : vector<16xf32>
        %get3A_329 = arith.index_cast %scan3A_41 : i32 to index
        %get3A_330 = arith.constant 352 : index
        %get3A_331 = tpu.vector_load %arg9[%get3A_329, %get3A_330] {strides = array<i32>} : memref<32x1024xf32, #tpu.memory_space<vmem>>, vector<16xf32>,
        %get3A_332 = arith.index_cast %scan3A_41 : i32 to index
        %get3A_333 = arith.constant 352 : index
        %get3A_334 = tpu.vector_load %arg10[%get3A_332, %get3A_333] {strides = array<i32>} : memref<32x1024xf32, #tpu.memory_space<vmem>>, vector<16xf32>,
        %add3A_335 = arith.addf %get3A_331, %get3A_334 : vector<16xf32>
        %swap3A_336 = arith.index_cast %scan3A_41 : i32 to index
        %swap3A_337 = arith.constant 352 : index
        %swap3A_338 = tpu.vector_load %arg9[%swap3A_336, %swap3A_337] {strides = array<i32>} : memref<32x1024xf32, #tpu.memory_space<vmem>>, vector<16xf32>,
        tpu.vector_store %arg9[%swap3A_336, %swap3A_337], %add3A_335 {strides = array<i32>} : memref<32x1024xf32, #tpu.memory_space<vmem>>, vector<16xf32>,
        %add3A_339 = arith.addf %add3A_287, %add3A_335 : vector<16xf32>
        %mul3A_340 = arith.mulf %add3A_335, %add3A_335 : vector<16xf32>
        %add3A_341 = arith.addf %add3A_289, %mul3A_340 : vector<16xf32>
        %get3A_342 = arith.index_cast %scan3A_41 : i32 to index
        %get3A_343 = arith.constant 368 : index
        %get3A_344 = tpu.vector_load %arg9[%get3A_342, %get3A_343] {strides = array<i32>} : memref<32x1024xf32, #tpu.memory_space<vmem>>, vector<16xf32>,
        %get3A_345 = arith.index_cast %scan3A_41 : i32 to index
        %get3A_346 = arith.constant 368 : index
        %get3A_347 = tpu.vector_load %arg10[%get3A_345, %get3A_346] {strides = array<i32>} : memref<32x1024xf32, #tpu.memory_space<vmem>>, vector<16xf32>,
        %add3A_348 = arith.addf %get3A_344, %get3A_347 : vector<16xf32>
        %swap3A_349 = arith.index_cast %scan3A_41 : i32 to index
        %swap3A_350 = arith.constant 368 : index
        %swap3A_351 = tpu.vector_load %arg9[%swap3A_349, %swap3A_350] {strides = array<i32>} : memref<32x1024xf32, #tpu.memory_space<vmem>>, vector<16xf32>,
        tpu.vector_store %arg9[%swap3A_349, %swap3A_350], %add3A_348 {strides = array<i32>} : memref<32x1024xf32, #tpu.memory_space<vmem>>, vector<16xf32>,
        %add3A_352 = arith.addf %add3A_300, %add3A_348 : vector<16xf32>
        %mul3A_353 = arith.mulf %add3A_348, %add3A_348 : vector<16xf32>
        %add3A_354 = arith.addf %add3A_302, %mul3A_353 : vector<16xf32>
        %get3A_355 = arith.index_cast %scan3A_41 : i32 to index
        %get3A_356 = arith.constant 384 : index
        %get3A_357 = tpu.vector_load %arg9[%get3A_355, %get3A_356] {strides = array<i32>} : memref<32x1024xf32, #tpu.memory_space<vmem>>, vector<16xf32>,
        %get3A_358 = arith.index_cast %scan3A_41 : i32 to index
        %get3A_359 = arith.constant 384 : index
        %get3A_360 = tpu.vector_load %arg10[%get3A_358, %get3A_359] {strides = array<i32>} : memref<32x1024xf32, #tpu.memory_space<vmem>>, vector<16xf32>,
        %add3A_361 = arith.addf %get3A_357, %get3A_360 : vector<16xf32>
        %swap3A_362 = arith.index_cast %scan3A_41 : i32 to index
        %swap3A_363 = arith.constant 384 : index
        %swap3A_364 = tpu.vector_load %arg9[%swap3A_362, %swap3A_363] {strides = array<i32>} : memref<32x1024xf32, #tpu.memory_space<vmem>>, vector<16xf32>,
        tpu.vector_store %arg9[%swap3A_362, %swap3A_363], %add3A_361 {strides = array<i32>} : memref<32x1024xf32, #tpu.memory_space<vmem>>, vector<16xf32>,
        %add3A_365 = arith.addf %add3A_313, %add3A_361 : vector<16xf32>
        %mul3A_366 = arith.mulf %add3A_361, %add3A_361 : vector<16xf32>
        %add3A_367 = arith.addf %add3A_315, %mul3A_366 : vector<16xf32>
        %get3A_368 = arith.index_cast %scan3A_41 : i32 to index
        %get3A_369 = arith.constant 400 : index
        %get3A_370 = tpu.vector_load %arg9[%get3A_368, %get3A_369] {strides = array<i32>} : memref<32x1024xf32, #tpu.memory_space<vmem>>, vector<16xf32>,
        %get3A_371 = arith.index_cast %scan3A_41 : i32 to index
        %get3A_372 = arith.constant 400 : index
        %get3A_373 = tpu.vector_load %arg10[%get3A_371, %get3A_372] {strides = array<i32>} : memref<32x1024xf32, #tpu.memory_space<vmem>>, vector<16xf32>,
        %add3A_374 = arith.addf %get3A_370, %get3A_373 : vector<16xf32>
        %swap3A_375 = arith.index_cast %scan3A_41 : i32 to index
        %swap3A_376 = arith.constant 400 : index
        %swap3A_377 = tpu.vector_load %arg9[%swap3A_375, %swap3A_376] {strides = array<i32>} : memref<32x1024xf32, #tpu.memory_space<vmem>>, vector<16xf32>,
        tpu.vector_store %arg9[%swap3A_375, %swap3A_376], %add3A_374 {strides = array<i32>} : memref<32x1024xf32, #tpu.memory_space<vmem>>, vector<16xf32>,
        %add3A_378 = arith.addf %add3A_326, %add3A_374 : vector<16xf32>
        %mul3A_379 = arith.mulf %add3A_374, %add3A_374 : vector<16xf32>
        %add3A_380 = arith.addf %add3A_328, %mul3A_379 : vector<16xf32>
        %get3A_381 = arith.index_cast %scan3A_41 : i32 to index
        %get3A_382 = arith.constant 416 : index
        %get3A_383 = tpu.vector_load %arg9[%get3A_381, %get3A_382] {strides = array<i32>} : memref<32x1024xf32, #tpu.memory_space<vmem>>, vector<16xf32>,
        %get3A_384 = arith.index_cast %scan3A_41 : i32 to index
        %get3A_385 = arith.constant 416 : index
        %get3A_386 = tpu.vector_load %arg10[%get3A_384, %get3A_385] {strides = array<i32>} : memref<32x1024xf32, #tpu.memory_space<vmem>>, vector<16xf32>,
        %add3A_387 = arith.addf %get3A_383, %get3A_386 : vector<16xf32>
        %swap3A_388 = arith.index_cast %scan3A_41 : i32 to index
        %swap3A_389 = arith.constant 416 : index
        %swap3A_390 = tpu.vector_load %arg9[%swap3A_388, %swap3A_389] {strides = array<i32>} : memref<32x1024xf32, #tpu.memory_space<vmem>>, vector<16xf32>,
        tpu.vector_store %arg9[%swap3A_388, %swap3A_389], %add3A_387 {strides = array<i32>} : memref<32x1024xf32, #tpu.memory_space<vmem>>, vector<16xf32>,
        %add3A_391 = arith.addf %add3A_339, %add3A_387 : vector<16xf32>
        %mul3A_392 = arith.mulf %add3A_387, %add3A_387 : vector<16xf32>
        %add3A_393 = arith.addf %add3A_341, %mul3A_392 : vector<16xf32>
        %get3A_394 = arith.index_cast %scan3A_41 : i32 to index
        %get3A_395 = arith.constant 432 : index
        %get3A_396 = tpu.vector_load %arg9[%get3A_394, %get3A_395] {strides = array<i32>} : memref<32x1024xf32, #tpu.memory_space<vmem>>, vector<16xf32>,
        %get3A_397 = arith.index_cast %scan3A_41 : i32 to index
        %get3A_398 = arith.constant 432 : index
        %get3A_399 = tpu.vector_load %arg10[%get3A_397, %get3A_398] {strides = array<i32>} : memref<32x1024xf32, #tpu.memory_space<vmem>>, vector<16xf32>,
        %add3A_400 = arith.addf %get3A_396, %get3A_399 : vector<16xf32>
        %swap3A_401 = arith.index_cast %scan3A_41 : i32 to index
        %swap3A_402 = arith.constant 432 : index
        %swap3A_403 = tpu.vector_load %arg9[%swap3A_401, %swap3A_402] {strides = array<i32>} : memref<32x1024xf32, #tpu.memory_space<vmem>>, vector<16xf32>,
        tpu.vector_store %arg9[%swap3A_401, %swap3A_402], %add3A_400 {strides = array<i32>} : memref<32x1024xf32, #tpu.memory_space<vmem>>, vector<16xf32>,
        %add3A_404 = arith.addf %add3A_352, %add3A_400 : vector<16xf32>
        %mul3A_405 = arith.mulf %add3A_400, %add3A_400 : vector<16xf32>
        %add3A_406 = arith.addf %add3A_354, %mul3A_405 : vector<16xf32>
        %get3A_407 = arith.index_cast %scan3A_41 : i32 to index
        %get3A_408 = arith.constant 448 : index
        %get3A_409 = tpu.vector_load %arg9[%get3A_407, %get3A_408] {strides = array<i32>} : memref<32x1024xf32, #tpu.memory_space<vmem>>, vector<16xf32>,
        %get3A_410 = arith.index_cast %scan3A_41 : i32 to index
        %get3A_411 = arith.constant 448 : index
        %get3A_412 = tpu.vector_load %arg10[%get3A_410, %get3A_411] {strides = array<i32>} : memref<32x1024xf32, #tpu.memory_space<vmem>>, vector<16xf32>,
        %add3A_413 = arith.addf %get3A_409, %get3A_412 : vector<16xf32>
        %swap3A_414 = arith.index_cast %scan3A_41 : i32 to index
        %swap3A_415 = arith.constant 448 : index
        %swap3A_416 = tpu.vector_load %arg9[%swap3A_414, %swap3A_415] {strides = array<i32>} : memref<32x1024xf32, #tpu.memory_space<vmem>>, vector<16xf32>,
        tpu.vector_store %arg9[%swap3A_414, %swap3A_415], %add3A_413 {strides = array<i32>} : memref<32x1024xf32, #tpu.memory_space<vmem>>, vector<16xf32>,
        %add3A_417 = arith.addf %add3A_365, %add3A_413 : vector<16xf32>
        %mul3A_418 = arith.mulf %add3A_413, %add3A_413 : vector<16xf32>
        %add3A_419 = arith.addf %add3A_367, %mul3A_418 : vector<16xf32>
        %get3A_420 = arith.index_cast %scan3A_41 : i32 to index
        %get3A_421 = arith.constant 464 : index
        %get3A_422 = tpu.vector_load %arg9[%get3A_420, %get3A_421] {strides = array<i32>} : memref<32x1024xf32, #tpu.memory_space<vmem>>, vector<16xf32>,
        %get3A_423 = arith.index_cast %scan3A_41 : i32 to index
        %get3A_424 = arith.constant 464 : index
        %get3A_425 = tpu.vector_load %arg10[%get3A_423, %get3A_424] {strides = array<i32>} : memref<32x1024xf32, #tpu.memory_space<vmem>>, vector<16xf32>,
        %add3A_426 = arith.addf %get3A_422, %get3A_425 : vector<16xf32>
        %swap3A_427 = arith.index_cast %scan3A_41 : i32 to index
        %swap3A_428 = arith.constant 464 : index
        %swap3A_429 = tpu.vector_load %arg9[%swap3A_427, %swap3A_428] {strides = array<i32>} : memref<32x1024xf32, #tpu.memory_space<vmem>>, vector<16xf32>,
        tpu.vector_store %arg9[%swap3A_427, %swap3A_428], %add3A_426 {strides = array<i32>} : memref<32x1024xf32, #tpu.memory_space<vmem>>, vector<16xf32>,
        %add3A_430 = arith.addf %add3A_378, %add3A_426 : vector<16xf32>
        %mul3A_431 = arith.mulf %add3A_426, %add3A_426 : vector<16xf32>
        %add3A_432 = arith.addf %add3A_380, %mul3A_431 : vector<16xf32>
        %get3A_433 = arith.index_cast %scan3A_41 : i32 to index
        %get3A_434 = arith.constant 480 : index
        %get3A_435 = tpu.vector_load %arg9[%get3A_433, %get3A_434] {strides = array<i32>} : memref<32x1024xf32, #tpu.memory_space<vmem>>, vector<16xf32>,
        %get3A_436 = arith.index_cast %scan3A_41 : i32 to index
        %get3A_437 = arith.constant 480 : index
        %get3A_438 = tpu.vector_load %arg10[%get3A_436, %get3A_437] {strides = array<i32>} : memref<32x1024xf32, #tpu.memory_space<vmem>>, vector<16xf32>,
        %add3A_439 = arith.addf %get3A_435, %get3A_438 : vector<16xf32>
        %swap3A_440 = arith.index_cast %scan3A_41 : i32 to index
        %swap3A_441 = arith.constant 480 : index
        %swap3A_442 = tpu.vector_load %arg9[%swap3A_440, %swap3A_441] {strides = array<i32>} : memref<32x1024xf32, #tpu.memory_space<vmem>>, vector<16xf32>,
        tpu.vector_store %arg9[%swap3A_440, %swap3A_441], %add3A_439 {strides = array<i32>} : memref<32x1024xf32, #tpu.memory_space<vmem>>, vector<16xf32>,
        %add3A_443 = arith.addf %add3A_391, %add3A_439 : vector<16xf32>
        %mul3A_444 = arith.mulf %add3A_439, %add3A_439 : vector<16xf32>
        %add3A_445 = arith.addf %add3A_393, %mul3A_444 : vector<16xf32>
        %get3A_446 = arith.index_cast %scan3A_41 : i32 to index
        %get3A_447 = arith.constant 496 : index
        %get3A_448 = tpu.vector_load %arg9[%get3A_446, %get3A_447] {strides = array<i32>} : memref<32x1024xf32, #tpu.memory_space<vmem>>, vector<16xf32>,
        %get3A_449 = arith.index_cast %scan3A_41 : i32 to index
        %get3A_450 = arith.constant 496 : index
        %get3A_451 = tpu.vector_load %arg10[%get3A_449, %get3A_450] {strides = array<i32>} : memref<32x1024xf32, #tpu.memory_space<vmem>>, vector<16xf32>,
        %add3A_452 = arith.addf %get3A_448, %get3A_451 : vector<16xf32>
        %swap3A_453 = arith.index_cast %scan3A_41 : i32 to index
        %swap3A_454 = arith.constant 496 : index
        %swap3A_455 = tpu.vector_load %arg9[%swap3A_453, %swap3A_454] {strides = array<i32>} : memref<32x1024xf32, #tpu.memory_space<vmem>>, vector<16xf32>,
        tpu.vector_store %arg9[%swap3A_453, %swap3A_454], %add3A_452 {strides = array<i32>} : memref<32x1024xf32, #tpu.memory_space<vmem>>, vector<16xf32>,
        %add3A_456 = arith.addf %add3A_404, %add3A_452 : vector<16xf32>
        %mul3A_457 = arith.mulf %add3A_452, %add3A_452 : vector<16xf32>
        %add3A_458 = arith.addf %add3A_406, %mul3A_457 : vector<16xf32>
        %get3A_459 = arith.index_cast %scan3A_41 : i32 to index
        %get3A_460 = arith.constant 512 : index
        %get3A_461 = tpu.vector_load %arg9[%get3A_459, %get3A_460] {strides = array<i32>} : memref<32x1024xf32, #tpu.memory_space<vmem>>, vector<16xf32>,
        %get3A_462 = arith.index_cast %scan3A_41 : i32 to index
        %get3A_463 = arith.constant 512 : index
        %get3A_464 = tpu.vector_load %arg10[%get3A_462, %get3A_463] {strides = array<i32>} : memref<32x1024xf32, #tpu.memory_space<vmem>>, vector<16xf32>,
        %add3A_465 = arith.addf %get3A_461, %get3A_464 : vector<16xf32>
        %swap3A_466 = arith.index_cast %scan3A_41 : i32 to index
        %swap3A_467 = arith.constant 512 : index
        %swap3A_468 = tpu.vector_load %arg9[%swap3A_466, %swap3A_467] {strides = array<i32>} : memref<32x1024xf32, #tpu.memory_space<vmem>>, vector<16xf32>,
        tpu.vector_store %arg9[%swap3A_466, %swap3A_467], %add3A_465 {strides = array<i32>} : memref<32x1024xf32, #tpu.memory_space<vmem>>, vector<16xf32>,
        %add3A_469 = arith.addf %add3A_417, %add3A_465 : vector<16xf32>
        %mul3A_470 = arith.mulf %add3A_465, %add3A_465 : vector<16xf32>
        %add3A_471 = arith.addf %add3A_419, %mul3A_470 : vector<16xf32>
        %get3A_472 = arith.index_cast %scan3A_41 : i32 to index
        %get3A_473 = arith.constant 528 : index
        %get3A_474 = tpu.vector_load %arg9[%get3A_472, %get3A_473] {strides = array<i32>} : memref<32x1024xf32, #tpu.memory_space<vmem>>, vector<16xf32>,
        %get3A_475 = arith.index_cast %scan3A_41 : i32 to index
        %get3A_476 = arith.constant 528 : index
        %get3A_477 = tpu.vector_load %arg10[%get3A_475, %get3A_476] {strides = array<i32>} : memref<32x1024xf32, #tpu.memory_space<vmem>>, vector<16xf32>,
        %add3A_478 = arith.addf %get3A_474, %get3A_477 : vector<16xf32>
        %swap3A_479 = arith.index_cast %scan3A_41 : i32 to index
        %swap3A_480 = arith.constant 528 : index
        %swap3A_481 = tpu.vector_load %arg9[%swap3A_479, %swap3A_480] {strides = array<i32>} : memref<32x1024xf32, #tpu.memory_space<vmem>>, vector<16xf32>,
        tpu.vector_store %arg9[%swap3A_479, %swap3A_480], %add3A_478 {strides = array<i32>} : memref<32x1024xf32, #tpu.memory_space<vmem>>, vector<16xf32>,
        %add3A_482 = arith.addf %add3A_430, %add3A_478 : vector<16xf32>
        %mul3A_483 = arith.mulf %add3A_478, %add3A_478 : vector<16xf32>
        %add3A_484 = arith.addf %add3A_432, %mul3A_483 : vector<16xf32>
        %get3A_485 = arith.index_cast %scan3A_41 : i32 to index
        %get3A_486 = arith.constant 544 : index
        %get3A_487 = tpu.vector_load %arg9[%get3A_485, %get3A_486] {strides = array<i32>} : memref<32x1024xf32, #tpu.memory_space<vmem>>, vector<16xf32>,
        %get3A_488 = arith.index_cast %scan3A_41 : i32 to index
        %get3A_489 = arith.constant 544 : index
        %get3A_490 = tpu.vector_load %arg10[%get3A_488, %get3A_489] {strides = array<i32>} : memref<32x1024xf32, #tpu.memory_space<vmem>>, vector<16xf32>,
        %add3A_491 = arith.addf %get3A_487, %get3A_490 : vector<16xf32>
        %swap3A_492 = arith.index_cast %scan3A_41 : i32 to index
        %swap3A_493 = arith.constant 544 : index
        %swap3A_494 = tpu.vector_load %arg9[%swap3A_492, %swap3A_493] {strides = array<i32>} : memref<32x1024xf32, #tpu.memory_space<vmem>>, vector<16xf32>,
        tpu.vector_store %arg9[%swap3A_492, %swap3A_493], %add3A_491 {strides = array<i32>} : memref<32x1024xf32, #tpu.memory_space<vmem>>, vector<16xf32>,
        %add3A_495 = arith.addf %add3A_443, %add3A_491 : vector<16xf32>
        %mul3A_496 = arith.mulf %add3A_491, %add3A_491 : vector<16xf32>
        %add3A_497 = arith.addf %add3A_445, %mul3A_496 : vector<16xf32>
        %get3A_498 = arith.index_cast %scan3A_41 : i32 to index
        %get3A_499 = arith.constant 560 : index
        %get3A_500 = tpu.vector_load %arg9[%get3A_498, %get3A_499] {strides = array<i32>} : memref<32x1024xf32, #tpu.memory_space<vmem>>, vector<16xf32>,
        %get3A_501 = arith.index_cast %scan3A_41 : i32 to index
        %get3A_502 = arith.constant 560 : index
        %get3A_503 = tpu.vector_load %arg10[%get3A_501, %get3A_502] {strides = array<i32>} : memref<32x1024xf32, #tpu.memory_space<vmem>>, vector<16xf32>,
        %add3A_504 = arith.addf %get3A_500, %get3A_503 : vector<16xf32>
        %swap3A_505 = arith.index_cast %scan3A_41 : i32 to index
        %swap3A_506 = arith.constant 560 : index
        %swap3A_507 = tpu.vector_load %arg9[%swap3A_505, %swap3A_506] {strides = array<i32>} : memref<32x1024xf32, #tpu.memory_space<vmem>>, vector<16xf32>,
        tpu.vector_store %arg9[%swap3A_505, %swap3A_506], %add3A_504 {strides = array<i32>} : memref<32x1024xf32, #tpu.memory_space<vmem>>, vector<16xf32>,
        %add3A_508 = arith.addf %add3A_456, %add3A_504 : vector<16xf32>
        %mul3A_509 = arith.mulf %add3A_504, %add3A_504 : vector<16xf32>
        %add3A_510 = arith.addf %add3A_458, %mul3A_509 : vector<16xf32>
        %get3A_511 = arith.index_cast %scan3A_41 : i32 to index
        %get3A_512 = arith.constant 576 : index
        %get3A_513 = tpu.vector_load %arg9[%get3A_511, %get3A_512] {strides = array<i32>} : memref<32x1024xf32, #tpu.memory_space<vmem>>, vector<16xf32>,
        %get3A_514 = arith.index_cast %scan3A_41 : i32 to index
        %get3A_515 = arith.constant 576 : index
        %get3A_516 = tpu.vector_load %arg10[%get3A_514, %get3A_515] {strides = array<i32>} : memref<32x1024xf32, #tpu.memory_space<vmem>>, vector<16xf32>,
        %add3A_517 = arith.addf %get3A_513, %get3A_516 : vector<16xf32>
        %swap3A_518 = arith.index_cast %scan3A_41 : i32 to index
        %swap3A_519 = arith.constant 576 : index
        %swap3A_520 = tpu.vector_load %arg9[%swap3A_518, %swap3A_519] {strides = array<i32>} : memref<32x1024xf32, #tpu.memory_space<vmem>>, vector<16xf32>,
        tpu.vector_store %arg9[%swap3A_518, %swap3A_519], %add3A_517 {strides = array<i32>} : memref<32x1024xf32, #tpu.memory_space<vmem>>, vector<16xf32>,
        %add3A_521 = arith.addf %add3A_469, %add3A_517 : vector<16xf32>
        %mul3A_522 = arith.mulf %add3A_517, %add3A_517 : vector<16xf32>
        %add3A_523 = arith.addf %add3A_471, %mul3A_522 : vector<16xf32>
        %get3A_524 = arith.index_cast %scan3A_41 : i32 to index
        %get3A_525 = arith.constant 592 : index
        %get3A_526 = tpu.vector_load %arg9[%get3A_524, %get3A_525] {strides = array<i32>} : memref<32x1024xf32, #tpu.memory_space<vmem>>, vector<16xf32>,
        %get3A_527 = arith.index_cast %scan3A_41 : i32 to index
        %get3A_528 = arith.constant 592 : index
        %get3A_529 = tpu.vector_load %arg10[%get3A_527, %get3A_528] {strides = array<i32>} : memref<32x1024xf32, #tpu.memory_space<vmem>>, vector<16xf32>,
        %add3A_530 = arith.addf %get3A_526, %get3A_529 : vector<16xf32>
        %swap3A_531 = arith.index_cast %scan3A_41 : i32 to index
        %swap3A_532 = arith.constant 592 : index
        %swap3A_533 = tpu.vector_load %arg9[%swap3A_531, %swap3A_532] {strides = array<i32>} : memref<32x1024xf32, #tpu.memory_space<vmem>>, vector<16xf32>,
        tpu.vector_store %arg9[%swap3A_531, %swap3A_532], %add3A_530 {strides = array<i32>} : memref<32x1024xf32, #tpu.memory_space<vmem>>, vector<16xf32>,
        %add3A_534 = arith.addf %add3A_482, %add3A_530 : vector<16xf32>
        %mul3A_535 = arith.mulf %add3A_530, %add3A_530 : vector<16xf32>
        %add3A_536 = arith.addf %add3A_484, %mul3A_535 : vector<16xf32>
        %get3A_537 = arith.index_cast %scan3A_41 : i32 to index
        %get3A_538 = arith.constant 608 : index
        %get3A_539 = tpu.vector_load %arg9[%get3A_537, %get3A_538] {strides = array<i32>} : memref<32x1024xf32, #tpu.memory_space<vmem>>, vector<16xf32>,
        %get3A_540 = arith.index_cast %scan3A_41 : i32 to index
        %get3A_541 = arith.constant 608 : index
        %get3A_542 = tpu.vector_load %arg10[%get3A_540, %get3A_541] {strides = array<i32>} : memref<32x1024xf32, #tpu.memory_space<vmem>>, vector<16xf32>,
        %add3A_543 = arith.addf %get3A_539, %get3A_542 : vector<16xf32>
        %swap3A_544 = arith.index_cast %scan3A_41 : i32 to index
        %swap3A_545 = arith.constant 608 : index
        %swap3A_546 = tpu.vector_load %arg9[%swap3A_544, %swap3A_545] {strides = array<i32>} : memref<32x1024xf32, #tpu.memory_space<vmem>>, vector<16xf32>,
        tpu.vector_store %arg9[%swap3A_544, %swap3A_545], %add3A_543 {strides = array<i32>} : memref<32x1024xf32, #tpu.memory_space<vmem>>, vector<16xf32>,
        %add3A_547 = arith.addf %add3A_495, %add3A_543 : vector<16xf32>
        %mul3A_548 = arith.mulf %add3A_543, %add3A_543 : vector<16xf32>
        %add3A_549 = arith.addf %add3A_497, %mul3A_548 : vector<16xf32>
        %get3A_550 = arith.index_cast %scan3A_41 : i32 to index
        %get3A_551 = arith.constant 624 : index
        %get3A_552 = tpu.vector_load %arg9[%get3A_550, %get3A_551] {strides = array<i32>} : memref<32x1024xf32, #tpu.memory_space<vmem>>, vector<16xf32>,
        %get3A_553 = arith.index_cast %scan3A_41 : i32 to index
        %get3A_554 = arith.constant 624 : index
        %get3A_555 = tpu.vector_load %arg10[%get3A_553, %get3A_554] {strides = array<i32>} : memref<32x1024xf32, #tpu.memory_space<vmem>>, vector<16xf32>,
        %add3A_556 = arith.addf %get3A_552, %get3A_555 : vector<16xf32>
        %swap3A_557 = arith.index_cast %scan3A_41 : i32 to index
        %swap3A_558 = arith.constant 624 : index
        %swap3A_559 = tpu.vector_load %arg9[%swap3A_557, %swap3A_558] {strides = array<i32>} : memref<32x1024xf32, #tpu.memory_space<vmem>>, vector<16xf32>,
        tpu.vector_store %arg9[%swap3A_557, %swap3A_558], %add3A_556 {strides = array<i32>} : memref<32x1024xf32, #tpu.memory_space<vmem>>, vector<16xf32>,
        %add3A_560 = arith.addf %add3A_508, %add3A_556 : vector<16xf32>
        %mul3A_561 = arith.mulf %add3A_556, %add3A_556 : vector<16xf32>
        %add3A_562 = arith.addf %add3A_510, %mul3A_561 : vector<16xf32>
        %get3A_563 = arith.index_cast %scan3A_41 : i32 to index
        %get3A_564 = arith.constant 640 : index
        %get3A_565 = tpu.vector_load %arg9[%get3A_563, %get3A_564] {strides = array<i32>} : memref<32x1024xf32, #tpu.memory_space<vmem>>, vector<16xf32>,
        %get3A_566 = arith.index_cast %scan3A_41 : i32 to index
        %get3A_567 = arith.constant 640 : index
        %get3A_568 = tpu.vector_load %arg10[%get3A_566, %get3A_567] {strides = array<i32>} : memref<32x1024xf32, #tpu.memory_space<vmem>>, vector<16xf32>,
        %add3A_569 = arith.addf %get3A_565, %get3A_568 : vector<16xf32>
        %swap3A_570 = arith.index_cast %scan3A_41 : i32 to index
        %swap3A_571 = arith.constant 640 : index
        %swap3A_572 = tpu.vector_load %arg9[%swap3A_570, %swap3A_571] {strides = array<i32>} : memref<32x1024xf32, #tpu.memory_space<vmem>>, vector<16xf32>,
        tpu.vector_store %arg9[%swap3A_570, %swap3A_571], %add3A_569 {strides = array<i32>} : memref<32x1024xf32, #tpu.memory_space<vmem>>, vector<16xf32>,
        %add3A_573 = arith.addf %add3A_521, %add3A_569 : vector<16xf32>
        %mul3A_574 = arith.mulf %add3A_569, %add3A_569 : vector<16xf32>
        %add3A_575 = arith.addf %add3A_523, %mul3A_574 : vector<16xf32>
        %get3A_576 = arith.index_cast %scan3A_41 : i32 to index
        %get3A_577 = arith.constant 656 : index
        %get3A_578 = tpu.vector_load %arg9[%get3A_576, %get3A_577] {strides = array<i32>} : memref<32x1024xf32, #tpu.memory_space<vmem>>, vector<16xf32>,
        %get3A_579 = arith.index_cast %scan3A_41 : i32 to index
        %get3A_580 = arith.constant 656 : index
        %get3A_581 = tpu.vector_load %arg10[%get3A_579, %get3A_580] {strides = array<i32>} : memref<32x1024xf32, #tpu.memory_space<vmem>>, vector<16xf32>,
        %add3A_582 = arith.addf %get3A_578, %get3A_581 : vector<16xf32>
        %swap3A_583 = arith.index_cast %scan3A_41 : i32 to index
        %swap3A_584 = arith.constant 656 : index
        %swap3A_585 = tpu.vector_load %arg9[%swap3A_583, %swap3A_584] {strides = array<i32>} : memref<32x1024xf32, #tpu.memory_space<vmem>>, vector<16xf32>,
        tpu.vector_store %arg9[%swap3A_583, %swap3A_584], %add3A_582 {strides = array<i32>} : memref<32x1024xf32, #tpu.memory_space<vmem>>, vector<16xf32>,
        %add3A_586 = arith.addf %add3A_534, %add3A_582 : vector<16xf32>
        %mul3A_587 = arith.mulf %add3A_582, %add3A_582 : vector<16xf32>
        %add3A_588 = arith.addf %add3A_536, %mul3A_587 : vector<16xf32>
        %get3A_589 = arith.index_cast %scan3A_41 : i32 to index
        %get3A_590 = arith.constant 672 : index
        %get3A_591 = tpu.vector_load %arg9[%get3A_589, %get3A_590] {strides = array<i32>} : memref<32x1024xf32, #tpu.memory_space<vmem>>, vector<16xf32>,
        %get3A_592 = arith.index_cast %scan3A_41 : i32 to index
        %get3A_593 = arith.constant 672 : index
        %get3A_594 = tpu.vector_load %arg10[%get3A_592, %get3A_593] {strides = array<i32>} : memref<32x1024xf32, #tpu.memory_space<vmem>>, vector<16xf32>,
        %add3A_595 = arith.addf %get3A_591, %get3A_594 : vector<16xf32>
        %swap3A_596 = arith.index_cast %scan3A_41 : i32 to index
        %swap3A_597 = arith.constant 672 : index
        %swap3A_598 = tpu.vector_load %arg9[%swap3A_596, %swap3A_597] {strides = array<i32>} : memref<32x1024xf32, #tpu.memory_space<vmem>>, vector<16xf32>,
        tpu.vector_store %arg9[%swap3A_596, %swap3A_597], %add3A_595 {strides = array<i32>} : memref<32x1024xf32, #tpu.memory_space<vmem>>, vector<16xf32>,
        %add3A_599 = arith.addf %add3A_547, %add3A_595 : vector<16xf32>
        %mul3A_600 = arith.mulf %add3A_595, %add3A_595 : vector<16xf32>
        %add3A_601 = arith.addf %add3A_549, %mul3A_600 : vector<16xf32>
        %get3A_602 = arith.index_cast %scan3A_41 : i32 to index
        %get3A_603 = arith.constant 688 : index
        %get3A_604 = tpu.vector_load %arg9[%get3A_602, %get3A_603] {strides = array<i32>} : memref<32x1024xf32, #tpu.memory_space<vmem>>, vector<16xf32>,
        %get3A_605 = arith.index_cast %scan3A_41 : i32 to index
        %get3A_606 = arith.constant 688 : index
        %get3A_607 = tpu.vector_load %arg10[%get3A_605, %get3A_606] {strides = array<i32>} : memref<32x1024xf32, #tpu.memory_space<vmem>>, vector<16xf32>,
        %add3A_608 = arith.addf %get3A_604, %get3A_607 : vector<16xf32>
        %swap3A_609 = arith.index_cast %scan3A_41 : i32 to index
        %swap3A_610 = arith.constant 688 : index
        %swap3A_611 = tpu.vector_load %arg9[%swap3A_609, %swap3A_610] {strides = array<i32>} : memref<32x1024xf32, #tpu.memory_space<vmem>>, vector<16xf32>,
        tpu.vector_store %arg9[%swap3A_609, %swap3A_610], %add3A_608 {strides = array<i32>} : memref<32x1024xf32, #tpu.memory_space<vmem>>, vector<16xf32>,
        %add3A_612 = arith.addf %add3A_560, %add3A_608 : vector<16xf32>
        %mul3A_613 = arith.mulf %add3A_608, %add3A_608 : vector<16xf32>
        %add3A_614 = arith.addf %add3A_562, %mul3A_613 : vector<16xf32>
        %get3A_615 = arith.index_cast %scan3A_41 : i32 to index
        %get3A_616 = arith.constant 704 : index
        %get3A_617 = tpu.vector_load %arg9[%get3A_615, %get3A_616] {strides = array<i32>} : memref<32x1024xf32, #tpu.memory_space<vmem>>, vector<16xf32>,
        %get3A_618 = arith.index_cast %scan3A_41 : i32 to index
        %get3A_619 = arith.constant 704 : index
        %get3A_620 = tpu.vector_load %arg10[%get3A_618, %get3A_619] {strides = array<i32>} : memref<32x1024xf32, #tpu.memory_space<vmem>>, vector<16xf32>,
        %add3A_621 = arith.addf %get3A_617, %get3A_620 : vector<16xf32>
        %swap3A_622 = arith.index_cast %scan3A_41 : i32 to index
        %swap3A_623 = arith.constant 704 : index
        %swap3A_624 = tpu.vector_load %arg9[%swap3A_622, %swap3A_623] {strides = array<i32>} : memref<32x1024xf32, #tpu.memory_space<vmem>>, vector<16xf32>,
        tpu.vector_store %arg9[%swap3A_622, %swap3A_623], %add3A_621 {strides = array<i32>} : memref<32x1024xf32, #tpu.memory_space<vmem>>, vector<16xf32>,
        %add3A_625 = arith.addf %add3A_573, %add3A_621 : vector<16xf32>
        %mul3A_626 = arith.mulf %add3A_621, %add3A_621 : vector<16xf32>
        %add3A_627 = arith.addf %add3A_575, %mul3A_626 : vector<16xf32>
        %get3A_628 = arith.index_cast %scan3A_41 : i32 to index
        %get3A_629 = arith.constant 720 : index
        %get3A_630 = tpu.vector_load %arg9[%get3A_628, %get3A_629] {strides = array<i32>} : memref<32x1024xf32, #tpu.memory_space<vmem>>, vector<16xf32>,
        %get3A_631 = arith.index_cast %scan3A_41 : i32 to index
        %get3A_632 = arith.constant 720 : index
        %get3A_633 = tpu.vector_load %arg10[%get3A_631, %get3A_632] {strides = array<i32>} : memref<32x1024xf32, #tpu.memory_space<vmem>>, vector<16xf32>,
        %add3A_634 = arith.addf %get3A_630, %get3A_633 : vector<16xf32>
        %swap3A_635 = arith.index_cast %scan3A_41 : i32 to index
        %swap3A_636 = arith.constant 720 : index
        %swap3A_637 = tpu.vector_load %arg9[%swap3A_635, %swap3A_636] {strides = array<i32>} : memref<32x1024xf32, #tpu.memory_space<vmem>>, vector<16xf32>,
        tpu.vector_store %arg9[%swap3A_635, %swap3A_636], %add3A_634 {strides = array<i32>} : memref<32x1024xf32, #tpu.memory_space<vmem>>, vector<16xf32>,
        %add3A_638 = arith.addf %add3A_586, %add3A_634 : vector<16xf32>
        %mul3A_639 = arith.mulf %add3A_634, %add3A_634 : vector<16xf32>
        %add3A_640 = arith.addf %add3A_588, %mul3A_639 : vector<16xf32>
        %get3A_641 = arith.index_cast %scan3A_41 : i32 to index
        %get3A_642 = arith.constant 736 : index
        %get3A_643 = tpu.vector_load %arg9[%get3A_641, %get3A_642] {strides = array<i32>} : memref<32x1024xf32, #tpu.memory_space<vmem>>, vector<16xf32>,
        %get3A_644 = arith.index_cast %scan3A_41 : i32 to index
        %get3A_645 = arith.constant 736 : index
        %get3A_646 = tpu.vector_load %arg10[%get3A_644, %get3A_645] {strides = array<i32>} : memref<32x1024xf32, #tpu.memory_space<vmem>>, vector<16xf32>,
        %add3A_647 = arith.addf %get3A_643, %get3A_646 : vector<16xf32>
        %swap3A_648 = arith.index_cast %scan3A_41 : i32 to index
        %swap3A_649 = arith.constant 736 : index
        %swap3A_650 = tpu.vector_load %arg9[%swap3A_648, %swap3A_649] {strides = array<i32>} : memref<32x1024xf32, #tpu.memory_space<vmem>>, vector<16xf32>,
        tpu.vector_store %arg9[%swap3A_648, %swap3A_649], %add3A_647 {strides = array<i32>} : memref<32x1024xf32, #tpu.memory_space<vmem>>, vector<16xf32>,
        %add3A_651 = arith.addf %add3A_599, %add3A_647 : vector<16xf32>
        %mul3A_652 = arith.mulf %add3A_647, %add3A_647 : vector<16xf32>
        %add3A_653 = arith.addf %add3A_601, %mul3A_652 : vector<16xf32>
        %get3A_654 = arith.index_cast %scan3A_41 : i32 to index
        %get3A_655 = arith.constant 752 : index
        %get3A_656 = tpu.vector_load %arg9[%get3A_654, %get3A_655] {strides = array<i32>} : memref<32x1024xf32, #tpu.memory_space<vmem>>, vector<16xf32>,
        %get3A_657 = arith.index_cast %scan3A_41 : i32 to index
        %get3A_658 = arith.constant 752 : index
        %get3A_659 = tpu.vector_load %arg10[%get3A_657, %get3A_658] {strides = array<i32>} : memref<32x1024xf32, #tpu.memory_space<vmem>>, vector<16xf32>,
        %add3A_660 = arith.addf %get3A_656, %get3A_659 : vector<16xf32>
        %swap3A_661 = arith.index_cast %scan3A_41 : i32 to index
        %swap3A_662 = arith.constant 752 : index
        %swap3A_663 = tpu.vector_load %arg9[%swap3A_661, %swap3A_662] {strides = array<i32>} : memref<32x1024xf32, #tpu.memory_space<vmem>>, vector<16xf32>,
        tpu.vector_store %arg9[%swap3A_661, %swap3A_662], %add3A_660 {strides = array<i32>} : memref<32x1024xf32, #tpu.memory_space<vmem>>, vector<16xf32>,
        %add3A_664 = arith.addf %add3A_612, %add3A_660 : vector<16xf32>
        %mul3A_665 = arith.mulf %add3A_660, %add3A_660 : vector<16xf32>
        %add3A_666 = arith.addf %add3A_614, %mul3A_665 : vector<16xf32>
        %get3A_667 = arith.index_cast %scan3A_41 : i32 to index
        %get3A_668 = arith.constant 768 : index
        %get3A_669 = tpu.vector_load %arg9[%get3A_667, %get3A_668] {strides = array<i32>} : memref<32x1024xf32, #tpu.memory_space<vmem>>, vector<16xf32>,
        %get3A_670 = arith.index_cast %scan3A_41 : i32 to index
        %get3A_671 = arith.constant 768 : index
        %get3A_672 = tpu.vector_load %arg10[%get3A_670, %get3A_671] {strides = array<i32>} : memref<32x1024xf32, #tpu.memory_space<vmem>>, vector<16xf32>,
        %add3A_673 = arith.addf %get3A_669, %get3A_672 : vector<16xf32>
        %swap3A_674 = arith.index_cast %scan3A_41 : i32 to index
        %swap3A_675 = arith.constant 768 : index
        %swap3A_676 = tpu.vector_load %arg9[%swap3A_674, %swap3A_675] {strides = array<i32>} : memref<32x1024xf32, #tpu.memory_space<vmem>>, vector<16xf32>,
        tpu.vector_store %arg9[%swap3A_674, %swap3A_675], %add3A_673 {strides = array<i32>} : memref<32x1024xf32, #tpu.memory_space<vmem>>, vector<16xf32>,
        %add3A_677 = arith.addf %add3A_625, %add3A_673 : vector<16xf32>
        %mul3A_678 = arith.mulf %add3A_673, %add3A_673 : vector<16xf32>
        %add3A_679 = arith.addf %add3A_627, %mul3A_678 : vector<16xf32>
        %get3A_680 = arith.index_cast %scan3A_41 : i32 to index
        %get3A_681 = arith.constant 784 : index
        %get3A_682 = tpu.vector_load %arg9[%get3A_680, %get3A_681] {strides = array<i32>} : memref<32x1024xf32, #tpu.memory_space<vmem>>, vector<16xf32>,
        %get3A_683 = arith.index_cast %scan3A_41 : i32 to index
        %get3A_684 = arith.constant 784 : index
        %get3A_685 = tpu.vector_load %arg10[%get3A_683, %get3A_684] {strides = array<i32>} : memref<32x1024xf32, #tpu.memory_space<vmem>>, vector<16xf32>,
        %add3A_686 = arith.addf %get3A_682, %get3A_685 : vector<16xf32>
        %swap3A_687 = arith.index_cast %scan3A_41 : i32 to index
        %swap3A_688 = arith.constant 784 : index
        %swap3A_689 = tpu.vector_load %arg9[%swap3A_687, %swap3A_688] {strides = array<i32>} : memref<32x1024xf32, #tpu.memory_space<vmem>>, vector<16xf32>,
        tpu.vector_store %arg9[%swap3A_687, %swap3A_688], %add3A_686 {strides = array<i32>} : memref<32x1024xf32, #tpu.memory_space<vmem>>, vector<16xf32>,
        %add3A_690 = arith.addf %add3A_638, %add3A_686 : vector<16xf32>
        %mul3A_691 = arith.mulf %add3A_686, %add3A_686 : vector<16xf32>
        %add3A_692 = arith.addf %add3A_640, %mul3A_691 : vector<16xf32>
        %get3A_693 = arith.index_cast %scan3A_41 : i32 to index
        %get3A_694 = arith.constant 800 : index
        %get3A_695 = tpu.vector_load %arg9[%get3A_693, %get3A_694] {strides = array<i32>} : memref<32x1024xf32, #tpu.memory_space<vmem>>, vector<16xf32>,
        %get3A_696 = arith.index_cast %scan3A_41 : i32 to index
        %get3A_697 = arith.constant 800 : index
        %get3A_698 = tpu.vector_load %arg10[%get3A_696, %get3A_697] {strides = array<i32>} : memref<32x1024xf32, #tpu.memory_space<vmem>>, vector<16xf32>,
        %add3A_699 = arith.addf %get3A_695, %get3A_698 : vector<16xf32>
        %swap3A_700 = arith.index_cast %scan3A_41 : i32 to index
        %swap3A_701 = arith.constant 800 : index
        %swap3A_702 = tpu.vector_load %arg9[%swap3A_700, %swap3A_701] {strides = array<i32>} : memref<32x1024xf32, #tpu.memory_space<vmem>>, vector<16xf32>,
        tpu.vector_store %arg9[%swap3A_700, %swap3A_701], %add3A_699 {strides = array<i32>} : memref<32x1024xf32, #tpu.memory_space<vmem>>, vector<16xf32>,
        %add3A_703 = arith.addf %add3A_651, %add3A_699 : vector<16xf32>
        %mul3A_704 = arith.mulf %add3A_699, %add3A_699 : vector<16xf32>
        %add3A_705 = arith.addf %add3A_653, %mul3A_704 : vector<16xf32>
        %get3A_706 = arith.index_cast %scan3A_41 : i32 to index
        %get3A_707 = arith.constant 816 : index
        %get3A_708 = tpu.vector_load %arg9[%get3A_706, %get3A_707] {strides = array<i32>} : memref<32x1024xf32, #tpu.memory_space<vmem>>, vector<16xf32>,
        %get3A_709 = arith.index_cast %scan3A_41 : i32 to index
        %get3A_710 = arith.constant 816 : index
        %get3A_711 = tpu.vector_load %arg10[%get3A_709, %get3A_710] {strides = array<i32>} : memref<32x1024xf32, #tpu.memory_space<vmem>>, vector<16xf32>,
        %add3A_712 = arith.addf %get3A_708, %get3A_711 : vector<16xf32>
        %swap3A_713 = arith.index_cast %scan3A_41 : i32 to index
        %swap3A_714 = arith.constant 816 : index
        %swap3A_715 = tpu.vector_load %arg9[%swap3A_713, %swap3A_714] {strides = array<i32>} : memref<32x1024xf32, #tpu.memory_space<vmem>>, vector<16xf32>,
        tpu.vector_store %arg9[%swap3A_713, %swap3A_714], %add3A_712 {strides = array<i32>} : memref<32x1024xf32, #tpu.memory_space<vmem>>, vector<16xf32>,
        %add3A_716 = arith.addf %add3A_664, %add3A_712 : vector<16xf32>
        %mul3A_717 = arith.mulf %add3A_712, %add3A_712 : vector<16xf32>
        %add3A_718 = arith.addf %add3A_666, %mul3A_717 : vector<16xf32>
        %get3A_719 = arith.index_cast %scan3A_41 : i32 to index
        %get3A_720 = arith.constant 832 : index
        %get3A_721 = tpu.vector_load %arg9[%get3A_719, %get3A_720] {strides = array<i32>} : memref<32x1024xf32, #tpu.memory_space<vmem>>, vector<16xf32>,
        %get3A_722 = arith.index_cast %scan3A_41 : i32 to index
        %get3A_723 = arith.constant 832 : index
        %get3A_724 = tpu.vector_load %arg10[%get3A_722, %get3A_723] {strides = array<i32>} : memref<32x1024xf32, #tpu.memory_space<vmem>>, vector<16xf32>,
        %add3A_725 = arith.addf %get3A_721, %get3A_724 : vector<16xf32>
        %swap3A_726 = arith.index_cast %scan3A_41 : i32 to index
        %swap3A_727 = arith.constant 832 : index
        %swap3A_728 = tpu.vector_load %arg9[%swap3A_726, %swap3A_727] {strides = array<i32>} : memref<32x1024xf32, #tpu.memory_space<vmem>>, vector<16xf32>,
        tpu.vector_store %arg9[%swap3A_726, %swap3A_727], %add3A_725 {strides = array<i32>} : memref<32x1024xf32, #tpu.memory_space<vmem>>, vector<16xf32>,
        %add3A_729 = arith.addf %add3A_677, %add3A_725 : vector<16xf32>
        %mul3A_730 = arith.mulf %add3A_725, %add3A_725 : vector<16xf32>
        %add3A_731 = arith.addf %add3A_679, %mul3A_730 : vector<16xf32>
        %get3A_732 = arith.index_cast %scan3A_41 : i32 to index
        %get3A_733 = arith.constant 848 : index
        %get3A_734 = tpu.vector_load %arg9[%get3A_732, %get3A_733] {strides = array<i32>} : memref<32x1024xf32, #tpu.memory_space<vmem>>, vector<16xf32>,
        %get3A_735 = arith.index_cast %scan3A_41 : i32 to index
        %get3A_736 = arith.constant 848 : index
        %get3A_737 = tpu.vector_load %arg10[%get3A_735, %get3A_736] {strides = array<i32>} : memref<32x1024xf32, #tpu.memory_space<vmem>>, vector<16xf32>,
        %add3A_738 = arith.addf %get3A_734, %get3A_737 : vector<16xf32>
        %swap3A_739 = arith.index_cast %scan3A_41 : i32 to index
        %swap3A_740 = arith.constant 848 : index
        %swap3A_741 = tpu.vector_load %arg9[%swap3A_739, %swap3A_740] {strides = array<i32>} : memref<32x1024xf32, #tpu.memory_space<vmem>>, vector<16xf32>,
        tpu.vector_store %arg9[%swap3A_739, %swap3A_740], %add3A_738 {strides = array<i32>} : memref<32x1024xf32, #tpu.memory_space<vmem>>, vector<16xf32>,
        %add3A_742 = arith.addf %add3A_690, %add3A_738 : vector<16xf32>
        %mul3A_743 = arith.mulf %add3A_738, %add3A_738 : vector<16xf32>
        %add3A_744 = arith.addf %add3A_692, %mul3A_743 : vector<16xf32>
        %get3A_745 = arith.index_cast %scan3A_41 : i32 to index
        %get3A_746 = arith.constant 864 : index
        %get3A_747 = tpu.vector_load %arg9[%get3A_745, %get3A_746] {strides = array<i32>} : memref<32x1024xf32, #tpu.memory_space<vmem>>, vector<16xf32>,
        %get3A_748 = arith.index_cast %scan3A_41 : i32 to index
        %get3A_749 = arith.constant 864 : index
        %get3A_750 = tpu.vector_load %arg10[%get3A_748, %get3A_749] {strides = array<i32>} : memref<32x1024xf32, #tpu.memory_space<vmem>>, vector<16xf32>,
        %add3A_751 = arith.addf %get3A_747, %get3A_750 : vector<16xf32>
        %swap3A_752 = arith.index_cast %scan3A_41 : i32 to index
        %swap3A_753 = arith.constant 864 : index
        %swap3A_754 = tpu.vector_load %arg9[%swap3A_752, %swap3A_753] {strides = array<i32>} : memref<32x1024xf32, #tpu.memory_space<vmem>>, vector<16xf32>,
        tpu.vector_store %arg9[%swap3A_752, %swap3A_753], %add3A_751 {strides = array<i32>} : memref<32x1024xf32, #tpu.memory_space<vmem>>, vector<16xf32>,
        %add3A_755 = arith.addf %add3A_703, %add3A_751 : vector<16xf32>
        %mul3A_756 = arith.mulf %add3A_751, %add3A_751 : vector<16xf32>
        %add3A_757 = arith.addf %add3A_705, %mul3A_756 : vector<16xf32>
        %get3A_758 = arith.index_cast %scan3A_41 : i32 to index
        %get3A_759 = arith.constant 880 : index
        %get3A_760 = tpu.vector_load %arg9[%get3A_758, %get3A_759] {strides = array<i32>} : memref<32x1024xf32, #tpu.memory_space<vmem>>, vector<16xf32>,
        %get3A_761 = arith.index_cast %scan3A_41 : i32 to index
        %get3A_762 = arith.constant 880 : index
        %get3A_763 = tpu.vector_load %arg10[%get3A_761, %get3A_762] {strides = array<i32>} : memref<32x1024xf32, #tpu.memory_space<vmem>>, vector<16xf32>,
        %add3A_764 = arith.addf %get3A_760, %get3A_763 : vector<16xf32>
        %swap3A_765 = arith.index_cast %scan3A_41 : i32 to index
        %swap3A_766 = arith.constant 880 : index
        %swap3A_767 = tpu.vector_load %arg9[%swap3A_765, %swap3A_766] {strides = array<i32>} : memref<32x1024xf32, #tpu.memory_space<vmem>>, vector<16xf32>,
        tpu.vector_store %arg9[%swap3A_765, %swap3A_766], %add3A_764 {strides = array<i32>} : memref<32x1024xf32, #tpu.memory_space<vmem>>, vector<16xf32>,
        %add3A_768 = arith.addf %add3A_716, %add3A_764 : vector<16xf32>
        %mul3A_769 = arith.mulf %add3A_764, %add3A_764 : vector<16xf32>
        %add3A_770 = arith.addf %add3A_718, %mul3A_769 : vector<16xf32>
        %get3A_771 = arith.index_cast %scan3A_41 : i32 to index
        %get3A_772 = arith.constant 896 : index
        %get3A_773 = tpu.vector_load %arg9[%get3A_771, %get3A_772] {strides = array<i32>} : memref<32x1024xf32, #tpu.memory_space<vmem>>, vector<16xf32>,
        %get3A_774 = arith.index_cast %scan3A_41 : i32 to index
        %get3A_775 = arith.constant 896 : index
        %get3A_776 = tpu.vector_load %arg10[%get3A_774, %get3A_775] {strides = array<i32>} : memref<32x1024xf32, #tpu.memory_space<vmem>>, vector<16xf32>,
        %add3A_777 = arith.addf %get3A_773, %get3A_776 : vector<16xf32>
        %swap3A_778 = arith.index_cast %scan3A_41 : i32 to index
        %swap3A_779 = arith.constant 896 : index
        %swap3A_780 = tpu.vector_load %arg9[%swap3A_778, %swap3A_779] {strides = array<i32>} : memref<32x1024xf32, #tpu.memory_space<vmem>>, vector<16xf32>,
        tpu.vector_store %arg9[%swap3A_778, %swap3A_779], %add3A_777 {strides = array<i32>} : memref<32x1024xf32, #tpu.memory_space<vmem>>, vector<16xf32>,
        %add3A_781 = arith.addf %add3A_729, %add3A_777 : vector<16xf32>
        %mul3A_782 = arith.mulf %add3A_777, %add3A_777 : vector<16xf32>
        %add3A_783 = arith.addf %add3A_731, %mul3A_782 : vector<16xf32>
        %get3A_784 = arith.index_cast %scan3A_41 : i32 to index
        %get3A_785 = arith.constant 912 : index
        %get3A_786 = tpu.vector_load %arg9[%get3A_784, %get3A_785] {strides = array<i32>} : memref<32x1024xf32, #tpu.memory_space<vmem>>, vector<16xf32>,
        %get3A_787 = arith.index_cast %scan3A_41 : i32 to index
        %get3A_788 = arith.constant 912 : index
        %get3A_789 = tpu.vector_load %arg10[%get3A_787, %get3A_788] {strides = array<i32>} : memref<32x1024xf32, #tpu.memory_space<vmem>>, vector<16xf32>,
        %add3A_790 = arith.addf %get3A_786, %get3A_789 : vector<16xf32>
        %swap3A_791 = arith.index_cast %scan3A_41 : i32 to index
        %swap3A_792 = arith.constant 912 : index
        %swap3A_793 = tpu.vector_load %arg9[%swap3A_791, %swap3A_792] {strides = array<i32>} : memref<32x1024xf32, #tpu.memory_space<vmem>>, vector<16xf32>,
        tpu.vector_store %arg9[%swap3A_791, %swap3A_792], %add3A_790 {strides = array<i32>} : memref<32x1024xf32, #tpu.memory_space<vmem>>, vector<16xf32>,
        %add3A_794 = arith.addf %add3A_742, %add3A_790 : vector<16xf32>
        %mul3A_795 = arith.mulf %add3A_790, %add3A_790 : vector<16xf32>
        %add3A_796 = arith.addf %add3A_744, %mul3A_795 : vector<16xf32>
        %get3A_797 = arith.index_cast %scan3A_41 : i32 to index
        %get3A_798 = arith.constant 928 : index
        %get3A_799 = tpu.vector_load %arg9[%get3A_797, %get3A_798] {strides = array<i32>} : memref<32x1024xf32, #tpu.memory_space<vmem>>, vector<16xf32>,
        %get3A_800 = arith.index_cast %scan3A_41 : i32 to index
        %get3A_801 = arith.constant 928 : index
        %get3A_802 = tpu.vector_load %arg10[%get3A_800, %get3A_801] {strides = array<i32>} : memref<32x1024xf32, #tpu.memory_space<vmem>>, vector<16xf32>,
        %add3A_803 = arith.addf %get3A_799, %get3A_802 : vector<16xf32>
        %swap3A_804 = arith.index_cast %scan3A_41 : i32 to index
        %swap3A_805 = arith.constant 928 : index
        %swap3A_806 = tpu.vector_load %arg9[%swap3A_804, %swap3A_805] {strides = array<i32>} : memref<32x1024xf32, #tpu.memory_space<vmem>>, vector<16xf32>,
        tpu.vector_store %arg9[%swap3A_804, %swap3A_805], %add3A_803 {strides = array<i32>} : memref<32x1024xf32, #tpu.memory_space<vmem>>, vector<16xf32>,
        %add3A_807 = arith.addf %add3A_755, %add3A_803 : vector<16xf32>
        %mul3A_808 = arith.mulf %add3A_803, %add3A_803 : vector<16xf32>
        %add3A_809 = arith.addf %add3A_757, %mul3A_808 : vector<16xf32>
        %get3A_810 = arith.index_cast %scan3A_41 : i32 to index
        %get3A_811 = arith.constant 944 : index
        %get3A_812 = tpu.vector_load %arg9[%get3A_810, %get3A_811] {strides = array<i32>} : memref<32x1024xf32, #tpu.memory_space<vmem>>, vector<16xf32>,
        %get3A_813 = arith.index_cast %scan3A_41 : i32 to index
        %get3A_814 = arith.constant 944 : index
        %get3A_815 = tpu.vector_load %arg10[%get3A_813, %get3A_814] {strides = array<i32>} : memref<32x1024xf32, #tpu.memory_space<vmem>>, vector<16xf32>,
        %add3A_816 = arith.addf %get3A_812, %get3A_815 : vector<16xf32>
        %swap3A_817 = arith.index_cast %scan3A_41 : i32 to index
        %swap3A_818 = arith.constant 944 : index
        %swap3A_819 = tpu.vector_load %arg9[%swap3A_817, %swap3A_818] {strides = array<i32>} : memref<32x1024xf32, #tpu.memory_space<vmem>>, vector<16xf32>,
        tpu.vector_store %arg9[%swap3A_817, %swap3A_818], %add3A_816 {strides = array<i32>} : memref<32x1024xf32, #tpu.memory_space<vmem>>, vector<16xf32>,
        %add3A_820 = arith.addf %add3A_768, %add3A_816 : vector<16xf32>
        %mul3A_821 = arith.mulf %add3A_816, %add3A_816 : vector<16xf32>
        %add3A_822 = arith.addf %add3A_770, %mul3A_821 : vector<16xf32>
        %get3A_823 = arith.index_cast %scan3A_41 : i32 to index
        %get3A_824 = arith.constant 960 : index
        %get3A_825 = tpu.vector_load %arg9[%get3A_823, %get3A_824] {strides = array<i32>} : memref<32x1024xf32, #tpu.memory_space<vmem>>, vector<16xf32>,
        %get3A_826 = arith.index_cast %scan3A_41 : i32 to index
        %get3A_827 = arith.constant 960 : index
        %get3A_828 = tpu.vector_load %arg10[%get3A_826, %get3A_827] {strides = array<i32>} : memref<32x1024xf32, #tpu.memory_space<vmem>>, vector<16xf32>,
        %add3A_829 = arith.addf %get3A_825, %get3A_828 : vector<16xf32>
        %swap3A_830 = arith.index_cast %scan3A_41 : i32 to index
        %swap3A_831 = arith.constant 960 : index
        %swap3A_832 = tpu.vector_load %arg9[%swap3A_830, %swap3A_831] {strides = array<i32>} : memref<32x1024xf32, #tpu.memory_space<vmem>>, vector<16xf32>,
        tpu.vector_store %arg9[%swap3A_830, %swap3A_831], %add3A_829 {strides = array<i32>} : memref<32x1024xf32, #tpu.memory_space<vmem>>, vector<16xf32>,
        %add3A_833 = arith.addf %add3A_781, %add3A_829 : vector<16xf32>
        %mul3A_834 = arith.mulf %add3A_829, %add3A_829 : vector<16xf32>
        %add3A_835 = arith.addf %add3A_783, %mul3A_834 : vector<16xf32>
        %get3A_836 = arith.index_cast %scan3A_41 : i32 to index
        %get3A_837 = arith.constant 976 : index
        %get3A_838 = tpu.vector_load %arg9[%get3A_836, %get3A_837] {strides = array<i32>} : memref<32x1024xf32, #tpu.memory_space<vmem>>, vector<16xf32>,
        %get3A_839 = arith.index_cast %scan3A_41 : i32 to index
        %get3A_840 = arith.constant 976 : index
        %get3A_841 = tpu.vector_load %arg10[%get3A_839, %get3A_840] {strides = array<i32>} : memref<32x1024xf32, #tpu.memory_space<vmem>>, vector<16xf32>,
        %add3A_842 = arith.addf %get3A_838, %get3A_841 : vector<16xf32>
        %swap3A_843 = arith.index_cast %scan3A_41 : i32 to index
        %swap3A_844 = arith.constant 976 : index
        %swap3A_845 = tpu.vector_load %arg9[%swap3A_843, %swap3A_844] {strides = array<i32>} : memref<32x1024xf32, #tpu.memory_space<vmem>>, vector<16xf32>,
        tpu.vector_store %arg9[%swap3A_843, %swap3A_844], %add3A_842 {strides = array<i32>} : memref<32x1024xf32, #tpu.memory_space<vmem>>, vector<16xf32>,
        %add3A_846 = arith.addf %add3A_794, %add3A_842 : vector<16xf32>
        %mul3A_847 = arith.mulf %add3A_842, %add3A_842 : vector<16xf32>
        %add3A_848 = arith.addf %add3A_796, %mul3A_847 : vector<16xf32>
        %get3A_849 = arith.index_cast %scan3A_41 : i32 to index
        %get3A_850 = arith.constant 992 : index
        %get3A_851 = tpu.vector_load %arg9[%get3A_849, %get3A_850] {strides = array<i32>} : memref<32x1024xf32, #tpu.memory_space<vmem>>, vector<16xf32>,
        %get3A_852 = arith.index_cast %scan3A_41 : i32 to index
        %get3A_853 = arith.constant 992 : index
        %get3A_854 = tpu.vector_load %arg10[%get3A_852, %get3A_853] {strides = array<i32>} : memref<32x1024xf32, #tpu.memory_space<vmem>>, vector<16xf32>,
        %add3A_855 = arith.addf %get3A_851, %get3A_854 : vector<16xf32>
        %swap3A_856 = arith.index_cast %scan3A_41 : i32 to index
        %swap3A_857 = arith.constant 992 : index
        %swap3A_858 = tpu.vector_load %arg9[%swap3A_856, %swap3A_857] {strides = array<i32>} : memref<32x1024xf32, #tpu.memory_space<vmem>>, vector<16xf32>,
        tpu.vector_store %arg9[%swap3A_856, %swap3A_857], %add3A_855 {strides = array<i32>} : memref<32x1024xf32, #tpu.memory_space<vmem>>, vector<16xf32>,
        %add3A_859 = arith.addf %add3A_807, %add3A_855 : vector<16xf32>
        %mul3A_860 = arith.mulf %add3A_855, %add3A_855 : vector<16xf32>
        %add3A_861 = arith.addf %add3A_809, %mul3A_860 : vector<16xf32>
        %get3A_862 = arith.index_cast %scan3A_41 : i32 to index
        %get3A_863 = arith.constant 1008 : index
        %get3A_864 = tpu.vector_load %arg9[%get3A_862, %get3A_863] {strides = array<i32>} : memref<32x1024xf32, #tpu.memory_space<vmem>>, vector<16xf32>,
        %get3A_865 = arith.index_cast %scan3A_41 : i32 to index
        %get3A_866 = arith.constant 1008 : index
        %get3A_867 = tpu.vector_load %arg10[%get3A_865, %get3A_866] {strides = array<i32>} : memref<32x1024xf32, #tpu.memory_space<vmem>>, vector<16xf32>,
        %add3A_868 = arith.addf %get3A_864, %get3A_867 : vector<16xf32>
        %swap3A_869 = arith.index_cast %scan3A_41 : i32 to index
        %swap3A_870 = arith.constant 1008 : index
        %swap3A_871 = tpu.vector_load %arg9[%swap3A_869, %swap3A_870] {strides = array<i32>} : memref<32x1024xf32, #tpu.memory_space<vmem>>, vector<16xf32>,
        tpu.vector_store %arg9[%swap3A_869, %swap3A_870], %add3A_868 {strides = array<i32>} : memref<32x1024xf32, #tpu.memory_space<vmem>>, vector<16xf32>,
        %add3A_872 = arith.addf %add3A_820, %add3A_868 : vector<16xf32>
        %mul3A_873 = arith.mulf %add3A_868, %add3A_868 : vector<16xf32>
        %add3A_874 = arith.addf %add3A_822, %mul3A_873 : vector<16xf32>
        %add3A_875 = arith.addf %add3A_833, %add3A_846 : vector<16xf32>
        %add3A_876 = arith.addf %add3A_859, %add3A_872 : vector<16xf32>
        %add3A_877 = arith.addf %add3A_875, %add3A_876 : vector<16xf32>
        %add3A_878 = arith.addf %add3A_835, %add3A_848 : vector<16xf32>
        %add3A_879 = arith.addf %add3A_861, %add3A_874 : vector<16xf32>
        %add3A_880 = arith.addf %add3A_878, %add3A_879 : vector<16xf32>
        %iota3A = tpu.iota {dimensions = array<i32: 0>} : vector<16xi32>
        %swap3A_881 = arith.constant 0 : index
        %swap3A_882 = tpu.vector_load %arg15[%swap3A_881] {strides = array<i32>} : memref<32xf32, #tpu.memory_space<vmem>>, vector<16xf32>,
        tpu.vector_store %arg15[%swap3A_881], %add3A_877 {strides = array<i32>} : memref<32xf32, #tpu.memory_space<vmem>>, vector<16xf32>,
        %swap3A_883 = arith.constant 16 : index
        %swap3A_884 = tpu.vector_load %arg15[%swap3A_883] {strides = array<i32>} : memref<32xf32, #tpu.memory_space<vmem>>, vector<16xf32>,
        tpu.vector_store %arg15[%swap3A_883], %add3A_880 {strides = array<i32>} : memref<32xf32, #tpu.memory_space<vmem>>, vector<16xf32>,
        %xor3A = arith.constant 8 : i32
        %xor3A_885 = vector.broadcast %xor3A : i32 to vector<16xi32>
        %xor3A_886 = arith.xori %iota3A, %xor3A_885 : vector<16xi32>
        %gather3A = tpu.vector_load_idx %arg15[%xor3A_886] : memref<32xf32, #tpu.memory_space<vmem>>[vector<16xi32>], vector<16xf32>,
        %add3A_887 = arith.addf %add3A_877, %gather3A : vector<16xf32>
        %add3A_888 = arith.constant 16 : i32
        %add3A_889 = vector.broadcast %add3A_888 : i32 to vector<16xi32>
        %add3A_890 = arith.addi %xor3A_886, %add3A_889 : vector<16xi32>
        %gather3A_891 = tpu.vector_load_idx %arg15[%add3A_890] : memref<32xf32, #tpu.memory_space<vmem>>[vector<16xi32>], vector<16xf32>,
        %add3A_892 = arith.addf %add3A_880, %gather3A_891 : vector<16xf32>
        %swap3A_893 = arith.constant 0 : index
        %swap3A_894 = tpu.vector_load %arg15[%swap3A_893] {strides = array<i32>} : memref<32xf32, #tpu.memory_space<vmem>>, vector<16xf32>,
        tpu.vector_store %arg15[%swap3A_893], %add3A_887 {strides = array<i32>} : memref<32xf32, #tpu.memory_space<vmem>>, vector<16xf32>,
        %swap3A_895 = arith.constant 16 : index
        %swap3A_896 = tpu.vector_load %arg15[%swap3A_895] {strides = array<i32>} : memref<32xf32, #tpu.memory_space<vmem>>, vector<16xf32>,
        tpu.vector_store %arg15[%swap3A_895], %add3A_892 {strides = array<i32>} : memref<32xf32, #tpu.memory_space<vmem>>, vector<16xf32>,
        %xor3A_897 = arith.constant 4 : i32
        %xor3A_898 = vector.broadcast %xor3A_897 : i32 to vector<16xi32>
        %xor3A_899 = arith.xori %iota3A, %xor3A_898 : vector<16xi32>
        %gather3A_900 = tpu.vector_load_idx %arg15[%xor3A_899] : memref<32xf32, #tpu.memory_space<vmem>>[vector<16xi32>], vector<16xf32>,
        %add3A_901 = arith.addf %add3A_887, %gather3A_900 : vector<16xf32>
        %add3A_902 = arith.constant 16 : i32
        %add3A_903 = vector.broadcast %add3A_902 : i32 to vector<16xi32>
        %add3A_904 = arith.addi %xor3A_899, %add3A_903 : vector<16xi32>
        %gather3A_905 = tpu.vector_load_idx %arg15[%add3A_904] : memref<32xf32, #tpu.memory_space<vmem>>[vector<16xi32>], vector<16xf32>,
        %add3A_906 = arith.addf %add3A_892, %gather3A_905 : vector<16xf32>
        %swap3A_907 = arith.constant 0 : index
        %swap3A_908 = tpu.vector_load %arg15[%swap3A_907] {strides = array<i32>} : memref<32xf32, #tpu.memory_space<vmem>>, vector<16xf32>,
        tpu.vector_store %arg15[%swap3A_907], %add3A_901 {strides = array<i32>} : memref<32xf32, #tpu.memory_space<vmem>>, vector<16xf32>,
        %swap3A_909 = arith.constant 16 : index
        %swap3A_910 = tpu.vector_load %arg15[%swap3A_909] {strides = array<i32>} : memref<32xf32, #tpu.memory_space<vmem>>, vector<16xf32>,
        tpu.vector_store %arg15[%swap3A_909], %add3A_906 {strides = array<i32>} : memref<32xf32, #tpu.memory_space<vmem>>, vector<16xf32>,
        %xor3A_911 = arith.constant 2 : i32
        %xor3A_912 = vector.broadcast %xor3A_911 : i32 to vector<16xi32>
        %xor3A_913 = arith.xori %iota3A, %xor3A_912 : vector<16xi32>
        %gather3A_914 = tpu.vector_load_idx %arg15[%xor3A_913] : memref<32xf32, #tpu.memory_space<vmem>>[vector<16xi32>], vector<16xf32>,
        %add3A_915 = arith.addf %add3A_901, %gather3A_914 : vector<16xf32>
        %add3A_916 = arith.constant 16 : i32
        %add3A_917 = vector.broadcast %add3A_916 : i32 to vector<16xi32>
        %add3A_918 = arith.addi %xor3A_913, %add3A_917 : vector<16xi32>
        %gather3A_919 = tpu.vector_load_idx %arg15[%add3A_918] : memref<32xf32, #tpu.memory_space<vmem>>[vector<16xi32>], vector<16xf32>,
        %add3A_920 = arith.addf %add3A_906, %gather3A_919 : vector<16xf32>
        %swap3A_921 = arith.constant 0 : index
        %swap3A_922 = tpu.vector_load %arg15[%swap3A_921] {strides = array<i32>} : memref<32xf32, #tpu.memory_space<vmem>>, vector<16xf32>,
        tpu.vector_store %arg15[%swap3A_921], %add3A_915 {strides = array<i32>} : memref<32xf32, #tpu.memory_space<vmem>>, vector<16xf32>,
        %swap3A_923 = arith.constant 16 : index
        %swap3A_924 = tpu.vector_load %arg15[%swap3A_923] {strides = array<i32>} : memref<32xf32, #tpu.memory_space<vmem>>, vector<16xf32>,
        tpu.vector_store %arg15[%swap3A_923], %add3A_920 {strides = array<i32>} : memref<32xf32, #tpu.memory_space<vmem>>, vector<16xf32>,
        %xor3A_925 = arith.constant 1 : i32
        %xor3A_926 = vector.broadcast %xor3A_925 : i32 to vector<16xi32>
        %xor3A_927 = arith.xori %iota3A, %xor3A_926 : vector<16xi32>
        %gather3A_928 = tpu.vector_load_idx %arg15[%xor3A_927] : memref<32xf32, #tpu.memory_space<vmem>>[vector<16xi32>], vector<16xf32>,
        %add3A_929 = arith.addf %add3A_915, %gather3A_928 : vector<16xf32>
        %add3A_930 = arith.constant 16 : i32
        %add3A_931 = vector.broadcast %add3A_930 : i32 to vector<16xi32>
        %add3A_932 = arith.addi %xor3A_927, %add3A_931 : vector<16xi32>
        %gather3A_933 = tpu.vector_load_idx %arg15[%add3A_932] : memref<32xf32, #tpu.memory_space<vmem>>[vector<16xi32>], vector<16xf32>,
        %add3A_934 = arith.addf %add3A_920, %gather3A_933 : vector<16xf32>
        %mul3A_935 = arith.constant 9.765625E-4 : f32
        %mul3A_936 = vector.broadcast %mul3A_935 : f32 to vector<16xf32>
        %mul3A_937 = arith.mulf %add3A_929, %mul3A_936 : vector<16xf32>
        %mul3A_938 = arith.constant 9.765625E-4 : f32
        %mul3A_939 = vector.broadcast %mul3A_938 : f32 to vector<16xf32>
        %mul3A_940 = arith.mulf %add3A_934, %mul3A_939 : vector<16xf32>
        %mul3A_941 = arith.mulf %mul3A_937, %mul3A_937 : vector<16xf32>
        %sub3A = arith.subf %mul3A_940, %mul3A_941 : vector<16xf32>
        %add3A_942 = arith.constant 9.99999996E-13 : f32
        %add3A_943 = vector.broadcast %add3A_942 : f32 to vector<16xf32>
        %add3A_944 = arith.addf %sub3A, %add3A_943 : vector<16xf32>
        %bitcast3A = vector.bitcast %add3A_944 : vector<16xf32> to vector<16xi32>
        %broadcast_in_dim3A_945 = arith.constant 1597463007 : i32
        %broadcast_in_dim3A_946 = vector.broadcast %broadcast_in_dim3A_945 : i32 to vector<16xi32>
        %shift_right_arithmetic3A = arith.constant 1 : i32
        %shift_right_arithmetic3A_947 = vector.broadcast %shift_right_arithmetic3A : i32 to vector<16xi32>
        %shift_right_arithmetic3A_948 = arith.shrsi %bitcast3A, %shift_right_arithmetic3A_947 : vector<16xi32>
        %sub3A_949 = arith.subi %broadcast_in_dim3A_946, %shift_right_arithmetic3A_948 : vector<16xi32>
        %bitcast3A_950 = vector.bitcast %sub3A_949 : vector<16xi32> to vector<16xf32>
        %mul3A_951 = arith.constant 5.000000e-01 : f32
        %mul3A_952 = vector.broadcast %mul3A_951 : f32 to vector<16xf32>
        %mul3A_953 = arith.mulf %add3A_944, %mul3A_952 : vector<16xf32>
        %mul3A_954 = arith.mulf %mul3A_953, %bitcast3A_950 : vector<16xf32>
        %mul3A_955 = arith.mulf %mul3A_954, %bitcast3A_950 : vector<16xf32>
        %sub3A_956 = arith.constant 1.500000e+00 : f32
        %sub3A_957 = vector.broadcast %sub3A_956 : f32 to vector<16xf32>
        %sub3A_958 = arith.subf %sub3A_957, %mul3A_955 : vector<16xf32>
        %mul3A_959 = arith.mulf %bitcast3A_950, %sub3A_958 : vector<16xf32>
        %mul3A_960 = arith.mulf %mul3A_953, %mul3A_959 : vector<16xf32>
        %mul3A_961 = arith.mulf %mul3A_960, %mul3A_959 : vector<16xf32>
        %sub3A_962 = arith.constant 1.500000e+00 : f32
        %sub3A_963 = vector.broadcast %sub3A_962 : f32 to vector<16xf32>
        %sub3A_964 = arith.subf %sub3A_963, %mul3A_961 : vector<16xf32>
        %mul3A_965 = arith.mulf %mul3A_959, %sub3A_964 : vector<16xf32>
        %mul3A_966 = arith.mulf %mul3A_953, %mul3A_965 : vector<16xf32>
        %mul3A_967 = arith.mulf %mul3A_966, %mul3A_965 : vector<16xf32>
        %sub3A_968 = arith.constant 1.500000e+00 : f32
        %sub3A_969 = vector.broadcast %sub3A_968 : f32 to vector<16xf32>
        %sub3A_970 = arith.subf %sub3A_969, %mul3A_967 : vector<16xf32>
        %mul3A_971 = arith.mulf %mul3A_965, %sub3A_970 : vector<16xf32>
        %mul3A_972 = arith.mulf %mul3A_953, %mul3A_971 : vector<16xf32>
        %mul3A_973 = arith.mulf %mul3A_972, %mul3A_971 : vector<16xf32>
        %sub3A_974 = arith.constant 1.500000e+00 : f32
        %sub3A_975 = vector.broadcast %sub3A_974 : f32 to vector<16xf32>
        %sub3A_976 = arith.subf %sub3A_975, %mul3A_973 : vector<16xf32>
        %mul3A_977 = arith.mulf %mul3A_971, %sub3A_976 : vector<16xf32>
        %get3A_978 = arith.index_cast %scan3A_41 : i32 to index
        %get3A_979 = arith.constant 0 : index
        %get3A_980 = tpu.vector_load %arg9[%get3A_978, %get3A_979] {strides = array<i32>} : memref<32x1024xf32, #tpu.memory_space<vmem>>, vector<16xf32>,
        %sub3A_981 = arith.subf %get3A_980, %mul3A_937 : vector<16xf32>
        %mul3A_982 = arith.mulf %sub3A_981, %mul3A_977 : vector<16xf32>
        %get3A_983 = arith.constant 0 : i32
        %get3A_984 = arith.index_cast %get3A_983 : i32 to index
        %get3A_985 = arith.constant 0 : index
        %get3A_986 = tpu.vector_load %arg14[%get3A_984, %get3A_985] {strides = array<i32>} : memref<2x1024xf32, #tpu.memory_space<vmem>>, vector<16xf32>,
        %mul3A_987 = arith.mulf %mul3A_982, %get3A_986 : vector<16xf32>
        %get3A_988 = arith.constant 1 : i32
        %get3A_989 = arith.index_cast %get3A_988 : i32 to index
        %get3A_990 = arith.constant 0 : index
        %get3A_991 = tpu.vector_load %arg14[%get3A_989, %get3A_990] {strides = array<i32>} : memref<2x1024xf32, #tpu.memory_space<vmem>>, vector<16xf32>,
        %add3A_992 = arith.addf %mul3A_987, %get3A_991 : vector<16xf32>
        %swap3A_993 = arith.index_cast %scan3A_41 : i32 to index
        %swap3A_994 = arith.constant 0 : index
        %swap3A_995 = tpu.vector_load %arg9[%swap3A_993, %swap3A_994] {strides = array<i32>} : memref<32x1024xf32, #tpu.memory_space<vmem>>, vector<16xf32>,
        tpu.vector_store %arg9[%swap3A_993, %swap3A_994], %add3A_992 {strides = array<i32>} : memref<32x1024xf32, #tpu.memory_space<vmem>>, vector<16xf32>,
        %get3A_996 = arith.index_cast %scan3A_41 : i32 to index
        %get3A_997 = arith.constant 16 : index
        %get3A_998 = tpu.vector_load %arg9[%get3A_996, %get3A_997] {strides = array<i32>} : memref<32x1024xf32, #tpu.memory_space<vmem>>, vector<16xf32>,
        %sub3A_999 = arith.subf %get3A_998, %mul3A_937 : vector<16xf32>
        %mul3A_1000 = arith.mulf %sub3A_999, %mul3A_977 : vector<16xf32>
        %get3A_1001 = arith.constant 0 : i32
        %get3A_1002 = arith.index_cast %get3A_1001 : i32 to index
        %get3A_1003 = arith.constant 16 : index
        %get3A_1004 = tpu.vector_load %arg14[%get3A_1002, %get3A_1003] {strides = array<i32>} : memref<2x1024xf32, #tpu.memory_space<vmem>>, vector<16xf32>,
        %mul3A_1005 = arith.mulf %mul3A_1000, %get3A_1004 : vector<16xf32>
        %get3A_1006 = arith.constant 1 : i32
        %get3A_1007 = arith.index_cast %get3A_1006 : i32 to index
        %get3A_1008 = arith.constant 16 : index
        %get3A_1009 = tpu.vector_load %arg14[%get3A_1007, %get3A_1008] {strides = array<i32>} : memref<2x1024xf32, #tpu.memory_space<vmem>>, vector<16xf32>,
        %add3A_1010 = arith.addf %mul3A_1005, %get3A_1009 : vector<16xf32>
        %swap3A_1011 = arith.index_cast %scan3A_41 : i32 to index
        %swap3A_1012 = arith.constant 16 : index
        %swap3A_1013 = tpu.vector_load %arg9[%swap3A_1011, %swap3A_1012] {strides = array<i32>} : memref<32x1024xf32, #tpu.memory_space<vmem>>, vector<16xf32>,
        tpu.vector_store %arg9[%swap3A_1011, %swap3A_1012], %add3A_1010 {strides = array<i32>} : memref<32x1024xf32, #tpu.memory_space<vmem>>, vector<16xf32>,
        %get3A_1014 = arith.index_cast %scan3A_41 : i32 to index
        %get3A_1015 = arith.constant 32 : index
        %get3A_1016 = tpu.vector_load %arg9[%get3A_1014, %get3A_1015] {strides = array<i32>} : memref<32x1024xf32, #tpu.memory_space<vmem>>, vector<16xf32>,
        %sub3A_1017 = arith.subf %get3A_1016, %mul3A_937 : vector<16xf32>
        %mul3A_1018 = arith.mulf %sub3A_1017, %mul3A_977 : vector<16xf32>
        %get3A_1019 = arith.constant 0 : i32
        %get3A_1020 = arith.index_cast %get3A_1019 : i32 to index
        %get3A_1021 = arith.constant 32 : index
        %get3A_1022 = tpu.vector_load %arg14[%get3A_1020, %get3A_1021] {strides = array<i32>} : memref<2x1024xf32, #tpu.memory_space<vmem>>, vector<16xf32>,
        %mul3A_1023 = arith.mulf %mul3A_1018, %get3A_1022 : vector<16xf32>
        %get3A_1024 = arith.constant 1 : i32
        %get3A_1025 = arith.index_cast %get3A_1024 : i32 to index
        %get3A_1026 = arith.constant 32 : index
        %get3A_1027 = tpu.vector_load %arg14[%get3A_1025, %get3A_1026] {strides = array<i32>} : memref<2x1024xf32, #tpu.memory_space<vmem>>, vector<16xf32>,
        %add3A_1028 = arith.addf %mul3A_1023, %get3A_1027 : vector<16xf32>
        %swap3A_1029 = arith.index_cast %scan3A_41 : i32 to index
        %swap3A_1030 = arith.constant 32 : index
        %swap3A_1031 = tpu.vector_load %arg9[%swap3A_1029, %swap3A_1030] {strides = array<i32>} : memref<32x1024xf32, #tpu.memory_space<vmem>>, vector<16xf32>,
        tpu.vector_store %arg9[%swap3A_1029, %swap3A_1030], %add3A_1028 {strides = array<i32>} : memref<32x1024xf32, #tpu.memory_space<vmem>>, vector<16xf32>,
        %get3A_1032 = arith.index_cast %scan3A_41 : i32 to index
        %get3A_1033 = arith.constant 48 : index
        %get3A_1034 = tpu.vector_load %arg9[%get3A_1032, %get3A_1033] {strides = array<i32>} : memref<32x1024xf32, #tpu.memory_space<vmem>>, vector<16xf32>,
        %sub3A_1035 = arith.subf %get3A_1034, %mul3A_937 : vector<16xf32>
        %mul3A_1036 = arith.mulf %sub3A_1035, %mul3A_977 : vector<16xf32>
        %get3A_1037 = arith.constant 0 : i32
        %get3A_1038 = arith.index_cast %get3A_1037 : i32 to index
        %get3A_1039 = arith.constant 48 : index
        %get3A_1040 = tpu.vector_load %arg14[%get3A_1038, %get3A_1039] {strides = array<i32>} : memref<2x1024xf32, #tpu.memory_space<vmem>>, vector<16xf32>,
        %mul3A_1041 = arith.mulf %mul3A_1036, %get3A_1040 : vector<16xf32>
        %get3A_1042 = arith.constant 1 : i32
        %get3A_1043 = arith.index_cast %get3A_1042 : i32 to index
        %get3A_1044 = arith.constant 48 : index
        %get3A_1045 = tpu.vector_load %arg14[%get3A_1043, %get3A_1044] {strides = array<i32>} : memref<2x1024xf32, #tpu.memory_space<vmem>>, vector<16xf32>,
        %add3A_1046 = arith.addf %mul3A_1041, %get3A_1045 : vector<16xf32>
        %swap3A_1047 = arith.index_cast %scan3A_41 : i32 to index
        %swap3A_1048 = arith.constant 48 : index
        %swap3A_1049 = tpu.vector_load %arg9[%swap3A_1047, %swap3A_1048] {strides = array<i32>} : memref<32x1024xf32, #tpu.memory_space<vmem>>, vector<16xf32>,
        tpu.vector_store %arg9[%swap3A_1047, %swap3A_1048], %add3A_1046 {strides = array<i32>} : memref<32x1024xf32, #tpu.memory_space<vmem>>, vector<16xf32>,
        %get3A_1050 = arith.index_cast %scan3A_41 : i32 to index
        %get3A_1051 = arith.constant 64 : index
        %get3A_1052 = tpu.vector_load %arg9[%get3A_1050, %get3A_1051] {strides = array<i32>} : memref<32x1024xf32, #tpu.memory_space<vmem>>, vector<16xf32>,
        %sub3A_1053 = arith.subf %get3A_1052, %mul3A_937 : vector<16xf32>
        %mul3A_1054 = arith.mulf %sub3A_1053, %mul3A_977 : vector<16xf32>
        %get3A_1055 = arith.constant 0 : i32
        %get3A_1056 = arith.index_cast %get3A_1055 : i32 to index
        %get3A_1057 = arith.constant 64 : index
        %get3A_1058 = tpu.vector_load %arg14[%get3A_1056, %get3A_1057] {strides = array<i32>} : memref<2x1024xf32, #tpu.memory_space<vmem>>, vector<16xf32>,
        %mul3A_1059 = arith.mulf %mul3A_1054, %get3A_1058 : vector<16xf32>
        %get3A_1060 = arith.constant 1 : i32
        %get3A_1061 = arith.index_cast %get3A_1060 : i32 to index
        %get3A_1062 = arith.constant 64 : index
        %get3A_1063 = tpu.vector_load %arg14[%get3A_1061, %get3A_1062] {strides = array<i32>} : memref<2x1024xf32, #tpu.memory_space<vmem>>, vector<16xf32>,
        %add3A_1064 = arith.addf %mul3A_1059, %get3A_1063 : vector<16xf32>
        %swap3A_1065 = arith.index_cast %scan3A_41 : i32 to index
        %swap3A_1066 = arith.constant 64 : index
        %swap3A_1067 = tpu.vector_load %arg9[%swap3A_1065, %swap3A_1066] {strides = array<i32>} : memref<32x1024xf32, #tpu.memory_space<vmem>>, vector<16xf32>,
        tpu.vector_store %arg9[%swap3A_1065, %swap3A_1066], %add3A_1064 {strides = array<i32>} : memref<32x1024xf32, #tpu.memory_space<vmem>>, vector<16xf32>,
        %get3A_1068 = arith.index_cast %scan3A_41 : i32 to index
        %get3A_1069 = arith.constant 80 : index
        %get3A_1070 = tpu.vector_load %arg9[%get3A_1068, %get3A_1069] {strides = array<i32>} : memref<32x1024xf32, #tpu.memory_space<vmem>>, vector<16xf32>,
        %sub3A_1071 = arith.subf %get3A_1070, %mul3A_937 : vector<16xf32>
        %mul3A_1072 = arith.mulf %sub3A_1071, %mul3A_977 : vector<16xf32>
        %get3A_1073 = arith.constant 0 : i32
        %get3A_1074 = arith.index_cast %get3A_1073 : i32 to index
        %get3A_1075 = arith.constant 80 : index
        %get3A_1076 = tpu.vector_load %arg14[%get3A_1074, %get3A_1075] {strides = array<i32>} : memref<2x1024xf32, #tpu.memory_space<vmem>>, vector<16xf32>,
        %mul3A_1077 = arith.mulf %mul3A_1072, %get3A_1076 : vector<16xf32>
        %get3A_1078 = arith.constant 1 : i32
        %get3A_1079 = arith.index_cast %get3A_1078 : i32 to index
        %get3A_1080 = arith.constant 80 : index
        %get3A_1081 = tpu.vector_load %arg14[%get3A_1079, %get3A_1080] {strides = array<i32>} : memref<2x1024xf32, #tpu.memory_space<vmem>>, vector<16xf32>,
        %add3A_1082 = arith.addf %mul3A_1077, %get3A_1081 : vector<16xf32>
        %swap3A_1083 = arith.index_cast %scan3A_41 : i32 to index
        %swap3A_1084 = arith.constant 80 : index
        %swap3A_1085 = tpu.vector_load %arg9[%swap3A_1083, %swap3A_1084] {strides = array<i32>} : memref<32x1024xf32, #tpu.memory_space<vmem>>, vector<16xf32>,
        tpu.vector_store %arg9[%swap3A_1083, %swap3A_1084], %add3A_1082 {strides = array<i32>} : memref<32x1024xf32, #tpu.memory_space<vmem>>, vector<16xf32>,
        %get3A_1086 = arith.index_cast %scan3A_41 : i32 to index
        %get3A_1087 = arith.constant 96 : index
        %get3A_1088 = tpu.vector_load %arg9[%get3A_1086, %get3A_1087] {strides = array<i32>} : memref<32x1024xf32, #tpu.memory_space<vmem>>, vector<16xf32>,
        %sub3A_1089 = arith.subf %get3A_1088, %mul3A_937 : vector<16xf32>
        %mul3A_1090 = arith.mulf %sub3A_1089, %mul3A_977 : vector<16xf32>
        %get3A_1091 = arith.constant 0 : i32
        %get3A_1092 = arith.index_cast %get3A_1091 : i32 to index
        %get3A_1093 = arith.constant 96 : index
        %get3A_1094 = tpu.vector_load %arg14[%get3A_1092, %get3A_1093] {strides = array<i32>} : memref<2x1024xf32, #tpu.memory_space<vmem>>, vector<16xf32>,
        %mul3A_1095 = arith.mulf %mul3A_1090, %get3A_1094 : vector<16xf32>
        %get3A_1096 = arith.constant 1 : i32
        %get3A_1097 = arith.index_cast %get3A_1096 : i32 to index
        %get3A_1098 = arith.constant 96 : index
        %get3A_1099 = tpu.vector_load %arg14[%get3A_1097, %get3A_1098] {strides = array<i32>} : memref<2x1024xf32, #tpu.memory_space<vmem>>, vector<16xf32>,
        %add3A_1100 = arith.addf %mul3A_1095, %get3A_1099 : vector<16xf32>
        %swap3A_1101 = arith.index_cast %scan3A_41 : i32 to index
        %swap3A_1102 = arith.constant 96 : index
        %swap3A_1103 = tpu.vector_load %arg9[%swap3A_1101, %swap3A_1102] {strides = array<i32>} : memref<32x1024xf32, #tpu.memory_space<vmem>>, vector<16xf32>,
        tpu.vector_store %arg9[%swap3A_1101, %swap3A_1102], %add3A_1100 {strides = array<i32>} : memref<32x1024xf32, #tpu.memory_space<vmem>>, vector<16xf32>,
        %get3A_1104 = arith.index_cast %scan3A_41 : i32 to index
        %get3A_1105 = arith.constant 112 : index
        %get3A_1106 = tpu.vector_load %arg9[%get3A_1104, %get3A_1105] {strides = array<i32>} : memref<32x1024xf32, #tpu.memory_space<vmem>>, vector<16xf32>,
        %sub3A_1107 = arith.subf %get3A_1106, %mul3A_937 : vector<16xf32>
        %mul3A_1108 = arith.mulf %sub3A_1107, %mul3A_977 : vector<16xf32>
        %get3A_1109 = arith.constant 0 : i32
        %get3A_1110 = arith.index_cast %get3A_1109 : i32 to index
        %get3A_1111 = arith.constant 112 : index
        %get3A_1112 = tpu.vector_load %arg14[%get3A_1110, %get3A_1111] {strides = array<i32>} : memref<2x1024xf32, #tpu.memory_space<vmem>>, vector<16xf32>,
        %mul3A_1113 = arith.mulf %mul3A_1108, %get3A_1112 : vector<16xf32>
        %get3A_1114 = arith.constant 1 : i32
        %get3A_1115 = arith.index_cast %get3A_1114 : i32 to index
        %get3A_1116 = arith.constant 112 : index
        %get3A_1117 = tpu.vector_load %arg14[%get3A_1115, %get3A_1116] {strides = array<i32>} : memref<2x1024xf32, #tpu.memory_space<vmem>>, vector<16xf32>,
        %add3A_1118 = arith.addf %mul3A_1113, %get3A_1117 : vector<16xf32>
        %swap3A_1119 = arith.index_cast %scan3A_41 : i32 to index
        %swap3A_1120 = arith.constant 112 : index
        %swap3A_1121 = tpu.vector_load %arg9[%swap3A_1119, %swap3A_1120] {strides = array<i32>} : memref<32x1024xf32, #tpu.memory_space<vmem>>, vector<16xf32>,
        tpu.vector_store %arg9[%swap3A_1119, %swap3A_1120], %add3A_1118 {strides = array<i32>} : memref<32x1024xf32, #tpu.memory_space<vmem>>, vector<16xf32>,
        %get3A_1122 = arith.index_cast %scan3A_41 : i32 to index
        %get3A_1123 = arith.constant 128 : index
        %get3A_1124 = tpu.vector_load %arg9[%get3A_1122, %get3A_1123] {strides = array<i32>} : memref<32x1024xf32, #tpu.memory_space<vmem>>, vector<16xf32>,
        %sub3A_1125 = arith.subf %get3A_1124, %mul3A_937 : vector<16xf32>
        %mul3A_1126 = arith.mulf %sub3A_1125, %mul3A_977 : vector<16xf32>
        %get3A_1127 = arith.constant 0 : i32
        %get3A_1128 = arith.index_cast %get3A_1127 : i32 to index
        %get3A_1129 = arith.constant 128 : index
        %get3A_1130 = tpu.vector_load %arg14[%get3A_1128, %get3A_1129] {strides = array<i32>} : memref<2x1024xf32, #tpu.memory_space<vmem>>, vector<16xf32>,
        %mul3A_1131 = arith.mulf %mul3A_1126, %get3A_1130 : vector<16xf32>
        %get3A_1132 = arith.constant 1 : i32
        %get3A_1133 = arith.index_cast %get3A_1132 : i32 to index
        %get3A_1134 = arith.constant 128 : index
        %get3A_1135 = tpu.vector_load %arg14[%get3A_1133, %get3A_1134] {strides = array<i32>} : memref<2x1024xf32, #tpu.memory_space<vmem>>, vector<16xf32>,
        %add3A_1136 = arith.addf %mul3A_1131, %get3A_1135 : vector<16xf32>
        %swap3A_1137 = arith.index_cast %scan3A_41 : i32 to index
        %swap3A_1138 = arith.constant 128 : index
        %swap3A_1139 = tpu.vector_load %arg9[%swap3A_1137, %swap3A_1138] {strides = array<i32>} : memref<32x1024xf32, #tpu.memory_space<vmem>>, vector<16xf32>,
        tpu.vector_store %arg9[%swap3A_1137, %swap3A_1138], %add3A_1136 {strides = array<i32>} : memref<32x1024xf32, #tpu.memory_space<vmem>>, vector<16xf32>,
        %get3A_1140 = arith.index_cast %scan3A_41 : i32 to index
        %get3A_1141 = arith.constant 144 : index
        %get3A_1142 = tpu.vector_load %arg9[%get3A_1140, %get3A_1141] {strides = array<i32>} : memref<32x1024xf32, #tpu.memory_space<vmem>>, vector<16xf32>,
        %sub3A_1143 = arith.subf %get3A_1142, %mul3A_937 : vector<16xf32>
        %mul3A_1144 = arith.mulf %sub3A_1143, %mul3A_977 : vector<16xf32>
        %get3A_1145 = arith.constant 0 : i32
        %get3A_1146 = arith.index_cast %get3A_1145 : i32 to index
        %get3A_1147 = arith.constant 144 : index
        %get3A_1148 = tpu.vector_load %arg14[%get3A_1146, %get3A_1147] {strides = array<i32>} : memref<2x1024xf32, #tpu.memory_space<vmem>>, vector<16xf32>,
        %mul3A_1149 = arith.mulf %mul3A_1144, %get3A_1148 : vector<16xf32>
        %get3A_1150 = arith.constant 1 : i32
        %get3A_1151 = arith.index_cast %get3A_1150 : i32 to index
        %get3A_1152 = arith.constant 144 : index
        %get3A_1153 = tpu.vector_load %arg14[%get3A_1151, %get3A_1152] {strides = array<i32>} : memref<2x1024xf32, #tpu.memory_space<vmem>>, vector<16xf32>,
        %add3A_1154 = arith.addf %mul3A_1149, %get3A_1153 : vector<16xf32>
        %swap3A_1155 = arith.index_cast %scan3A_41 : i32 to index
        %swap3A_1156 = arith.constant 144 : index
        %swap3A_1157 = tpu.vector_load %arg9[%swap3A_1155, %swap3A_1156] {strides = array<i32>} : memref<32x1024xf32, #tpu.memory_space<vmem>>, vector<16xf32>,
        tpu.vector_store %arg9[%swap3A_1155, %swap3A_1156], %add3A_1154 {strides = array<i32>} : memref<32x1024xf32, #tpu.memory_space<vmem>>, vector<16xf32>,
        %get3A_1158 = arith.index_cast %scan3A_41 : i32 to index
        %get3A_1159 = arith.constant 160 : index
        %get3A_1160 = tpu.vector_load %arg9[%get3A_1158, %get3A_1159] {strides = array<i32>} : memref<32x1024xf32, #tpu.memory_space<vmem>>, vector<16xf32>,
        %sub3A_1161 = arith.subf %get3A_1160, %mul3A_937 : vector<16xf32>
        %mul3A_1162 = arith.mulf %sub3A_1161, %mul3A_977 : vector<16xf32>
        %get3A_1163 = arith.constant 0 : i32
        %get3A_1164 = arith.index_cast %get3A_1163 : i32 to index
        %get3A_1165 = arith.constant 160 : index
        %get3A_1166 = tpu.vector_load %arg14[%get3A_1164, %get3A_1165] {strides = array<i32>} : memref<2x1024xf32, #tpu.memory_space<vmem>>, vector<16xf32>,
        %mul3A_1167 = arith.mulf %mul3A_1162, %get3A_1166 : vector<16xf32>
        %get3A_1168 = arith.constant 1 : i32
        %get3A_1169 = arith.index_cast %get3A_1168 : i32 to index
        %get3A_1170 = arith.constant 160 : index
        %get3A_1171 = tpu.vector_load %arg14[%get3A_1169, %get3A_1170] {strides = array<i32>} : memref<2x1024xf32, #tpu.memory_space<vmem>>, vector<16xf32>,
        %add3A_1172 = arith.addf %mul3A_1167, %get3A_1171 : vector<16xf32>
        %swap3A_1173 = arith.index_cast %scan3A_41 : i32 to index
        %swap3A_1174 = arith.constant 160 : index
        %swap3A_1175 = tpu.vector_load %arg9[%swap3A_1173, %swap3A_1174] {strides = array<i32>} : memref<32x1024xf32, #tpu.memory_space<vmem>>, vector<16xf32>,
        tpu.vector_store %arg9[%swap3A_1173, %swap3A_1174], %add3A_1172 {strides = array<i32>} : memref<32x1024xf32, #tpu.memory_space<vmem>>, vector<16xf32>,
        %get3A_1176 = arith.index_cast %scan3A_41 : i32 to index
        %get3A_1177 = arith.constant 176 : index
        %get3A_1178 = tpu.vector_load %arg9[%get3A_1176, %get3A_1177] {strides = array<i32>} : memref<32x1024xf32, #tpu.memory_space<vmem>>, vector<16xf32>,
        %sub3A_1179 = arith.subf %get3A_1178, %mul3A_937 : vector<16xf32>
        %mul3A_1180 = arith.mulf %sub3A_1179, %mul3A_977 : vector<16xf32>
        %get3A_1181 = arith.constant 0 : i32
        %get3A_1182 = arith.index_cast %get3A_1181 : i32 to index
        %get3A_1183 = arith.constant 176 : index
        %get3A_1184 = tpu.vector_load %arg14[%get3A_1182, %get3A_1183] {strides = array<i32>} : memref<2x1024xf32, #tpu.memory_space<vmem>>, vector<16xf32>,
        %mul3A_1185 = arith.mulf %mul3A_1180, %get3A_1184 : vector<16xf32>
        %get3A_1186 = arith.constant 1 : i32
        %get3A_1187 = arith.index_cast %get3A_1186 : i32 to index
        %get3A_1188 = arith.constant 176 : index
        %get3A_1189 = tpu.vector_load %arg14[%get3A_1187, %get3A_1188] {strides = array<i32>} : memref<2x1024xf32, #tpu.memory_space<vmem>>, vector<16xf32>,
        %add3A_1190 = arith.addf %mul3A_1185, %get3A_1189 : vector<16xf32>
        %swap3A_1191 = arith.index_cast %scan3A_41 : i32 to index
        %swap3A_1192 = arith.constant 176 : index
        %swap3A_1193 = tpu.vector_load %arg9[%swap3A_1191, %swap3A_1192] {strides = array<i32>} : memref<32x1024xf32, #tpu.memory_space<vmem>>, vector<16xf32>,
        tpu.vector_store %arg9[%swap3A_1191, %swap3A_1192], %add3A_1190 {strides = array<i32>} : memref<32x1024xf32, #tpu.memory_space<vmem>>, vector<16xf32>,
        %get3A_1194 = arith.index_cast %scan3A_41 : i32 to index
        %get3A_1195 = arith.constant 192 : index
        %get3A_1196 = tpu.vector_load %arg9[%get3A_1194, %get3A_1195] {strides = array<i32>} : memref<32x1024xf32, #tpu.memory_space<vmem>>, vector<16xf32>,
        %sub3A_1197 = arith.subf %get3A_1196, %mul3A_937 : vector<16xf32>
        %mul3A_1198 = arith.mulf %sub3A_1197, %mul3A_977 : vector<16xf32>
        %get3A_1199 = arith.constant 0 : i32
        %get3A_1200 = arith.index_cast %get3A_1199 : i32 to index
        %get3A_1201 = arith.constant 192 : index
        %get3A_1202 = tpu.vector_load %arg14[%get3A_1200, %get3A_1201] {strides = array<i32>} : memref<2x1024xf32, #tpu.memory_space<vmem>>, vector<16xf32>,
        %mul3A_1203 = arith.mulf %mul3A_1198, %get3A_1202 : vector<16xf32>
        %get3A_1204 = arith.constant 1 : i32
        %get3A_1205 = arith.index_cast %get3A_1204 : i32 to index
        %get3A_1206 = arith.constant 192 : index
        %get3A_1207 = tpu.vector_load %arg14[%get3A_1205, %get3A_1206] {strides = array<i32>} : memref<2x1024xf32, #tpu.memory_space<vmem>>, vector<16xf32>,
        %add3A_1208 = arith.addf %mul3A_1203, %get3A_1207 : vector<16xf32>
        %swap3A_1209 = arith.index_cast %scan3A_41 : i32 to index
        %swap3A_1210 = arith.constant 192 : index
        %swap3A_1211 = tpu.vector_load %arg9[%swap3A_1209, %swap3A_1210] {strides = array<i32>} : memref<32x1024xf32, #tpu.memory_space<vmem>>, vector<16xf32>,
        tpu.vector_store %arg9[%swap3A_1209, %swap3A_1210], %add3A_1208 {strides = array<i32>} : memref<32x1024xf32, #tpu.memory_space<vmem>>, vector<16xf32>,
        %get3A_1212 = arith.index_cast %scan3A_41 : i32 to index
        %get3A_1213 = arith.constant 208 : index
        %get3A_1214 = tpu.vector_load %arg9[%get3A_1212, %get3A_1213] {strides = array<i32>} : memref<32x1024xf32, #tpu.memory_space<vmem>>, vector<16xf32>,
        %sub3A_1215 = arith.subf %get3A_1214, %mul3A_937 : vector<16xf32>
        %mul3A_1216 = arith.mulf %sub3A_1215, %mul3A_977 : vector<16xf32>
        %get3A_1217 = arith.constant 0 : i32
        %get3A_1218 = arith.index_cast %get3A_1217 : i32 to index
        %get3A_1219 = arith.constant 208 : index
        %get3A_1220 = tpu.vector_load %arg14[%get3A_1218, %get3A_1219] {strides = array<i32>} : memref<2x1024xf32, #tpu.memory_space<vmem>>, vector<16xf32>,
        %mul3A_1221 = arith.mulf %mul3A_1216, %get3A_1220 : vector<16xf32>
        %get3A_1222 = arith.constant 1 : i32
        %get3A_1223 = arith.index_cast %get3A_1222 : i32 to index
        %get3A_1224 = arith.constant 208 : index
        %get3A_1225 = tpu.vector_load %arg14[%get3A_1223, %get3A_1224] {strides = array<i32>} : memref<2x1024xf32, #tpu.memory_space<vmem>>, vector<16xf32>,
        %add3A_1226 = arith.addf %mul3A_1221, %get3A_1225 : vector<16xf32>
        %swap3A_1227 = arith.index_cast %scan3A_41 : i32 to index
        %swap3A_1228 = arith.constant 208 : index
        %swap3A_1229 = tpu.vector_load %arg9[%swap3A_1227, %swap3A_1228] {strides = array<i32>} : memref<32x1024xf32, #tpu.memory_space<vmem>>, vector<16xf32>,
        tpu.vector_store %arg9[%swap3A_1227, %swap3A_1228], %add3A_1226 {strides = array<i32>} : memref<32x1024xf32, #tpu.memory_space<vmem>>, vector<16xf32>,
        %get3A_1230 = arith.index_cast %scan3A_41 : i32 to index
        %get3A_1231 = arith.constant 224 : index
        %get3A_1232 = tpu.vector_load %arg9[%get3A_1230, %get3A_1231] {strides = array<i32>} : memref<32x1024xf32, #tpu.memory_space<vmem>>, vector<16xf32>,
        %sub3A_1233 = arith.subf %get3A_1232, %mul3A_937 : vector<16xf32>
        %mul3A_1234 = arith.mulf %sub3A_1233, %mul3A_977 : vector<16xf32>
        %get3A_1235 = arith.constant 0 : i32
        %get3A_1236 = arith.index_cast %get3A_1235 : i32 to index
        %get3A_1237 = arith.constant 224 : index
        %get3A_1238 = tpu.vector_load %arg14[%get3A_1236, %get3A_1237] {strides = array<i32>} : memref<2x1024xf32, #tpu.memory_space<vmem>>, vector<16xf32>,
        %mul3A_1239 = arith.mulf %mul3A_1234, %get3A_1238 : vector<16xf32>
        %get3A_1240 = arith.constant 1 : i32
        %get3A_1241 = arith.index_cast %get3A_1240 : i32 to index
        %get3A_1242 = arith.constant 224 : index
        %get3A_1243 = tpu.vector_load %arg14[%get3A_1241, %get3A_1242] {strides = array<i32>} : memref<2x1024xf32, #tpu.memory_space<vmem>>, vector<16xf32>,
        %add3A_1244 = arith.addf %mul3A_1239, %get3A_1243 : vector<16xf32>
        %swap3A_1245 = arith.index_cast %scan3A_41 : i32 to index
        %swap3A_1246 = arith.constant 224 : index
        %swap3A_1247 = tpu.vector_load %arg9[%swap3A_1245, %swap3A_1246] {strides = array<i32>} : memref<32x1024xf32, #tpu.memory_space<vmem>>, vector<16xf32>,
        tpu.vector_store %arg9[%swap3A_1245, %swap3A_1246], %add3A_1244 {strides = array<i32>} : memref<32x1024xf32, #tpu.memory_space<vmem>>, vector<16xf32>,
        %get3A_1248 = arith.index_cast %scan3A_41 : i32 to index
        %get3A_1249 = arith.constant 240 : index
        %get3A_1250 = tpu.vector_load %arg9[%get3A_1248, %get3A_1249] {strides = array<i32>} : memref<32x1024xf32, #tpu.memory_space<vmem>>, vector<16xf32>,
        %sub3A_1251 = arith.subf %get3A_1250, %mul3A_937 : vector<16xf32>
        %mul3A_1252 = arith.mulf %sub3A_1251, %mul3A_977 : vector<16xf32>
        %get3A_1253 = arith.constant 0 : i32
        %get3A_1254 = arith.index_cast %get3A_1253 : i32 to index
        %get3A_1255 = arith.constant 240 : index
        %get3A_1256 = tpu.vector_load %arg14[%get3A_1254, %get3A_1255] {strides = array<i32>} : memref<2x1024xf32, #tpu.memory_space<vmem>>, vector<16xf32>,
        %mul3A_1257 = arith.mulf %mul3A_1252, %get3A_1256 : vector<16xf32>
        %get3A_1258 = arith.constant 1 : i32
        %get3A_1259 = arith.index_cast %get3A_1258 : i32 to index
        %get3A_1260 = arith.constant 240 : index
        %get3A_1261 = tpu.vector_load %arg14[%get3A_1259, %get3A_1260] {strides = array<i32>} : memref<2x1024xf32, #tpu.memory_space<vmem>>, vector<16xf32>,
        %add3A_1262 = arith.addf %mul3A_1257, %get3A_1261 : vector<16xf32>
        %swap3A_1263 = arith.index_cast %scan3A_41 : i32 to index
        %swap3A_1264 = arith.constant 240 : index
        %swap3A_1265 = tpu.vector_load %arg9[%swap3A_1263, %swap3A_1264] {strides = array<i32>} : memref<32x1024xf32, #tpu.memory_space<vmem>>, vector<16xf32>,
        tpu.vector_store %arg9[%swap3A_1263, %swap3A_1264], %add3A_1262 {strides = array<i32>} : memref<32x1024xf32, #tpu.memory_space<vmem>>, vector<16xf32>,
        %get3A_1266 = arith.index_cast %scan3A_41 : i32 to index
        %get3A_1267 = arith.constant 256 : index
        %get3A_1268 = tpu.vector_load %arg9[%get3A_1266, %get3A_1267] {strides = array<i32>} : memref<32x1024xf32, #tpu.memory_space<vmem>>, vector<16xf32>,
        %sub3A_1269 = arith.subf %get3A_1268, %mul3A_937 : vector<16xf32>
        %mul3A_1270 = arith.mulf %sub3A_1269, %mul3A_977 : vector<16xf32>
        %get3A_1271 = arith.constant 0 : i32
        %get3A_1272 = arith.index_cast %get3A_1271 : i32 to index
        %get3A_1273 = arith.constant 256 : index
        %get3A_1274 = tpu.vector_load %arg14[%get3A_1272, %get3A_1273] {strides = array<i32>} : memref<2x1024xf32, #tpu.memory_space<vmem>>, vector<16xf32>,
        %mul3A_1275 = arith.mulf %mul3A_1270, %get3A_1274 : vector<16xf32>
        %get3A_1276 = arith.constant 1 : i32
        %get3A_1277 = arith.index_cast %get3A_1276 : i32 to index
        %get3A_1278 = arith.constant 256 : index
        %get3A_1279 = tpu.vector_load %arg14[%get3A_1277, %get3A_1278] {strides = array<i32>} : memref<2x1024xf32, #tpu.memory_space<vmem>>, vector<16xf32>,
        %add3A_1280 = arith.addf %mul3A_1275, %get3A_1279 : vector<16xf32>
        %swap3A_1281 = arith.index_cast %scan3A_41 : i32 to index
        %swap3A_1282 = arith.constant 256 : index
        %swap3A_1283 = tpu.vector_load %arg9[%swap3A_1281, %swap3A_1282] {strides = array<i32>} : memref<32x1024xf32, #tpu.memory_space<vmem>>, vector<16xf32>,
        tpu.vector_store %arg9[%swap3A_1281, %swap3A_1282], %add3A_1280 {strides = array<i32>} : memref<32x1024xf32, #tpu.memory_space<vmem>>, vector<16xf32>,
        %get3A_1284 = arith.index_cast %scan3A_41 : i32 to index
        %get3A_1285 = arith.constant 272 : index
        %get3A_1286 = tpu.vector_load %arg9[%get3A_1284, %get3A_1285] {strides = array<i32>} : memref<32x1024xf32, #tpu.memory_space<vmem>>, vector<16xf32>,
        %sub3A_1287 = arith.subf %get3A_1286, %mul3A_937 : vector<16xf32>
        %mul3A_1288 = arith.mulf %sub3A_1287, %mul3A_977 : vector<16xf32>
        %get3A_1289 = arith.constant 0 : i32
        %get3A_1290 = arith.index_cast %get3A_1289 : i32 to index
        %get3A_1291 = arith.constant 272 : index
        %get3A_1292 = tpu.vector_load %arg14[%get3A_1290, %get3A_1291] {strides = array<i32>} : memref<2x1024xf32, #tpu.memory_space<vmem>>, vector<16xf32>,
        %mul3A_1293 = arith.mulf %mul3A_1288, %get3A_1292 : vector<16xf32>
        %get3A_1294 = arith.constant 1 : i32
        %get3A_1295 = arith.index_cast %get3A_1294 : i32 to index
        %get3A_1296 = arith.constant 272 : index
        %get3A_1297 = tpu.vector_load %arg14[%get3A_1295, %get3A_1296] {strides = array<i32>} : memref<2x1024xf32, #tpu.memory_space<vmem>>, vector<16xf32>,
        %add3A_1298 = arith.addf %mul3A_1293, %get3A_1297 : vector<16xf32>
        %swap3A_1299 = arith.index_cast %scan3A_41 : i32 to index
        %swap3A_1300 = arith.constant 272 : index
        %swap3A_1301 = tpu.vector_load %arg9[%swap3A_1299, %swap3A_1300] {strides = array<i32>} : memref<32x1024xf32, #tpu.memory_space<vmem>>, vector<16xf32>,
        tpu.vector_store %arg9[%swap3A_1299, %swap3A_1300], %add3A_1298 {strides = array<i32>} : memref<32x1024xf32, #tpu.memory_space<vmem>>, vector<16xf32>,
        %get3A_1302 = arith.index_cast %scan3A_41 : i32 to index
        %get3A_1303 = arith.constant 288 : index
        %get3A_1304 = tpu.vector_load %arg9[%get3A_1302, %get3A_1303] {strides = array<i32>} : memref<32x1024xf32, #tpu.memory_space<vmem>>, vector<16xf32>,
        %sub3A_1305 = arith.subf %get3A_1304, %mul3A_937 : vector<16xf32>
        %mul3A_1306 = arith.mulf %sub3A_1305, %mul3A_977 : vector<16xf32>
        %get3A_1307 = arith.constant 0 : i32
        %get3A_1308 = arith.index_cast %get3A_1307 : i32 to index
        %get3A_1309 = arith.constant 288 : index
        %get3A_1310 = tpu.vector_load %arg14[%get3A_1308, %get3A_1309] {strides = array<i32>} : memref<2x1024xf32, #tpu.memory_space<vmem>>, vector<16xf32>,
        %mul3A_1311 = arith.mulf %mul3A_1306, %get3A_1310 : vector<16xf32>
        %get3A_1312 = arith.constant 1 : i32
        %get3A_1313 = arith.index_cast %get3A_1312 : i32 to index
        %get3A_1314 = arith.constant 288 : index
        %get3A_1315 = tpu.vector_load %arg14[%get3A_1313, %get3A_1314] {strides = array<i32>} : memref<2x1024xf32, #tpu.memory_space<vmem>>, vector<16xf32>,
        %add3A_1316 = arith.addf %mul3A_1311, %get3A_1315 : vector<16xf32>
        %swap3A_1317 = arith.index_cast %scan3A_41 : i32 to index
        %swap3A_1318 = arith.constant 288 : index
        %swap3A_1319 = tpu.vector_load %arg9[%swap3A_1317, %swap3A_1318] {strides = array<i32>} : memref<32x1024xf32, #tpu.memory_space<vmem>>, vector<16xf32>,
        tpu.vector_store %arg9[%swap3A_1317, %swap3A_1318], %add3A_1316 {strides = array<i32>} : memref<32x1024xf32, #tpu.memory_space<vmem>>, vector<16xf32>,
        %get3A_1320 = arith.index_cast %scan3A_41 : i32 to index
        %get3A_1321 = arith.constant 304 : index
        %get3A_1322 = tpu.vector_load %arg9[%get3A_1320, %get3A_1321] {strides = array<i32>} : memref<32x1024xf32, #tpu.memory_space<vmem>>, vector<16xf32>,
        %sub3A_1323 = arith.subf %get3A_1322, %mul3A_937 : vector<16xf32>
        %mul3A_1324 = arith.mulf %sub3A_1323, %mul3A_977 : vector<16xf32>
        %get3A_1325 = arith.constant 0 : i32
        %get3A_1326 = arith.index_cast %get3A_1325 : i32 to index
        %get3A_1327 = arith.constant 304 : index
        %get3A_1328 = tpu.vector_load %arg14[%get3A_1326, %get3A_1327] {strides = array<i32>} : memref<2x1024xf32, #tpu.memory_space<vmem>>, vector<16xf32>,
        %mul3A_1329 = arith.mulf %mul3A_1324, %get3A_1328 : vector<16xf32>
        %get3A_1330 = arith.constant 1 : i32
        %get3A_1331 = arith.index_cast %get3A_1330 : i32 to index
        %get3A_1332 = arith.constant 304 : index
        %get3A_1333 = tpu.vector_load %arg14[%get3A_1331, %get3A_1332] {strides = array<i32>} : memref<2x1024xf32, #tpu.memory_space<vmem>>, vector<16xf32>,
        %add3A_1334 = arith.addf %mul3A_1329, %get3A_1333 : vector<16xf32>
        %swap3A_1335 = arith.index_cast %scan3A_41 : i32 to index
        %swap3A_1336 = arith.constant 304 : index
        %swap3A_1337 = tpu.vector_load %arg9[%swap3A_1335, %swap3A_1336] {strides = array<i32>} : memref<32x1024xf32, #tpu.memory_space<vmem>>, vector<16xf32>,
        tpu.vector_store %arg9[%swap3A_1335, %swap3A_1336], %add3A_1334 {strides = array<i32>} : memref<32x1024xf32, #tpu.memory_space<vmem>>, vector<16xf32>,
        %get3A_1338 = arith.index_cast %scan3A_41 : i32 to index
        %get3A_1339 = arith.constant 320 : index
        %get3A_1340 = tpu.vector_load %arg9[%get3A_1338, %get3A_1339] {strides = array<i32>} : memref<32x1024xf32, #tpu.memory_space<vmem>>, vector<16xf32>,
        %sub3A_1341 = arith.subf %get3A_1340, %mul3A_937 : vector<16xf32>
        %mul3A_1342 = arith.mulf %sub3A_1341, %mul3A_977 : vector<16xf32>
        %get3A_1343 = arith.constant 0 : i32
        %get3A_1344 = arith.index_cast %get3A_1343 : i32 to index
        %get3A_1345 = arith.constant 320 : index
        %get3A_1346 = tpu.vector_load %arg14[%get3A_1344, %get3A_1345] {strides = array<i32>} : memref<2x1024xf32, #tpu.memory_space<vmem>>, vector<16xf32>,
        %mul3A_1347 = arith.mulf %mul3A_1342, %get3A_1346 : vector<16xf32>
        %get3A_1348 = arith.constant 1 : i32
        %get3A_1349 = arith.index_cast %get3A_1348 : i32 to index
        %get3A_1350 = arith.constant 320 : index
        %get3A_1351 = tpu.vector_load %arg14[%get3A_1349, %get3A_1350] {strides = array<i32>} : memref<2x1024xf32, #tpu.memory_space<vmem>>, vector<16xf32>,
        %add3A_1352 = arith.addf %mul3A_1347, %get3A_1351 : vector<16xf32>
        %swap3A_1353 = arith.index_cast %scan3A_41 : i32 to index
        %swap3A_1354 = arith.constant 320 : index
        %swap3A_1355 = tpu.vector_load %arg9[%swap3A_1353, %swap3A_1354] {strides = array<i32>} : memref<32x1024xf32, #tpu.memory_space<vmem>>, vector<16xf32>,
        tpu.vector_store %arg9[%swap3A_1353, %swap3A_1354], %add3A_1352 {strides = array<i32>} : memref<32x1024xf32, #tpu.memory_space<vmem>>, vector<16xf32>,
        %get3A_1356 = arith.index_cast %scan3A_41 : i32 to index
        %get3A_1357 = arith.constant 336 : index
        %get3A_1358 = tpu.vector_load %arg9[%get3A_1356, %get3A_1357] {strides = array<i32>} : memref<32x1024xf32, #tpu.memory_space<vmem>>, vector<16xf32>,
        %sub3A_1359 = arith.subf %get3A_1358, %mul3A_937 : vector<16xf32>
        %mul3A_1360 = arith.mulf %sub3A_1359, %mul3A_977 : vector<16xf32>
        %get3A_1361 = arith.constant 0 : i32
        %get3A_1362 = arith.index_cast %get3A_1361 : i32 to index
        %get3A_1363 = arith.constant 336 : index
        %get3A_1364 = tpu.vector_load %arg14[%get3A_1362, %get3A_1363] {strides = array<i32>} : memref<2x1024xf32, #tpu.memory_space<vmem>>, vector<16xf32>,
        %mul3A_1365 = arith.mulf %mul3A_1360, %get3A_1364 : vector<16xf32>
        %get3A_1366 = arith.constant 1 : i32
        %get3A_1367 = arith.index_cast %get3A_1366 : i32 to index
        %get3A_1368 = arith.constant 336 : index
        %get3A_1369 = tpu.vector_load %arg14[%get3A_1367, %get3A_1368] {strides = array<i32>} : memref<2x1024xf32, #tpu.memory_space<vmem>>, vector<16xf32>,
        %add3A_1370 = arith.addf %mul3A_1365, %get3A_1369 : vector<16xf32>
        %swap3A_1371 = arith.index_cast %scan3A_41 : i32 to index
        %swap3A_1372 = arith.constant 336 : index
        %swap3A_1373 = tpu.vector_load %arg9[%swap3A_1371, %swap3A_1372] {strides = array<i32>} : memref<32x1024xf32, #tpu.memory_space<vmem>>, vector<16xf32>,
        tpu.vector_store %arg9[%swap3A_1371, %swap3A_1372], %add3A_1370 {strides = array<i32>} : memref<32x1024xf32, #tpu.memory_space<vmem>>, vector<16xf32>,
        %get3A_1374 = arith.index_cast %scan3A_41 : i32 to index
        %get3A_1375 = arith.constant 352 : index
        %get3A_1376 = tpu.vector_load %arg9[%get3A_1374, %get3A_1375] {strides = array<i32>} : memref<32x1024xf32, #tpu.memory_space<vmem>>, vector<16xf32>,
        %sub3A_1377 = arith.subf %get3A_1376, %mul3A_937 : vector<16xf32>
        %mul3A_1378 = arith.mulf %sub3A_1377, %mul3A_977 : vector<16xf32>
        %get3A_1379 = arith.constant 0 : i32
        %get3A_1380 = arith.index_cast %get3A_1379 : i32 to index
        %get3A_1381 = arith.constant 352 : index
        %get3A_1382 = tpu.vector_load %arg14[%get3A_1380, %get3A_1381] {strides = array<i32>} : memref<2x1024xf32, #tpu.memory_space<vmem>>, vector<16xf32>,
        %mul3A_1383 = arith.mulf %mul3A_1378, %get3A_1382 : vector<16xf32>
        %get3A_1384 = arith.constant 1 : i32
        %get3A_1385 = arith.index_cast %get3A_1384 : i32 to index
        %get3A_1386 = arith.constant 352 : index
        %get3A_1387 = tpu.vector_load %arg14[%get3A_1385, %get3A_1386] {strides = array<i32>} : memref<2x1024xf32, #tpu.memory_space<vmem>>, vector<16xf32>,
        %add3A_1388 = arith.addf %mul3A_1383, %get3A_1387 : vector<16xf32>
        %swap3A_1389 = arith.index_cast %scan3A_41 : i32 to index
        %swap3A_1390 = arith.constant 352 : index
        %swap3A_1391 = tpu.vector_load %arg9[%swap3A_1389, %swap3A_1390] {strides = array<i32>} : memref<32x1024xf32, #tpu.memory_space<vmem>>, vector<16xf32>,
        tpu.vector_store %arg9[%swap3A_1389, %swap3A_1390], %add3A_1388 {strides = array<i32>} : memref<32x1024xf32, #tpu.memory_space<vmem>>, vector<16xf32>,
        %get3A_1392 = arith.index_cast %scan3A_41 : i32 to index
        %get3A_1393 = arith.constant 368 : index
        %get3A_1394 = tpu.vector_load %arg9[%get3A_1392, %get3A_1393] {strides = array<i32>} : memref<32x1024xf32, #tpu.memory_space<vmem>>, vector<16xf32>,
        %sub3A_1395 = arith.subf %get3A_1394, %mul3A_937 : vector<16xf32>
        %mul3A_1396 = arith.mulf %sub3A_1395, %mul3A_977 : vector<16xf32>
        %get3A_1397 = arith.constant 0 : i32
        %get3A_1398 = arith.index_cast %get3A_1397 : i32 to index
        %get3A_1399 = arith.constant 368 : index
        %get3A_1400 = tpu.vector_load %arg14[%get3A_1398, %get3A_1399] {strides = array<i32>} : memref<2x1024xf32, #tpu.memory_space<vmem>>, vector<16xf32>,
        %mul3A_1401 = arith.mulf %mul3A_1396, %get3A_1400 : vector<16xf32>
        %get3A_1402 = arith.constant 1 : i32
        %get3A_1403 = arith.index_cast %get3A_1402 : i32 to index
        %get3A_1404 = arith.constant 368 : index
        %get3A_1405 = tpu.vector_load %arg14[%get3A_1403, %get3A_1404] {strides = array<i32>} : memref<2x1024xf32, #tpu.memory_space<vmem>>, vector<16xf32>,
        %add3A_1406 = arith.addf %mul3A_1401, %get3A_1405 : vector<16xf32>
        %swap3A_1407 = arith.index_cast %scan3A_41 : i32 to index
        %swap3A_1408 = arith.constant 368 : index
        %swap3A_1409 = tpu.vector_load %arg9[%swap3A_1407, %swap3A_1408] {strides = array<i32>} : memref<32x1024xf32, #tpu.memory_space<vmem>>, vector<16xf32>,
        tpu.vector_store %arg9[%swap3A_1407, %swap3A_1408], %add3A_1406 {strides = array<i32>} : memref<32x1024xf32, #tpu.memory_space<vmem>>, vector<16xf32>,
        %get3A_1410 = arith.index_cast %scan3A_41 : i32 to index
        %get3A_1411 = arith.constant 384 : index
        %get3A_1412 = tpu.vector_load %arg9[%get3A_1410, %get3A_1411] {strides = array<i32>} : memref<32x1024xf32, #tpu.memory_space<vmem>>, vector<16xf32>,
        %sub3A_1413 = arith.subf %get3A_1412, %mul3A_937 : vector<16xf32>
        %mul3A_1414 = arith.mulf %sub3A_1413, %mul3A_977 : vector<16xf32>
        %get3A_1415 = arith.constant 0 : i32
        %get3A_1416 = arith.index_cast %get3A_1415 : i32 to index
        %get3A_1417 = arith.constant 384 : index
        %get3A_1418 = tpu.vector_load %arg14[%get3A_1416, %get3A_1417] {strides = array<i32>} : memref<2x1024xf32, #tpu.memory_space<vmem>>, vector<16xf32>,
        %mul3A_1419 = arith.mulf %mul3A_1414, %get3A_1418 : vector<16xf32>
        %get3A_1420 = arith.constant 1 : i32
        %get3A_1421 = arith.index_cast %get3A_1420 : i32 to index
        %get3A_1422 = arith.constant 384 : index
        %get3A_1423 = tpu.vector_load %arg14[%get3A_1421, %get3A_1422] {strides = array<i32>} : memref<2x1024xf32, #tpu.memory_space<vmem>>, vector<16xf32>,
        %add3A_1424 = arith.addf %mul3A_1419, %get3A_1423 : vector<16xf32>
        %swap3A_1425 = arith.index_cast %scan3A_41 : i32 to index
        %swap3A_1426 = arith.constant 384 : index
        %swap3A_1427 = tpu.vector_load %arg9[%swap3A_1425, %swap3A_1426] {strides = array<i32>} : memref<32x1024xf32, #tpu.memory_space<vmem>>, vector<16xf32>,
        tpu.vector_store %arg9[%swap3A_1425, %swap3A_1426], %add3A_1424 {strides = array<i32>} : memref<32x1024xf32, #tpu.memory_space<vmem>>, vector<16xf32>,
        %get3A_1428 = arith.index_cast %scan3A_41 : i32 to index
        %get3A_1429 = arith.constant 400 : index
        %get3A_1430 = tpu.vector_load %arg9[%get3A_1428, %get3A_1429] {strides = array<i32>} : memref<32x1024xf32, #tpu.memory_space<vmem>>, vector<16xf32>,
        %sub3A_1431 = arith.subf %get3A_1430, %mul3A_937 : vector<16xf32>
        %mul3A_1432 = arith.mulf %sub3A_1431, %mul3A_977 : vector<16xf32>
        %get3A_1433 = arith.constant 0 : i32
        %get3A_1434 = arith.index_cast %get3A_1433 : i32 to index
        %get3A_1435 = arith.constant 400 : index
        %get3A_1436 = tpu.vector_load %arg14[%get3A_1434, %get3A_1435] {strides = array<i32>} : memref<2x1024xf32, #tpu.memory_space<vmem>>, vector<16xf32>,
        %mul3A_1437 = arith.mulf %mul3A_1432, %get3A_1436 : vector<16xf32>
        %get3A_1438 = arith.constant 1 : i32
        %get3A_1439 = arith.index_cast %get3A_1438 : i32 to index
        %get3A_1440 = arith.constant 400 : index
        %get3A_1441 = tpu.vector_load %arg14[%get3A_1439, %get3A_1440] {strides = array<i32>} : memref<2x1024xf32, #tpu.memory_space<vmem>>, vector<16xf32>,
        %add3A_1442 = arith.addf %mul3A_1437, %get3A_1441 : vector<16xf32>
        %swap3A_1443 = arith.index_cast %scan3A_41 : i32 to index
        %swap3A_1444 = arith.constant 400 : index
        %swap3A_1445 = tpu.vector_load %arg9[%swap3A_1443, %swap3A_1444] {strides = array<i32>} : memref<32x1024xf32, #tpu.memory_space<vmem>>, vector<16xf32>,
        tpu.vector_store %arg9[%swap3A_1443, %swap3A_1444], %add3A_1442 {strides = array<i32>} : memref<32x1024xf32, #tpu.memory_space<vmem>>, vector<16xf32>,
        %get3A_1446 = arith.index_cast %scan3A_41 : i32 to index
        %get3A_1447 = arith.constant 416 : index
        %get3A_1448 = tpu.vector_load %arg9[%get3A_1446, %get3A_1447] {strides = array<i32>} : memref<32x1024xf32, #tpu.memory_space<vmem>>, vector<16xf32>,
        %sub3A_1449 = arith.subf %get3A_1448, %mul3A_937 : vector<16xf32>
        %mul3A_1450 = arith.mulf %sub3A_1449, %mul3A_977 : vector<16xf32>
        %get3A_1451 = arith.constant 0 : i32
        %get3A_1452 = arith.index_cast %get3A_1451 : i32 to index
        %get3A_1453 = arith.constant 416 : index
        %get3A_1454 = tpu.vector_load %arg14[%get3A_1452, %get3A_1453] {strides = array<i32>} : memref<2x1024xf32, #tpu.memory_space<vmem>>, vector<16xf32>,
        %mul3A_1455 = arith.mulf %mul3A_1450, %get3A_1454 : vector<16xf32>
        %get3A_1456 = arith.constant 1 : i32
        %get3A_1457 = arith.index_cast %get3A_1456 : i32 to index
        %get3A_1458 = arith.constant 416 : index
        %get3A_1459 = tpu.vector_load %arg14[%get3A_1457, %get3A_1458] {strides = array<i32>} : memref<2x1024xf32, #tpu.memory_space<vmem>>, vector<16xf32>,
        %add3A_1460 = arith.addf %mul3A_1455, %get3A_1459 : vector<16xf32>
        %swap3A_1461 = arith.index_cast %scan3A_41 : i32 to index
        %swap3A_1462 = arith.constant 416 : index
        %swap3A_1463 = tpu.vector_load %arg9[%swap3A_1461, %swap3A_1462] {strides = array<i32>} : memref<32x1024xf32, #tpu.memory_space<vmem>>, vector<16xf32>,
        tpu.vector_store %arg9[%swap3A_1461, %swap3A_1462], %add3A_1460 {strides = array<i32>} : memref<32x1024xf32, #tpu.memory_space<vmem>>, vector<16xf32>,
        %get3A_1464 = arith.index_cast %scan3A_41 : i32 to index
        %get3A_1465 = arith.constant 432 : index
        %get3A_1466 = tpu.vector_load %arg9[%get3A_1464, %get3A_1465] {strides = array<i32>} : memref<32x1024xf32, #tpu.memory_space<vmem>>, vector<16xf32>,
        %sub3A_1467 = arith.subf %get3A_1466, %mul3A_937 : vector<16xf32>
        %mul3A_1468 = arith.mulf %sub3A_1467, %mul3A_977 : vector<16xf32>
        %get3A_1469 = arith.constant 0 : i32
        %get3A_1470 = arith.index_cast %get3A_1469 : i32 to index
        %get3A_1471 = arith.constant 432 : index
        %get3A_1472 = tpu.vector_load %arg14[%get3A_1470, %get3A_1471] {strides = array<i32>} : memref<2x1024xf32, #tpu.memory_space<vmem>>, vector<16xf32>,
        %mul3A_1473 = arith.mulf %mul3A_1468, %get3A_1472 : vector<16xf32>
        %get3A_1474 = arith.constant 1 : i32
        %get3A_1475 = arith.index_cast %get3A_1474 : i32 to index
        %get3A_1476 = arith.constant 432 : index
        %get3A_1477 = tpu.vector_load %arg14[%get3A_1475, %get3A_1476] {strides = array<i32>} : memref<2x1024xf32, #tpu.memory_space<vmem>>, vector<16xf32>,
        %add3A_1478 = arith.addf %mul3A_1473, %get3A_1477 : vector<16xf32>
        %swap3A_1479 = arith.index_cast %scan3A_41 : i32 to index
        %swap3A_1480 = arith.constant 432 : index
        %swap3A_1481 = tpu.vector_load %arg9[%swap3A_1479, %swap3A_1480] {strides = array<i32>} : memref<32x1024xf32, #tpu.memory_space<vmem>>, vector<16xf32>,
        tpu.vector_store %arg9[%swap3A_1479, %swap3A_1480], %add3A_1478 {strides = array<i32>} : memref<32x1024xf32, #tpu.memory_space<vmem>>, vector<16xf32>,
        %get3A_1482 = arith.index_cast %scan3A_41 : i32 to index
        %get3A_1483 = arith.constant 448 : index
        %get3A_1484 = tpu.vector_load %arg9[%get3A_1482, %get3A_1483] {strides = array<i32>} : memref<32x1024xf32, #tpu.memory_space<vmem>>, vector<16xf32>,
        %sub3A_1485 = arith.subf %get3A_1484, %mul3A_937 : vector<16xf32>
        %mul3A_1486 = arith.mulf %sub3A_1485, %mul3A_977 : vector<16xf32>
        %get3A_1487 = arith.constant 0 : i32
        %get3A_1488 = arith.index_cast %get3A_1487 : i32 to index
        %get3A_1489 = arith.constant 448 : index
        %get3A_1490 = tpu.vector_load %arg14[%get3A_1488, %get3A_1489] {strides = array<i32>} : memref<2x1024xf32, #tpu.memory_space<vmem>>, vector<16xf32>,
        %mul3A_1491 = arith.mulf %mul3A_1486, %get3A_1490 : vector<16xf32>
        %get3A_1492 = arith.constant 1 : i32
        %get3A_1493 = arith.index_cast %get3A_1492 : i32 to index
        %get3A_1494 = arith.constant 448 : index
        %get3A_1495 = tpu.vector_load %arg14[%get3A_1493, %get3A_1494] {strides = array<i32>} : memref<2x1024xf32, #tpu.memory_space<vmem>>, vector<16xf32>,
        %add3A_1496 = arith.addf %mul3A_1491, %get3A_1495 : vector<16xf32>
        %swap3A_1497 = arith.index_cast %scan3A_41 : i32 to index
        %swap3A_1498 = arith.constant 448 : index
        %swap3A_1499 = tpu.vector_load %arg9[%swap3A_1497, %swap3A_1498] {strides = array<i32>} : memref<32x1024xf32, #tpu.memory_space<vmem>>, vector<16xf32>,
        tpu.vector_store %arg9[%swap3A_1497, %swap3A_1498], %add3A_1496 {strides = array<i32>} : memref<32x1024xf32, #tpu.memory_space<vmem>>, vector<16xf32>,
        %get3A_1500 = arith.index_cast %scan3A_41 : i32 to index
        %get3A_1501 = arith.constant 464 : index
        %get3A_1502 = tpu.vector_load %arg9[%get3A_1500, %get3A_1501] {strides = array<i32>} : memref<32x1024xf32, #tpu.memory_space<vmem>>, vector<16xf32>,
        %sub3A_1503 = arith.subf %get3A_1502, %mul3A_937 : vector<16xf32>
        %mul3A_1504 = arith.mulf %sub3A_1503, %mul3A_977 : vector<16xf32>
        %get3A_1505 = arith.constant 0 : i32
        %get3A_1506 = arith.index_cast %get3A_1505 : i32 to index
        %get3A_1507 = arith.constant 464 : index
        %get3A_1508 = tpu.vector_load %arg14[%get3A_1506, %get3A_1507] {strides = array<i32>} : memref<2x1024xf32, #tpu.memory_space<vmem>>, vector<16xf32>,
        %mul3A_1509 = arith.mulf %mul3A_1504, %get3A_1508 : vector<16xf32>
        %get3A_1510 = arith.constant 1 : i32
        %get3A_1511 = arith.index_cast %get3A_1510 : i32 to index
        %get3A_1512 = arith.constant 464 : index
        %get3A_1513 = tpu.vector_load %arg14[%get3A_1511, %get3A_1512] {strides = array<i32>} : memref<2x1024xf32, #tpu.memory_space<vmem>>, vector<16xf32>,
        %add3A_1514 = arith.addf %mul3A_1509, %get3A_1513 : vector<16xf32>
        %swap3A_1515 = arith.index_cast %scan3A_41 : i32 to index
        %swap3A_1516 = arith.constant 464 : index
        %swap3A_1517 = tpu.vector_load %arg9[%swap3A_1515, %swap3A_1516] {strides = array<i32>} : memref<32x1024xf32, #tpu.memory_space<vmem>>, vector<16xf32>,
        tpu.vector_store %arg9[%swap3A_1515, %swap3A_1516], %add3A_1514 {strides = array<i32>} : memref<32x1024xf32, #tpu.memory_space<vmem>>, vector<16xf32>,
        %get3A_1518 = arith.index_cast %scan3A_41 : i32 to index
        %get3A_1519 = arith.constant 480 : index
        %get3A_1520 = tpu.vector_load %arg9[%get3A_1518, %get3A_1519] {strides = array<i32>} : memref<32x1024xf32, #tpu.memory_space<vmem>>, vector<16xf32>,
        %sub3A_1521 = arith.subf %get3A_1520, %mul3A_937 : vector<16xf32>
        %mul3A_1522 = arith.mulf %sub3A_1521, %mul3A_977 : vector<16xf32>
        %get3A_1523 = arith.constant 0 : i32
        %get3A_1524 = arith.index_cast %get3A_1523 : i32 to index
        %get3A_1525 = arith.constant 480 : index
        %get3A_1526 = tpu.vector_load %arg14[%get3A_1524, %get3A_1525] {strides = array<i32>} : memref<2x1024xf32, #tpu.memory_space<vmem>>, vector<16xf32>,
        %mul3A_1527 = arith.mulf %mul3A_1522, %get3A_1526 : vector<16xf32>
        %get3A_1528 = arith.constant 1 : i32
        %get3A_1529 = arith.index_cast %get3A_1528 : i32 to index
        %get3A_1530 = arith.constant 480 : index
        %get3A_1531 = tpu.vector_load %arg14[%get3A_1529, %get3A_1530] {strides = array<i32>} : memref<2x1024xf32, #tpu.memory_space<vmem>>, vector<16xf32>,
        %add3A_1532 = arith.addf %mul3A_1527, %get3A_1531 : vector<16xf32>
        %swap3A_1533 = arith.index_cast %scan3A_41 : i32 to index
        %swap3A_1534 = arith.constant 480 : index
        %swap3A_1535 = tpu.vector_load %arg9[%swap3A_1533, %swap3A_1534] {strides = array<i32>} : memref<32x1024xf32, #tpu.memory_space<vmem>>, vector<16xf32>,
        tpu.vector_store %arg9[%swap3A_1533, %swap3A_1534], %add3A_1532 {strides = array<i32>} : memref<32x1024xf32, #tpu.memory_space<vmem>>, vector<16xf32>,
        %get3A_1536 = arith.index_cast %scan3A_41 : i32 to index
        %get3A_1537 = arith.constant 496 : index
        %get3A_1538 = tpu.vector_load %arg9[%get3A_1536, %get3A_1537] {strides = array<i32>} : memref<32x1024xf32, #tpu.memory_space<vmem>>, vector<16xf32>,
        %sub3A_1539 = arith.subf %get3A_1538, %mul3A_937 : vector<16xf32>
        %mul3A_1540 = arith.mulf %sub3A_1539, %mul3A_977 : vector<16xf32>
        %get3A_1541 = arith.constant 0 : i32
        %get3A_1542 = arith.index_cast %get3A_1541 : i32 to index
        %get3A_1543 = arith.constant 496 : index
        %get3A_1544 = tpu.vector_load %arg14[%get3A_1542, %get3A_1543] {strides = array<i32>} : memref<2x1024xf32, #tpu.memory_space<vmem>>, vector<16xf32>,
        %mul3A_1545 = arith.mulf %mul3A_1540, %get3A_1544 : vector<16xf32>
        %get3A_1546 = arith.constant 1 : i32
        %get3A_1547 = arith.index_cast %get3A_1546 : i32 to index
        %get3A_1548 = arith.constant 496 : index
        %get3A_1549 = tpu.vector_load %arg14[%get3A_1547, %get3A_1548] {strides = array<i32>} : memref<2x1024xf32, #tpu.memory_space<vmem>>, vector<16xf32>,
        %add3A_1550 = arith.addf %mul3A_1545, %get3A_1549 : vector<16xf32>
        %swap3A_1551 = arith.index_cast %scan3A_41 : i32 to index
        %swap3A_1552 = arith.constant 496 : index
        %swap3A_1553 = tpu.vector_load %arg9[%swap3A_1551, %swap3A_1552] {strides = array<i32>} : memref<32x1024xf32, #tpu.memory_space<vmem>>, vector<16xf32>,
        tpu.vector_store %arg9[%swap3A_1551, %swap3A_1552], %add3A_1550 {strides = array<i32>} : memref<32x1024xf32, #tpu.memory_space<vmem>>, vector<16xf32>,
        %get3A_1554 = arith.index_cast %scan3A_41 : i32 to index
        %get3A_1555 = arith.constant 512 : index
        %get3A_1556 = tpu.vector_load %arg9[%get3A_1554, %get3A_1555] {strides = array<i32>} : memref<32x1024xf32, #tpu.memory_space<vmem>>, vector<16xf32>,
        %sub3A_1557 = arith.subf %get3A_1556, %mul3A_937 : vector<16xf32>
        %mul3A_1558 = arith.mulf %sub3A_1557, %mul3A_977 : vector<16xf32>
        %get3A_1559 = arith.constant 0 : i32
        %get3A_1560 = arith.index_cast %get3A_1559 : i32 to index
        %get3A_1561 = arith.constant 512 : index
        %get3A_1562 = tpu.vector_load %arg14[%get3A_1560, %get3A_1561] {strides = array<i32>} : memref<2x1024xf32, #tpu.memory_space<vmem>>, vector<16xf32>,
        %mul3A_1563 = arith.mulf %mul3A_1558, %get3A_1562 : vector<16xf32>
        %get3A_1564 = arith.constant 1 : i32
        %get3A_1565 = arith.index_cast %get3A_1564 : i32 to index
        %get3A_1566 = arith.constant 512 : index
        %get3A_1567 = tpu.vector_load %arg14[%get3A_1565, %get3A_1566] {strides = array<i32>} : memref<2x1024xf32, #tpu.memory_space<vmem>>, vector<16xf32>,
        %add3A_1568 = arith.addf %mul3A_1563, %get3A_1567 : vector<16xf32>
        %swap3A_1569 = arith.index_cast %scan3A_41 : i32 to index
        %swap3A_1570 = arith.constant 512 : index
        %swap3A_1571 = tpu.vector_load %arg9[%swap3A_1569, %swap3A_1570] {strides = array<i32>} : memref<32x1024xf32, #tpu.memory_space<vmem>>, vector<16xf32>,
        tpu.vector_store %arg9[%swap3A_1569, %swap3A_1570], %add3A_1568 {strides = array<i32>} : memref<32x1024xf32, #tpu.memory_space<vmem>>, vector<16xf32>,
        %get3A_1572 = arith.index_cast %scan3A_41 : i32 to index
        %get3A_1573 = arith.constant 528 : index
        %get3A_1574 = tpu.vector_load %arg9[%get3A_1572, %get3A_1573] {strides = array<i32>} : memref<32x1024xf32, #tpu.memory_space<vmem>>, vector<16xf32>,
        %sub3A_1575 = arith.subf %get3A_1574, %mul3A_937 : vector<16xf32>
        %mul3A_1576 = arith.mulf %sub3A_1575, %mul3A_977 : vector<16xf32>
        %get3A_1577 = arith.constant 0 : i32
        %get3A_1578 = arith.index_cast %get3A_1577 : i32 to index
        %get3A_1579 = arith.constant 528 : index
        %get3A_1580 = tpu.vector_load %arg14[%get3A_1578, %get3A_1579] {strides = array<i32>} : memref<2x1024xf32, #tpu.memory_space<vmem>>, vector<16xf32>,
        %mul3A_1581 = arith.mulf %mul3A_1576, %get3A_1580 : vector<16xf32>
        %get3A_1582 = arith.constant 1 : i32
        %get3A_1583 = arith.index_cast %get3A_1582 : i32 to index
        %get3A_1584 = arith.constant 528 : index
        %get3A_1585 = tpu.vector_load %arg14[%get3A_1583, %get3A_1584] {strides = array<i32>} : memref<2x1024xf32, #tpu.memory_space<vmem>>, vector<16xf32>,
        %add3A_1586 = arith.addf %mul3A_1581, %get3A_1585 : vector<16xf32>
        %swap3A_1587 = arith.index_cast %scan3A_41 : i32 to index
        %swap3A_1588 = arith.constant 528 : index
        %swap3A_1589 = tpu.vector_load %arg9[%swap3A_1587, %swap3A_1588] {strides = array<i32>} : memref<32x1024xf32, #tpu.memory_space<vmem>>, vector<16xf32>,
        tpu.vector_store %arg9[%swap3A_1587, %swap3A_1588], %add3A_1586 {strides = array<i32>} : memref<32x1024xf32, #tpu.memory_space<vmem>>, vector<16xf32>,
        %get3A_1590 = arith.index_cast %scan3A_41 : i32 to index
        %get3A_1591 = arith.constant 544 : index
        %get3A_1592 = tpu.vector_load %arg9[%get3A_1590, %get3A_1591] {strides = array<i32>} : memref<32x1024xf32, #tpu.memory_space<vmem>>, vector<16xf32>,
        %sub3A_1593 = arith.subf %get3A_1592, %mul3A_937 : vector<16xf32>
        %mul3A_1594 = arith.mulf %sub3A_1593, %mul3A_977 : vector<16xf32>
        %get3A_1595 = arith.constant 0 : i32
        %get3A_1596 = arith.index_cast %get3A_1595 : i32 to index
        %get3A_1597 = arith.constant 544 : index
        %get3A_1598 = tpu.vector_load %arg14[%get3A_1596, %get3A_1597] {strides = array<i32>} : memref<2x1024xf32, #tpu.memory_space<vmem>>, vector<16xf32>,
        %mul3A_1599 = arith.mulf %mul3A_1594, %get3A_1598 : vector<16xf32>
        %get3A_1600 = arith.constant 1 : i32
        %get3A_1601 = arith.index_cast %get3A_1600 : i32 to index
        %get3A_1602 = arith.constant 544 : index
        %get3A_1603 = tpu.vector_load %arg14[%get3A_1601, %get3A_1602] {strides = array<i32>} : memref<2x1024xf32, #tpu.memory_space<vmem>>, vector<16xf32>,
        %add3A_1604 = arith.addf %mul3A_1599, %get3A_1603 : vector<16xf32>
        %swap3A_1605 = arith.index_cast %scan3A_41 : i32 to index
        %swap3A_1606 = arith.constant 544 : index
        %swap3A_1607 = tpu.vector_load %arg9[%swap3A_1605, %swap3A_1606] {strides = array<i32>} : memref<32x1024xf32, #tpu.memory_space<vmem>>, vector<16xf32>,
        tpu.vector_store %arg9[%swap3A_1605, %swap3A_1606], %add3A_1604 {strides = array<i32>} : memref<32x1024xf32, #tpu.memory_space<vmem>>, vector<16xf32>,
        %get3A_1608 = arith.index_cast %scan3A_41 : i32 to index
        %get3A_1609 = arith.constant 560 : index
        %get3A_1610 = tpu.vector_load %arg9[%get3A_1608, %get3A_1609] {strides = array<i32>} : memref<32x1024xf32, #tpu.memory_space<vmem>>, vector<16xf32>,
        %sub3A_1611 = arith.subf %get3A_1610, %mul3A_937 : vector<16xf32>
        %mul3A_1612 = arith.mulf %sub3A_1611, %mul3A_977 : vector<16xf32>
        %get3A_1613 = arith.constant 0 : i32
        %get3A_1614 = arith.index_cast %get3A_1613 : i32 to index
        %get3A_1615 = arith.constant 560 : index
        %get3A_1616 = tpu.vector_load %arg14[%get3A_1614, %get3A_1615] {strides = array<i32>} : memref<2x1024xf32, #tpu.memory_space<vmem>>, vector<16xf32>,
        %mul3A_1617 = arith.mulf %mul3A_1612, %get3A_1616 : vector<16xf32>
        %get3A_1618 = arith.constant 1 : i32
        %get3A_1619 = arith.index_cast %get3A_1618 : i32 to index
        %get3A_1620 = arith.constant 560 : index
        %get3A_1621 = tpu.vector_load %arg14[%get3A_1619, %get3A_1620] {strides = array<i32>} : memref<2x1024xf32, #tpu.memory_space<vmem>>, vector<16xf32>,
        %add3A_1622 = arith.addf %mul3A_1617, %get3A_1621 : vector<16xf32>
        %swap3A_1623 = arith.index_cast %scan3A_41 : i32 to index
        %swap3A_1624 = arith.constant 560 : index
        %swap3A_1625 = tpu.vector_load %arg9[%swap3A_1623, %swap3A_1624] {strides = array<i32>} : memref<32x1024xf32, #tpu.memory_space<vmem>>, vector<16xf32>,
        tpu.vector_store %arg9[%swap3A_1623, %swap3A_1624], %add3A_1622 {strides = array<i32>} : memref<32x1024xf32, #tpu.memory_space<vmem>>, vector<16xf32>,
        %get3A_1626 = arith.index_cast %scan3A_41 : i32 to index
        %get3A_1627 = arith.constant 576 : index
        %get3A_1628 = tpu.vector_load %arg9[%get3A_1626, %get3A_1627] {strides = array<i32>} : memref<32x1024xf32, #tpu.memory_space<vmem>>, vector<16xf32>,
        %sub3A_1629 = arith.subf %get3A_1628, %mul3A_937 : vector<16xf32>
        %mul3A_1630 = arith.mulf %sub3A_1629, %mul3A_977 : vector<16xf32>
        %get3A_1631 = arith.constant 0 : i32
        %get3A_1632 = arith.index_cast %get3A_1631 : i32 to index
        %get3A_1633 = arith.constant 576 : index
        %get3A_1634 = tpu.vector_load %arg14[%get3A_1632, %get3A_1633] {strides = array<i32>} : memref<2x1024xf32, #tpu.memory_space<vmem>>, vector<16xf32>,
        %mul3A_1635 = arith.mulf %mul3A_1630, %get3A_1634 : vector<16xf32>
        %get3A_1636 = arith.constant 1 : i32
        %get3A_1637 = arith.index_cast %get3A_1636 : i32 to index
        %get3A_1638 = arith.constant 576 : index
        %get3A_1639 = tpu.vector_load %arg14[%get3A_1637, %get3A_1638] {strides = array<i32>} : memref<2x1024xf32, #tpu.memory_space<vmem>>, vector<16xf32>,
        %add3A_1640 = arith.addf %mul3A_1635, %get3A_1639 : vector<16xf32>
        %swap3A_1641 = arith.index_cast %scan3A_41 : i32 to index
        %swap3A_1642 = arith.constant 576 : index
        %swap3A_1643 = tpu.vector_load %arg9[%swap3A_1641, %swap3A_1642] {strides = array<i32>} : memref<32x1024xf32, #tpu.memory_space<vmem>>, vector<16xf32>,
        tpu.vector_store %arg9[%swap3A_1641, %swap3A_1642], %add3A_1640 {strides = array<i32>} : memref<32x1024xf32, #tpu.memory_space<vmem>>, vector<16xf32>,
        %get3A_1644 = arith.index_cast %scan3A_41 : i32 to index
        %get3A_1645 = arith.constant 592 : index
        %get3A_1646 = tpu.vector_load %arg9[%get3A_1644, %get3A_1645] {strides = array<i32>} : memref<32x1024xf32, #tpu.memory_space<vmem>>, vector<16xf32>,
        %sub3A_1647 = arith.subf %get3A_1646, %mul3A_937 : vector<16xf32>
        %mul3A_1648 = arith.mulf %sub3A_1647, %mul3A_977 : vector<16xf32>
        %get3A_1649 = arith.constant 0 : i32
        %get3A_1650 = arith.index_cast %get3A_1649 : i32 to index
        %get3A_1651 = arith.constant 592 : index
        %get3A_1652 = tpu.vector_load %arg14[%get3A_1650, %get3A_1651] {strides = array<i32>} : memref<2x1024xf32, #tpu.memory_space<vmem>>, vector<16xf32>,
        %mul3A_1653 = arith.mulf %mul3A_1648, %get3A_1652 : vector<16xf32>
        %get3A_1654 = arith.constant 1 : i32
        %get3A_1655 = arith.index_cast %get3A_1654 : i32 to index
        %get3A_1656 = arith.constant 592 : index
        %get3A_1657 = tpu.vector_load %arg14[%get3A_1655, %get3A_1656] {strides = array<i32>} : memref<2x1024xf32, #tpu.memory_space<vmem>>, vector<16xf32>,
        %add3A_1658 = arith.addf %mul3A_1653, %get3A_1657 : vector<16xf32>
        %swap3A_1659 = arith.index_cast %scan3A_41 : i32 to index
        %swap3A_1660 = arith.constant 592 : index
        %swap3A_1661 = tpu.vector_load %arg9[%swap3A_1659, %swap3A_1660] {strides = array<i32>} : memref<32x1024xf32, #tpu.memory_space<vmem>>, vector<16xf32>,
        tpu.vector_store %arg9[%swap3A_1659, %swap3A_1660], %add3A_1658 {strides = array<i32>} : memref<32x1024xf32, #tpu.memory_space<vmem>>, vector<16xf32>,
        %get3A_1662 = arith.index_cast %scan3A_41 : i32 to index
        %get3A_1663 = arith.constant 608 : index
        %get3A_1664 = tpu.vector_load %arg9[%get3A_1662, %get3A_1663] {strides = array<i32>} : memref<32x1024xf32, #tpu.memory_space<vmem>>, vector<16xf32>,
        %sub3A_1665 = arith.subf %get3A_1664, %mul3A_937 : vector<16xf32>
        %mul3A_1666 = arith.mulf %sub3A_1665, %mul3A_977 : vector<16xf32>
        %get3A_1667 = arith.constant 0 : i32
        %get3A_1668 = arith.index_cast %get3A_1667 : i32 to index
        %get3A_1669 = arith.constant 608 : index
        %get3A_1670 = tpu.vector_load %arg14[%get3A_1668, %get3A_1669] {strides = array<i32>} : memref<2x1024xf32, #tpu.memory_space<vmem>>, vector<16xf32>,
        %mul3A_1671 = arith.mulf %mul3A_1666, %get3A_1670 : vector<16xf32>
        %get3A_1672 = arith.constant 1 : i32
        %get3A_1673 = arith.index_cast %get3A_1672 : i32 to index
        %get3A_1674 = arith.constant 608 : index
        %get3A_1675 = tpu.vector_load %arg14[%get3A_1673, %get3A_1674] {strides = array<i32>} : memref<2x1024xf32, #tpu.memory_space<vmem>>, vector<16xf32>,
        %add3A_1676 = arith.addf %mul3A_1671, %get3A_1675 : vector<16xf32>
        %swap3A_1677 = arith.index_cast %scan3A_41 : i32 to index
        %swap3A_1678 = arith.constant 608 : index
        %swap3A_1679 = tpu.vector_load %arg9[%swap3A_1677, %swap3A_1678] {strides = array<i32>} : memref<32x1024xf32, #tpu.memory_space<vmem>>, vector<16xf32>,
        tpu.vector_store %arg9[%swap3A_1677, %swap3A_1678], %add3A_1676 {strides = array<i32>} : memref<32x1024xf32, #tpu.memory_space<vmem>>, vector<16xf32>,
        %get3A_1680 = arith.index_cast %scan3A_41 : i32 to index
        %get3A_1681 = arith.constant 624 : index
        %get3A_1682 = tpu.vector_load %arg9[%get3A_1680, %get3A_1681] {strides = array<i32>} : memref<32x1024xf32, #tpu.memory_space<vmem>>, vector<16xf32>,
        %sub3A_1683 = arith.subf %get3A_1682, %mul3A_937 : vector<16xf32>
        %mul3A_1684 = arith.mulf %sub3A_1683, %mul3A_977 : vector<16xf32>
        %get3A_1685 = arith.constant 0 : i32
        %get3A_1686 = arith.index_cast %get3A_1685 : i32 to index
        %get3A_1687 = arith.constant 624 : index
        %get3A_1688 = tpu.vector_load %arg14[%get3A_1686, %get3A_1687] {strides = array<i32>} : memref<2x1024xf32, #tpu.memory_space<vmem>>, vector<16xf32>,
        %mul3A_1689 = arith.mulf %mul3A_1684, %get3A_1688 : vector<16xf32>
        %get3A_1690 = arith.constant 1 : i32
        %get3A_1691 = arith.index_cast %get3A_1690 : i32 to index
        %get3A_1692 = arith.constant 624 : index
        %get3A_1693 = tpu.vector_load %arg14[%get3A_1691, %get3A_1692] {strides = array<i32>} : memref<2x1024xf32, #tpu.memory_space<vmem>>, vector<16xf32>,
        %add3A_1694 = arith.addf %mul3A_1689, %get3A_1693 : vector<16xf32>
        %swap3A_1695 = arith.index_cast %scan3A_41 : i32 to index
        %swap3A_1696 = arith.constant 624 : index
        %swap3A_1697 = tpu.vector_load %arg9[%swap3A_1695, %swap3A_1696] {strides = array<i32>} : memref<32x1024xf32, #tpu.memory_space<vmem>>, vector<16xf32>,
        tpu.vector_store %arg9[%swap3A_1695, %swap3A_1696], %add3A_1694 {strides = array<i32>} : memref<32x1024xf32, #tpu.memory_space<vmem>>, vector<16xf32>,
        %get3A_1698 = arith.index_cast %scan3A_41 : i32 to index
        %get3A_1699 = arith.constant 640 : index
        %get3A_1700 = tpu.vector_load %arg9[%get3A_1698, %get3A_1699] {strides = array<i32>} : memref<32x1024xf32, #tpu.memory_space<vmem>>, vector<16xf32>,
        %sub3A_1701 = arith.subf %get3A_1700, %mul3A_937 : vector<16xf32>
        %mul3A_1702 = arith.mulf %sub3A_1701, %mul3A_977 : vector<16xf32>
        %get3A_1703 = arith.constant 0 : i32
        %get3A_1704 = arith.index_cast %get3A_1703 : i32 to index
        %get3A_1705 = arith.constant 640 : index
        %get3A_1706 = tpu.vector_load %arg14[%get3A_1704, %get3A_1705] {strides = array<i32>} : memref<2x1024xf32, #tpu.memory_space<vmem>>, vector<16xf32>,
        %mul3A_1707 = arith.mulf %mul3A_1702, %get3A_1706 : vector<16xf32>
        %get3A_1708 = arith.constant 1 : i32
        %get3A_1709 = arith.index_cast %get3A_1708 : i32 to index
        %get3A_1710 = arith.constant 640 : index
        %get3A_1711 = tpu.vector_load %arg14[%get3A_1709, %get3A_1710] {strides = array<i32>} : memref<2x1024xf32, #tpu.memory_space<vmem>>, vector<16xf32>,
        %add3A_1712 = arith.addf %mul3A_1707, %get3A_1711 : vector<16xf32>
        %swap3A_1713 = arith.index_cast %scan3A_41 : i32 to index
        %swap3A_1714 = arith.constant 640 : index
        %swap3A_1715 = tpu.vector_load %arg9[%swap3A_1713, %swap3A_1714] {strides = array<i32>} : memref<32x1024xf32, #tpu.memory_space<vmem>>, vector<16xf32>,
        tpu.vector_store %arg9[%swap3A_1713, %swap3A_1714], %add3A_1712 {strides = array<i32>} : memref<32x1024xf32, #tpu.memory_space<vmem>>, vector<16xf32>,
        %get3A_1716 = arith.index_cast %scan3A_41 : i32 to index
        %get3A_1717 = arith.constant 656 : index
        %get3A_1718 = tpu.vector_load %arg9[%get3A_1716, %get3A_1717] {strides = array<i32>} : memref<32x1024xf32, #tpu.memory_space<vmem>>, vector<16xf32>,
        %sub3A_1719 = arith.subf %get3A_1718, %mul3A_937 : vector<16xf32>
        %mul3A_1720 = arith.mulf %sub3A_1719, %mul3A_977 : vector<16xf32>
        %get3A_1721 = arith.constant 0 : i32
        %get3A_1722 = arith.index_cast %get3A_1721 : i32 to index
        %get3A_1723 = arith.constant 656 : index
        %get3A_1724 = tpu.vector_load %arg14[%get3A_1722, %get3A_1723] {strides = array<i32>} : memref<2x1024xf32, #tpu.memory_space<vmem>>, vector<16xf32>,
        %mul3A_1725 = arith.mulf %mul3A_1720, %get3A_1724 : vector<16xf32>
        %get3A_1726 = arith.constant 1 : i32
        %get3A_1727 = arith.index_cast %get3A_1726 : i32 to index
        %get3A_1728 = arith.constant 656 : index
        %get3A_1729 = tpu.vector_load %arg14[%get3A_1727, %get3A_1728] {strides = array<i32>} : memref<2x1024xf32, #tpu.memory_space<vmem>>, vector<16xf32>,
        %add3A_1730 = arith.addf %mul3A_1725, %get3A_1729 : vector<16xf32>
        %swap3A_1731 = arith.index_cast %scan3A_41 : i32 to index
        %swap3A_1732 = arith.constant 656 : index
        %swap3A_1733 = tpu.vector_load %arg9[%swap3A_1731, %swap3A_1732] {strides = array<i32>} : memref<32x1024xf32, #tpu.memory_space<vmem>>, vector<16xf32>,
        tpu.vector_store %arg9[%swap3A_1731, %swap3A_1732], %add3A_1730 {strides = array<i32>} : memref<32x1024xf32, #tpu.memory_space<vmem>>, vector<16xf32>,
        %get3A_1734 = arith.index_cast %scan3A_41 : i32 to index
        %get3A_1735 = arith.constant 672 : index
        %get3A_1736 = tpu.vector_load %arg9[%get3A_1734, %get3A_1735] {strides = array<i32>} : memref<32x1024xf32, #tpu.memory_space<vmem>>, vector<16xf32>,
        %sub3A_1737 = arith.subf %get3A_1736, %mul3A_937 : vector<16xf32>
        %mul3A_1738 = arith.mulf %sub3A_1737, %mul3A_977 : vector<16xf32>
        %get3A_1739 = arith.constant 0 : i32
        %get3A_1740 = arith.index_cast %get3A_1739 : i32 to index
        %get3A_1741 = arith.constant 672 : index
        %get3A_1742 = tpu.vector_load %arg14[%get3A_1740, %get3A_1741] {strides = array<i32>} : memref<2x1024xf32, #tpu.memory_space<vmem>>, vector<16xf32>,
        %mul3A_1743 = arith.mulf %mul3A_1738, %get3A_1742 : vector<16xf32>
        %get3A_1744 = arith.constant 1 : i32
        %get3A_1745 = arith.index_cast %get3A_1744 : i32 to index
        %get3A_1746 = arith.constant 672 : index
        %get3A_1747 = tpu.vector_load %arg14[%get3A_1745, %get3A_1746] {strides = array<i32>} : memref<2x1024xf32, #tpu.memory_space<vmem>>, vector<16xf32>,
        %add3A_1748 = arith.addf %mul3A_1743, %get3A_1747 : vector<16xf32>
        %swap3A_1749 = arith.index_cast %scan3A_41 : i32 to index
        %swap3A_1750 = arith.constant 672 : index
        %swap3A_1751 = tpu.vector_load %arg9[%swap3A_1749, %swap3A_1750] {strides = array<i32>} : memref<32x1024xf32, #tpu.memory_space<vmem>>, vector<16xf32>,
        tpu.vector_store %arg9[%swap3A_1749, %swap3A_1750], %add3A_1748 {strides = array<i32>} : memref<32x1024xf32, #tpu.memory_space<vmem>>, vector<16xf32>,
        %get3A_1752 = arith.index_cast %scan3A_41 : i32 to index
        %get3A_1753 = arith.constant 688 : index
        %get3A_1754 = tpu.vector_load %arg9[%get3A_1752, %get3A_1753] {strides = array<i32>} : memref<32x1024xf32, #tpu.memory_space<vmem>>, vector<16xf32>,
        %sub3A_1755 = arith.subf %get3A_1754, %mul3A_937 : vector<16xf32>
        %mul3A_1756 = arith.mulf %sub3A_1755, %mul3A_977 : vector<16xf32>
        %get3A_1757 = arith.constant 0 : i32
        %get3A_1758 = arith.index_cast %get3A_1757 : i32 to index
        %get3A_1759 = arith.constant 688 : index
        %get3A_1760 = tpu.vector_load %arg14[%get3A_1758, %get3A_1759] {strides = array<i32>} : memref<2x1024xf32, #tpu.memory_space<vmem>>, vector<16xf32>,
        %mul3A_1761 = arith.mulf %mul3A_1756, %get3A_1760 : vector<16xf32>
        %get3A_1762 = arith.constant 1 : i32
        %get3A_1763 = arith.index_cast %get3A_1762 : i32 to index
        %get3A_1764 = arith.constant 688 : index
        %get3A_1765 = tpu.vector_load %arg14[%get3A_1763, %get3A_1764] {strides = array<i32>} : memref<2x1024xf32, #tpu.memory_space<vmem>>, vector<16xf32>,
        %add3A_1766 = arith.addf %mul3A_1761, %get3A_1765 : vector<16xf32>
        %swap3A_1767 = arith.index_cast %scan3A_41 : i32 to index
        %swap3A_1768 = arith.constant 688 : index
        %swap3A_1769 = tpu.vector_load %arg9[%swap3A_1767, %swap3A_1768] {strides = array<i32>} : memref<32x1024xf32, #tpu.memory_space<vmem>>, vector<16xf32>,
        tpu.vector_store %arg9[%swap3A_1767, %swap3A_1768], %add3A_1766 {strides = array<i32>} : memref<32x1024xf32, #tpu.memory_space<vmem>>, vector<16xf32>,
        %get3A_1770 = arith.index_cast %scan3A_41 : i32 to index
        %get3A_1771 = arith.constant 704 : index
        %get3A_1772 = tpu.vector_load %arg9[%get3A_1770, %get3A_1771] {strides = array<i32>} : memref<32x1024xf32, #tpu.memory_space<vmem>>, vector<16xf32>,
        %sub3A_1773 = arith.subf %get3A_1772, %mul3A_937 : vector<16xf32>
        %mul3A_1774 = arith.mulf %sub3A_1773, %mul3A_977 : vector<16xf32>
        %get3A_1775 = arith.constant 0 : i32
        %get3A_1776 = arith.index_cast %get3A_1775 : i32 to index
        %get3A_1777 = arith.constant 704 : index
        %get3A_1778 = tpu.vector_load %arg14[%get3A_1776, %get3A_1777] {strides = array<i32>} : memref<2x1024xf32, #tpu.memory_space<vmem>>, vector<16xf32>,
        %mul3A_1779 = arith.mulf %mul3A_1774, %get3A_1778 : vector<16xf32>
        %get3A_1780 = arith.constant 1 : i32
        %get3A_1781 = arith.index_cast %get3A_1780 : i32 to index
        %get3A_1782 = arith.constant 704 : index
        %get3A_1783 = tpu.vector_load %arg14[%get3A_1781, %get3A_1782] {strides = array<i32>} : memref<2x1024xf32, #tpu.memory_space<vmem>>, vector<16xf32>,
        %add3A_1784 = arith.addf %mul3A_1779, %get3A_1783 : vector<16xf32>
        %swap3A_1785 = arith.index_cast %scan3A_41 : i32 to index
        %swap3A_1786 = arith.constant 704 : index
        %swap3A_1787 = tpu.vector_load %arg9[%swap3A_1785, %swap3A_1786] {strides = array<i32>} : memref<32x1024xf32, #tpu.memory_space<vmem>>, vector<16xf32>,
        tpu.vector_store %arg9[%swap3A_1785, %swap3A_1786], %add3A_1784 {strides = array<i32>} : memref<32x1024xf32, #tpu.memory_space<vmem>>, vector<16xf32>,
        %get3A_1788 = arith.index_cast %scan3A_41 : i32 to index
        %get3A_1789 = arith.constant 720 : index
        %get3A_1790 = tpu.vector_load %arg9[%get3A_1788, %get3A_1789] {strides = array<i32>} : memref<32x1024xf32, #tpu.memory_space<vmem>>, vector<16xf32>,
        %sub3A_1791 = arith.subf %get3A_1790, %mul3A_937 : vector<16xf32>
        %mul3A_1792 = arith.mulf %sub3A_1791, %mul3A_977 : vector<16xf32>
        %get3A_1793 = arith.constant 0 : i32
        %get3A_1794 = arith.index_cast %get3A_1793 : i32 to index
        %get3A_1795 = arith.constant 720 : index
        %get3A_1796 = tpu.vector_load %arg14[%get3A_1794, %get3A_1795] {strides = array<i32>} : memref<2x1024xf32, #tpu.memory_space<vmem>>, vector<16xf32>,
        %mul3A_1797 = arith.mulf %mul3A_1792, %get3A_1796 : vector<16xf32>
        %get3A_1798 = arith.constant 1 : i32
        %get3A_1799 = arith.index_cast %get3A_1798 : i32 to index
        %get3A_1800 = arith.constant 720 : index
        %get3A_1801 = tpu.vector_load %arg14[%get3A_1799, %get3A_1800] {strides = array<i32>} : memref<2x1024xf32, #tpu.memory_space<vmem>>, vector<16xf32>,
        %add3A_1802 = arith.addf %mul3A_1797, %get3A_1801 : vector<16xf32>
        %swap3A_1803 = arith.index_cast %scan3A_41 : i32 to index
        %swap3A_1804 = arith.constant 720 : index
        %swap3A_1805 = tpu.vector_load %arg9[%swap3A_1803, %swap3A_1804] {strides = array<i32>} : memref<32x1024xf32, #tpu.memory_space<vmem>>, vector<16xf32>,
        tpu.vector_store %arg9[%swap3A_1803, %swap3A_1804], %add3A_1802 {strides = array<i32>} : memref<32x1024xf32, #tpu.memory_space<vmem>>, vector<16xf32>,
        %get3A_1806 = arith.index_cast %scan3A_41 : i32 to index
        %get3A_1807 = arith.constant 736 : index
        %get3A_1808 = tpu.vector_load %arg9[%get3A_1806, %get3A_1807] {strides = array<i32>} : memref<32x1024xf32, #tpu.memory_space<vmem>>, vector<16xf32>,
        %sub3A_1809 = arith.subf %get3A_1808, %mul3A_937 : vector<16xf32>
        %mul3A_1810 = arith.mulf %sub3A_1809, %mul3A_977 : vector<16xf32>
        %get3A_1811 = arith.constant 0 : i32
        %get3A_1812 = arith.index_cast %get3A_1811 : i32 to index
        %get3A_1813 = arith.constant 736 : index
        %get3A_1814 = tpu.vector_load %arg14[%get3A_1812, %get3A_1813] {strides = array<i32>} : memref<2x1024xf32, #tpu.memory_space<vmem>>, vector<16xf32>,
        %mul3A_1815 = arith.mulf %mul3A_1810, %get3A_1814 : vector<16xf32>
        %get3A_1816 = arith.constant 1 : i32
        %get3A_1817 = arith.index_cast %get3A_1816 : i32 to index
        %get3A_1818 = arith.constant 736 : index
        %get3A_1819 = tpu.vector_load %arg14[%get3A_1817, %get3A_1818] {strides = array<i32>} : memref<2x1024xf32, #tpu.memory_space<vmem>>, vector<16xf32>,
        %add3A_1820 = arith.addf %mul3A_1815, %get3A_1819 : vector<16xf32>
        %swap3A_1821 = arith.index_cast %scan3A_41 : i32 to index
        %swap3A_1822 = arith.constant 736 : index
        %swap3A_1823 = tpu.vector_load %arg9[%swap3A_1821, %swap3A_1822] {strides = array<i32>} : memref<32x1024xf32, #tpu.memory_space<vmem>>, vector<16xf32>,
        tpu.vector_store %arg9[%swap3A_1821, %swap3A_1822], %add3A_1820 {strides = array<i32>} : memref<32x1024xf32, #tpu.memory_space<vmem>>, vector<16xf32>,
        %get3A_1824 = arith.index_cast %scan3A_41 : i32 to index
        %get3A_1825 = arith.constant 752 : index
        %get3A_1826 = tpu.vector_load %arg9[%get3A_1824, %get3A_1825] {strides = array<i32>} : memref<32x1024xf32, #tpu.memory_space<vmem>>, vector<16xf32>,
        %sub3A_1827 = arith.subf %get3A_1826, %mul3A_937 : vector<16xf32>
        %mul3A_1828 = arith.mulf %sub3A_1827, %mul3A_977 : vector<16xf32>
        %get3A_1829 = arith.constant 0 : i32
        %get3A_1830 = arith.index_cast %get3A_1829 : i32 to index
        %get3A_1831 = arith.constant 752 : index
        %get3A_1832 = tpu.vector_load %arg14[%get3A_1830, %get3A_1831] {strides = array<i32>} : memref<2x1024xf32, #tpu.memory_space<vmem>>, vector<16xf32>,
        %mul3A_1833 = arith.mulf %mul3A_1828, %get3A_1832 : vector<16xf32>
        %get3A_1834 = arith.constant 1 : i32
        %get3A_1835 = arith.index_cast %get3A_1834 : i32 to index
        %get3A_1836 = arith.constant 752 : index
        %get3A_1837 = tpu.vector_load %arg14[%get3A_1835, %get3A_1836] {strides = array<i32>} : memref<2x1024xf32, #tpu.memory_space<vmem>>, vector<16xf32>,
        %add3A_1838 = arith.addf %mul3A_1833, %get3A_1837 : vector<16xf32>
        %swap3A_1839 = arith.index_cast %scan3A_41 : i32 to index
        %swap3A_1840 = arith.constant 752 : index
        %swap3A_1841 = tpu.vector_load %arg9[%swap3A_1839, %swap3A_1840] {strides = array<i32>} : memref<32x1024xf32, #tpu.memory_space<vmem>>, vector<16xf32>,
        tpu.vector_store %arg9[%swap3A_1839, %swap3A_1840], %add3A_1838 {strides = array<i32>} : memref<32x1024xf32, #tpu.memory_space<vmem>>, vector<16xf32>,
        %get3A_1842 = arith.index_cast %scan3A_41 : i32 to index
        %get3A_1843 = arith.constant 768 : index
        %get3A_1844 = tpu.vector_load %arg9[%get3A_1842, %get3A_1843] {strides = array<i32>} : memref<32x1024xf32, #tpu.memory_space<vmem>>, vector<16xf32>,
        %sub3A_1845 = arith.subf %get3A_1844, %mul3A_937 : vector<16xf32>
        %mul3A_1846 = arith.mulf %sub3A_1845, %mul3A_977 : vector<16xf32>
        %get3A_1847 = arith.constant 0 : i32
        %get3A_1848 = arith.index_cast %get3A_1847 : i32 to index
        %get3A_1849 = arith.constant 768 : index
        %get3A_1850 = tpu.vector_load %arg14[%get3A_1848, %get3A_1849] {strides = array<i32>} : memref<2x1024xf32, #tpu.memory_space<vmem>>, vector<16xf32>,
        %mul3A_1851 = arith.mulf %mul3A_1846, %get3A_1850 : vector<16xf32>
        %get3A_1852 = arith.constant 1 : i32
        %get3A_1853 = arith.index_cast %get3A_1852 : i32 to index
        %get3A_1854 = arith.constant 768 : index
        %get3A_1855 = tpu.vector_load %arg14[%get3A_1853, %get3A_1854] {strides = array<i32>} : memref<2x1024xf32, #tpu.memory_space<vmem>>, vector<16xf32>,
        %add3A_1856 = arith.addf %mul3A_1851, %get3A_1855 : vector<16xf32>
        %swap3A_1857 = arith.index_cast %scan3A_41 : i32 to index
        %swap3A_1858 = arith.constant 768 : index
        %swap3A_1859 = tpu.vector_load %arg9[%swap3A_1857, %swap3A_1858] {strides = array<i32>} : memref<32x1024xf32, #tpu.memory_space<vmem>>, vector<16xf32>,
        tpu.vector_store %arg9[%swap3A_1857, %swap3A_1858], %add3A_1856 {strides = array<i32>} : memref<32x1024xf32, #tpu.memory_space<vmem>>, vector<16xf32>,
        %get3A_1860 = arith.index_cast %scan3A_41 : i32 to index
        %get3A_1861 = arith.constant 784 : index
        %get3A_1862 = tpu.vector_load %arg9[%get3A_1860, %get3A_1861] {strides = array<i32>} : memref<32x1024xf32, #tpu.memory_space<vmem>>, vector<16xf32>,
        %sub3A_1863 = arith.subf %get3A_1862, %mul3A_937 : vector<16xf32>
        %mul3A_1864 = arith.mulf %sub3A_1863, %mul3A_977 : vector<16xf32>
        %get3A_1865 = arith.constant 0 : i32
        %get3A_1866 = arith.index_cast %get3A_1865 : i32 to index
        %get3A_1867 = arith.constant 784 : index
        %get3A_1868 = tpu.vector_load %arg14[%get3A_1866, %get3A_1867] {strides = array<i32>} : memref<2x1024xf32, #tpu.memory_space<vmem>>, vector<16xf32>,
        %mul3A_1869 = arith.mulf %mul3A_1864, %get3A_1868 : vector<16xf32>
        %get3A_1870 = arith.constant 1 : i32
        %get3A_1871 = arith.index_cast %get3A_1870 : i32 to index
        %get3A_1872 = arith.constant 784 : index
        %get3A_1873 = tpu.vector_load %arg14[%get3A_1871, %get3A_1872] {strides = array<i32>} : memref<2x1024xf32, #tpu.memory_space<vmem>>, vector<16xf32>,
        %add3A_1874 = arith.addf %mul3A_1869, %get3A_1873 : vector<16xf32>
        %swap3A_1875 = arith.index_cast %scan3A_41 : i32 to index
        %swap3A_1876 = arith.constant 784 : index
        %swap3A_1877 = tpu.vector_load %arg9[%swap3A_1875, %swap3A_1876] {strides = array<i32>} : memref<32x1024xf32, #tpu.memory_space<vmem>>, vector<16xf32>,
        tpu.vector_store %arg9[%swap3A_1875, %swap3A_1876], %add3A_1874 {strides = array<i32>} : memref<32x1024xf32, #tpu.memory_space<vmem>>, vector<16xf32>,
        %get3A_1878 = arith.index_cast %scan3A_41 : i32 to index
        %get3A_1879 = arith.constant 800 : index
        %get3A_1880 = tpu.vector_load %arg9[%get3A_1878, %get3A_1879] {strides = array<i32>} : memref<32x1024xf32, #tpu.memory_space<vmem>>, vector<16xf32>,
        %sub3A_1881 = arith.subf %get3A_1880, %mul3A_937 : vector<16xf32>
        %mul3A_1882 = arith.mulf %sub3A_1881, %mul3A_977 : vector<16xf32>
        %get3A_1883 = arith.constant 0 : i32
        %get3A_1884 = arith.index_cast %get3A_1883 : i32 to index
        %get3A_1885 = arith.constant 800 : index
        %get3A_1886 = tpu.vector_load %arg14[%get3A_1884, %get3A_1885] {strides = array<i32>} : memref<2x1024xf32, #tpu.memory_space<vmem>>, vector<16xf32>,
        %mul3A_1887 = arith.mulf %mul3A_1882, %get3A_1886 : vector<16xf32>
        %get3A_1888 = arith.constant 1 : i32
        %get3A_1889 = arith.index_cast %get3A_1888 : i32 to index
        %get3A_1890 = arith.constant 800 : index
        %get3A_1891 = tpu.vector_load %arg14[%get3A_1889, %get3A_1890] {strides = array<i32>} : memref<2x1024xf32, #tpu.memory_space<vmem>>, vector<16xf32>,
        %add3A_1892 = arith.addf %mul3A_1887, %get3A_1891 : vector<16xf32>
        %swap3A_1893 = arith.index_cast %scan3A_41 : i32 to index
        %swap3A_1894 = arith.constant 800 : index
        %swap3A_1895 = tpu.vector_load %arg9[%swap3A_1893, %swap3A_1894] {strides = array<i32>} : memref<32x1024xf32, #tpu.memory_space<vmem>>, vector<16xf32>,
        tpu.vector_store %arg9[%swap3A_1893, %swap3A_1894], %add3A_1892 {strides = array<i32>} : memref<32x1024xf32, #tpu.memory_space<vmem>>, vector<16xf32>,
        %get3A_1896 = arith.index_cast %scan3A_41 : i32 to index
        %get3A_1897 = arith.constant 816 : index
        %get3A_1898 = tpu.vector_load %arg9[%get3A_1896, %get3A_1897] {strides = array<i32>} : memref<32x1024xf32, #tpu.memory_space<vmem>>, vector<16xf32>,
        %sub3A_1899 = arith.subf %get3A_1898, %mul3A_937 : vector<16xf32>
        %mul3A_1900 = arith.mulf %sub3A_1899, %mul3A_977 : vector<16xf32>
        %get3A_1901 = arith.constant 0 : i32
        %get3A_1902 = arith.index_cast %get3A_1901 : i32 to index
        %get3A_1903 = arith.constant 816 : index
        %get3A_1904 = tpu.vector_load %arg14[%get3A_1902, %get3A_1903] {strides = array<i32>} : memref<2x1024xf32, #tpu.memory_space<vmem>>, vector<16xf32>,
        %mul3A_1905 = arith.mulf %mul3A_1900, %get3A_1904 : vector<16xf32>
        %get3A_1906 = arith.constant 1 : i32
        %get3A_1907 = arith.index_cast %get3A_1906 : i32 to index
        %get3A_1908 = arith.constant 816 : index
        %get3A_1909 = tpu.vector_load %arg14[%get3A_1907, %get3A_1908] {strides = array<i32>} : memref<2x1024xf32, #tpu.memory_space<vmem>>, vector<16xf32>,
        %add3A_1910 = arith.addf %mul3A_1905, %get3A_1909 : vector<16xf32>
        %swap3A_1911 = arith.index_cast %scan3A_41 : i32 to index
        %swap3A_1912 = arith.constant 816 : index
        %swap3A_1913 = tpu.vector_load %arg9[%swap3A_1911, %swap3A_1912] {strides = array<i32>} : memref<32x1024xf32, #tpu.memory_space<vmem>>, vector<16xf32>,
        tpu.vector_store %arg9[%swap3A_1911, %swap3A_1912], %add3A_1910 {strides = array<i32>} : memref<32x1024xf32, #tpu.memory_space<vmem>>, vector<16xf32>,
        %get3A_1914 = arith.index_cast %scan3A_41 : i32 to index
        %get3A_1915 = arith.constant 832 : index
        %get3A_1916 = tpu.vector_load %arg9[%get3A_1914, %get3A_1915] {strides = array<i32>} : memref<32x1024xf32, #tpu.memory_space<vmem>>, vector<16xf32>,
        %sub3A_1917 = arith.subf %get3A_1916, %mul3A_937 : vector<16xf32>
        %mul3A_1918 = arith.mulf %sub3A_1917, %mul3A_977 : vector<16xf32>
        %get3A_1919 = arith.constant 0 : i32
        %get3A_1920 = arith.index_cast %get3A_1919 : i32 to index
        %get3A_1921 = arith.constant 832 : index
        %get3A_1922 = tpu.vector_load %arg14[%get3A_1920, %get3A_1921] {strides = array<i32>} : memref<2x1024xf32, #tpu.memory_space<vmem>>, vector<16xf32>,
        %mul3A_1923 = arith.mulf %mul3A_1918, %get3A_1922 : vector<16xf32>
        %get3A_1924 = arith.constant 1 : i32
        %get3A_1925 = arith.index_cast %get3A_1924 : i32 to index
        %get3A_1926 = arith.constant 832 : index
        %get3A_1927 = tpu.vector_load %arg14[%get3A_1925, %get3A_1926] {strides = array<i32>} : memref<2x1024xf32, #tpu.memory_space<vmem>>, vector<16xf32>,
        %add3A_1928 = arith.addf %mul3A_1923, %get3A_1927 : vector<16xf32>
        %swap3A_1929 = arith.index_cast %scan3A_41 : i32 to index
        %swap3A_1930 = arith.constant 832 : index
        %swap3A_1931 = tpu.vector_load %arg9[%swap3A_1929, %swap3A_1930] {strides = array<i32>} : memref<32x1024xf32, #tpu.memory_space<vmem>>, vector<16xf32>,
        tpu.vector_store %arg9[%swap3A_1929, %swap3A_1930], %add3A_1928 {strides = array<i32>} : memref<32x1024xf32, #tpu.memory_space<vmem>>, vector<16xf32>,
        %get3A_1932 = arith.index_cast %scan3A_41 : i32 to index
        %get3A_1933 = arith.constant 848 : index
        %get3A_1934 = tpu.vector_load %arg9[%get3A_1932, %get3A_1933] {strides = array<i32>} : memref<32x1024xf32, #tpu.memory_space<vmem>>, vector<16xf32>,
        %sub3A_1935 = arith.subf %get3A_1934, %mul3A_937 : vector<16xf32>
        %mul3A_1936 = arith.mulf %sub3A_1935, %mul3A_977 : vector<16xf32>
        %get3A_1937 = arith.constant 0 : i32
        %get3A_1938 = arith.index_cast %get3A_1937 : i32 to index
        %get3A_1939 = arith.constant 848 : index
        %get3A_1940 = tpu.vector_load %arg14[%get3A_1938, %get3A_1939] {strides = array<i32>} : memref<2x1024xf32, #tpu.memory_space<vmem>>, vector<16xf32>,
        %mul3A_1941 = arith.mulf %mul3A_1936, %get3A_1940 : vector<16xf32>
        %get3A_1942 = arith.constant 1 : i32
        %get3A_1943 = arith.index_cast %get3A_1942 : i32 to index
        %get3A_1944 = arith.constant 848 : index
        %get3A_1945 = tpu.vector_load %arg14[%get3A_1943, %get3A_1944] {strides = array<i32>} : memref<2x1024xf32, #tpu.memory_space<vmem>>, vector<16xf32>,
        %add3A_1946 = arith.addf %mul3A_1941, %get3A_1945 : vector<16xf32>
        %swap3A_1947 = arith.index_cast %scan3A_41 : i32 to index
        %swap3A_1948 = arith.constant 848 : index
        %swap3A_1949 = tpu.vector_load %arg9[%swap3A_1947, %swap3A_1948] {strides = array<i32>} : memref<32x1024xf32, #tpu.memory_space<vmem>>, vector<16xf32>,
        tpu.vector_store %arg9[%swap3A_1947, %swap3A_1948], %add3A_1946 {strides = array<i32>} : memref<32x1024xf32, #tpu.memory_space<vmem>>, vector<16xf32>,
        %get3A_1950 = arith.index_cast %scan3A_41 : i32 to index
        %get3A_1951 = arith.constant 864 : index
        %get3A_1952 = tpu.vector_load %arg9[%get3A_1950, %get3A_1951] {strides = array<i32>} : memref<32x1024xf32, #tpu.memory_space<vmem>>, vector<16xf32>,
        %sub3A_1953 = arith.subf %get3A_1952, %mul3A_937 : vector<16xf32>
        %mul3A_1954 = arith.mulf %sub3A_1953, %mul3A_977 : vector<16xf32>
        %get3A_1955 = arith.constant 0 : i32
        %get3A_1956 = arith.index_cast %get3A_1955 : i32 to index
        %get3A_1957 = arith.constant 864 : index
        %get3A_1958 = tpu.vector_load %arg14[%get3A_1956, %get3A_1957] {strides = array<i32>} : memref<2x1024xf32, #tpu.memory_space<vmem>>, vector<16xf32>,
        %mul3A_1959 = arith.mulf %mul3A_1954, %get3A_1958 : vector<16xf32>
        %get3A_1960 = arith.constant 1 : i32
        %get3A_1961 = arith.index_cast %get3A_1960 : i32 to index
        %get3A_1962 = arith.constant 864 : index
        %get3A_1963 = tpu.vector_load %arg14[%get3A_1961, %get3A_1962] {strides = array<i32>} : memref<2x1024xf32, #tpu.memory_space<vmem>>, vector<16xf32>,
        %add3A_1964 = arith.addf %mul3A_1959, %get3A_1963 : vector<16xf32>
        %swap3A_1965 = arith.index_cast %scan3A_41 : i32 to index
        %swap3A_1966 = arith.constant 864 : index
        %swap3A_1967 = tpu.vector_load %arg9[%swap3A_1965, %swap3A_1966] {strides = array<i32>} : memref<32x1024xf32, #tpu.memory_space<vmem>>, vector<16xf32>,
        tpu.vector_store %arg9[%swap3A_1965, %swap3A_1966], %add3A_1964 {strides = array<i32>} : memref<32x1024xf32, #tpu.memory_space<vmem>>, vector<16xf32>,
        %get3A_1968 = arith.index_cast %scan3A_41 : i32 to index
        %get3A_1969 = arith.constant 880 : index
        %get3A_1970 = tpu.vector_load %arg9[%get3A_1968, %get3A_1969] {strides = array<i32>} : memref<32x1024xf32, #tpu.memory_space<vmem>>, vector<16xf32>,
        %sub3A_1971 = arith.subf %get3A_1970, %mul3A_937 : vector<16xf32>
        %mul3A_1972 = arith.mulf %sub3A_1971, %mul3A_977 : vector<16xf32>
        %get3A_1973 = arith.constant 0 : i32
        %get3A_1974 = arith.index_cast %get3A_1973 : i32 to index
        %get3A_1975 = arith.constant 880 : index
        %get3A_1976 = tpu.vector_load %arg14[%get3A_1974, %get3A_1975] {strides = array<i32>} : memref<2x1024xf32, #tpu.memory_space<vmem>>, vector<16xf32>,
        %mul3A_1977 = arith.mulf %mul3A_1972, %get3A_1976 : vector<16xf32>
        %get3A_1978 = arith.constant 1 : i32
        %get3A_1979 = arith.index_cast %get3A_1978 : i32 to index
        %get3A_1980 = arith.constant 880 : index
        %get3A_1981 = tpu.vector_load %arg14[%get3A_1979, %get3A_1980] {strides = array<i32>} : memref<2x1024xf32, #tpu.memory_space<vmem>>, vector<16xf32>,
        %add3A_1982 = arith.addf %mul3A_1977, %get3A_1981 : vector<16xf32>
        %swap3A_1983 = arith.index_cast %scan3A_41 : i32 to index
        %swap3A_1984 = arith.constant 880 : index
        %swap3A_1985 = tpu.vector_load %arg9[%swap3A_1983, %swap3A_1984] {strides = array<i32>} : memref<32x1024xf32, #tpu.memory_space<vmem>>, vector<16xf32>,
        tpu.vector_store %arg9[%swap3A_1983, %swap3A_1984], %add3A_1982 {strides = array<i32>} : memref<32x1024xf32, #tpu.memory_space<vmem>>, vector<16xf32>,
        %get3A_1986 = arith.index_cast %scan3A_41 : i32 to index
        %get3A_1987 = arith.constant 896 : index
        %get3A_1988 = tpu.vector_load %arg9[%get3A_1986, %get3A_1987] {strides = array<i32>} : memref<32x1024xf32, #tpu.memory_space<vmem>>, vector<16xf32>,
        %sub3A_1989 = arith.subf %get3A_1988, %mul3A_937 : vector<16xf32>
        %mul3A_1990 = arith.mulf %sub3A_1989, %mul3A_977 : vector<16xf32>
        %get3A_1991 = arith.constant 0 : i32
        %get3A_1992 = arith.index_cast %get3A_1991 : i32 to index
        %get3A_1993 = arith.constant 896 : index
        %get3A_1994 = tpu.vector_load %arg14[%get3A_1992, %get3A_1993] {strides = array<i32>} : memref<2x1024xf32, #tpu.memory_space<vmem>>, vector<16xf32>,
        %mul3A_1995 = arith.mulf %mul3A_1990, %get3A_1994 : vector<16xf32>
        %get3A_1996 = arith.constant 1 : i32
        %get3A_1997 = arith.index_cast %get3A_1996 : i32 to index
        %get3A_1998 = arith.constant 896 : index
        %get3A_1999 = tpu.vector_load %arg14[%get3A_1997, %get3A_1998] {strides = array<i32>} : memref<2x1024xf32, #tpu.memory_space<vmem>>, vector<16xf32>,
        %add3A_2000 = arith.addf %mul3A_1995, %get3A_1999 : vector<16xf32>
        %swap3A_2001 = arith.index_cast %scan3A_41 : i32 to index
        %swap3A_2002 = arith.constant 896 : index
        %swap3A_2003 = tpu.vector_load %arg9[%swap3A_2001, %swap3A_2002] {strides = array<i32>} : memref<32x1024xf32, #tpu.memory_space<vmem>>, vector<16xf32>,
        tpu.vector_store %arg9[%swap3A_2001, %swap3A_2002], %add3A_2000 {strides = array<i32>} : memref<32x1024xf32, #tpu.memory_space<vmem>>, vector<16xf32>,
        %get3A_2004 = arith.index_cast %scan3A_41 : i32 to index
        %get3A_2005 = arith.constant 912 : index
        %get3A_2006 = tpu.vector_load %arg9[%get3A_2004, %get3A_2005] {strides = array<i32>} : memref<32x1024xf32, #tpu.memory_space<vmem>>, vector<16xf32>,
        %sub3A_2007 = arith.subf %get3A_2006, %mul3A_937 : vector<16xf32>
        %mul3A_2008 = arith.mulf %sub3A_2007, %mul3A_977 : vector<16xf32>
        %get3A_2009 = arith.constant 0 : i32
        %get3A_2010 = arith.index_cast %get3A_2009 : i32 to index
        %get3A_2011 = arith.constant 912 : index
        %get3A_2012 = tpu.vector_load %arg14[%get3A_2010, %get3A_2011] {strides = array<i32>} : memref<2x1024xf32, #tpu.memory_space<vmem>>, vector<16xf32>,
        %mul3A_2013 = arith.mulf %mul3A_2008, %get3A_2012 : vector<16xf32>
        %get3A_2014 = arith.constant 1 : i32
        %get3A_2015 = arith.index_cast %get3A_2014 : i32 to index
        %get3A_2016 = arith.constant 912 : index
        %get3A_2017 = tpu.vector_load %arg14[%get3A_2015, %get3A_2016] {strides = array<i32>} : memref<2x1024xf32, #tpu.memory_space<vmem>>, vector<16xf32>,
        %add3A_2018 = arith.addf %mul3A_2013, %get3A_2017 : vector<16xf32>
        %swap3A_2019 = arith.index_cast %scan3A_41 : i32 to index
        %swap3A_2020 = arith.constant 912 : index
        %swap3A_2021 = tpu.vector_load %arg9[%swap3A_2019, %swap3A_2020] {strides = array<i32>} : memref<32x1024xf32, #tpu.memory_space<vmem>>, vector<16xf32>,
        tpu.vector_store %arg9[%swap3A_2019, %swap3A_2020], %add3A_2018 {strides = array<i32>} : memref<32x1024xf32, #tpu.memory_space<vmem>>, vector<16xf32>,
        %get3A_2022 = arith.index_cast %scan3A_41 : i32 to index
        %get3A_2023 = arith.constant 928 : index
        %get3A_2024 = tpu.vector_load %arg9[%get3A_2022, %get3A_2023] {strides = array<i32>} : memref<32x1024xf32, #tpu.memory_space<vmem>>, vector<16xf32>,
        %sub3A_2025 = arith.subf %get3A_2024, %mul3A_937 : vector<16xf32>
        %mul3A_2026 = arith.mulf %sub3A_2025, %mul3A_977 : vector<16xf32>
        %get3A_2027 = arith.constant 0 : i32
        %get3A_2028 = arith.index_cast %get3A_2027 : i32 to index
        %get3A_2029 = arith.constant 928 : index
        %get3A_2030 = tpu.vector_load %arg14[%get3A_2028, %get3A_2029] {strides = array<i32>} : memref<2x1024xf32, #tpu.memory_space<vmem>>, vector<16xf32>,
        %mul3A_2031 = arith.mulf %mul3A_2026, %get3A_2030 : vector<16xf32>
        %get3A_2032 = arith.constant 1 : i32
        %get3A_2033 = arith.index_cast %get3A_2032 : i32 to index
        %get3A_2034 = arith.constant 928 : index
        %get3A_2035 = tpu.vector_load %arg14[%get3A_2033, %get3A_2034] {strides = array<i32>} : memref<2x1024xf32, #tpu.memory_space<vmem>>, vector<16xf32>,
        %add3A_2036 = arith.addf %mul3A_2031, %get3A_2035 : vector<16xf32>
        %swap3A_2037 = arith.index_cast %scan3A_41 : i32 to index
        %swap3A_2038 = arith.constant 928 : index
        %swap3A_2039 = tpu.vector_load %arg9[%swap3A_2037, %swap3A_2038] {strides = array<i32>} : memref<32x1024xf32, #tpu.memory_space<vmem>>, vector<16xf32>,
        tpu.vector_store %arg9[%swap3A_2037, %swap3A_2038], %add3A_2036 {strides = array<i32>} : memref<32x1024xf32, #tpu.memory_space<vmem>>, vector<16xf32>,
        %get3A_2040 = arith.index_cast %scan3A_41 : i32 to index
        %get3A_2041 = arith.constant 944 : index
        %get3A_2042 = tpu.vector_load %arg9[%get3A_2040, %get3A_2041] {strides = array<i32>} : memref<32x1024xf32, #tpu.memory_space<vmem>>, vector<16xf32>,
        %sub3A_2043 = arith.subf %get3A_2042, %mul3A_937 : vector<16xf32>
        %mul3A_2044 = arith.mulf %sub3A_2043, %mul3A_977 : vector<16xf32>
        %get3A_2045 = arith.constant 0 : i32
        %get3A_2046 = arith.index_cast %get3A_2045 : i32 to index
        %get3A_2047 = arith.constant 944 : index
        %get3A_2048 = tpu.vector_load %arg14[%get3A_2046, %get3A_2047] {strides = array<i32>} : memref<2x1024xf32, #tpu.memory_space<vmem>>, vector<16xf32>,
        %mul3A_2049 = arith.mulf %mul3A_2044, %get3A_2048 : vector<16xf32>
        %get3A_2050 = arith.constant 1 : i32
        %get3A_2051 = arith.index_cast %get3A_2050 : i32 to index
        %get3A_2052 = arith.constant 944 : index
        %get3A_2053 = tpu.vector_load %arg14[%get3A_2051, %get3A_2052] {strides = array<i32>} : memref<2x1024xf32, #tpu.memory_space<vmem>>, vector<16xf32>,
        %add3A_2054 = arith.addf %mul3A_2049, %get3A_2053 : vector<16xf32>
        %swap3A_2055 = arith.index_cast %scan3A_41 : i32 to index
        %swap3A_2056 = arith.constant 944 : index
        %swap3A_2057 = tpu.vector_load %arg9[%swap3A_2055, %swap3A_2056] {strides = array<i32>} : memref<32x1024xf32, #tpu.memory_space<vmem>>, vector<16xf32>,
        tpu.vector_store %arg9[%swap3A_2055, %swap3A_2056], %add3A_2054 {strides = array<i32>} : memref<32x1024xf32, #tpu.memory_space<vmem>>, vector<16xf32>,
        %get3A_2058 = arith.index_cast %scan3A_41 : i32 to index
        %get3A_2059 = arith.constant 960 : index
        %get3A_2060 = tpu.vector_load %arg9[%get3A_2058, %get3A_2059] {strides = array<i32>} : memref<32x1024xf32, #tpu.memory_space<vmem>>, vector<16xf32>,
        %sub3A_2061 = arith.subf %get3A_2060, %mul3A_937 : vector<16xf32>
        %mul3A_2062 = arith.mulf %sub3A_2061, %mul3A_977 : vector<16xf32>
        %get3A_2063 = arith.constant 0 : i32
        %get3A_2064 = arith.index_cast %get3A_2063 : i32 to index
        %get3A_2065 = arith.constant 960 : index
        %get3A_2066 = tpu.vector_load %arg14[%get3A_2064, %get3A_2065] {strides = array<i32>} : memref<2x1024xf32, #tpu.memory_space<vmem>>, vector<16xf32>,
        %mul3A_2067 = arith.mulf %mul3A_2062, %get3A_2066 : vector<16xf32>
        %get3A_2068 = arith.constant 1 : i32
        %get3A_2069 = arith.index_cast %get3A_2068 : i32 to index
        %get3A_2070 = arith.constant 960 : index
        %get3A_2071 = tpu.vector_load %arg14[%get3A_2069, %get3A_2070] {strides = array<i32>} : memref<2x1024xf32, #tpu.memory_space<vmem>>, vector<16xf32>,
        %add3A_2072 = arith.addf %mul3A_2067, %get3A_2071 : vector<16xf32>
        %swap3A_2073 = arith.index_cast %scan3A_41 : i32 to index
        %swap3A_2074 = arith.constant 960 : index
        %swap3A_2075 = tpu.vector_load %arg9[%swap3A_2073, %swap3A_2074] {strides = array<i32>} : memref<32x1024xf32, #tpu.memory_space<vmem>>, vector<16xf32>,
        tpu.vector_store %arg9[%swap3A_2073, %swap3A_2074], %add3A_2072 {strides = array<i32>} : memref<32x1024xf32, #tpu.memory_space<vmem>>, vector<16xf32>,
        %get3A_2076 = arith.index_cast %scan3A_41 : i32 to index
        %get3A_2077 = arith.constant 976 : index
        %get3A_2078 = tpu.vector_load %arg9[%get3A_2076, %get3A_2077] {strides = array<i32>} : memref<32x1024xf32, #tpu.memory_space<vmem>>, vector<16xf32>,
        %sub3A_2079 = arith.subf %get3A_2078, %mul3A_937 : vector<16xf32>
        %mul3A_2080 = arith.mulf %sub3A_2079, %mul3A_977 : vector<16xf32>
        %get3A_2081 = arith.constant 0 : i32
        %get3A_2082 = arith.index_cast %get3A_2081 : i32 to index
        %get3A_2083 = arith.constant 976 : index
        %get3A_2084 = tpu.vector_load %arg14[%get3A_2082, %get3A_2083] {strides = array<i32>} : memref<2x1024xf32, #tpu.memory_space<vmem>>, vector<16xf32>,
        %mul3A_2085 = arith.mulf %mul3A_2080, %get3A_2084 : vector<16xf32>
        %get3A_2086 = arith.constant 1 : i32
        %get3A_2087 = arith.index_cast %get3A_2086 : i32 to index
        %get3A_2088 = arith.constant 976 : index
        %get3A_2089 = tpu.vector_load %arg14[%get3A_2087, %get3A_2088] {strides = array<i32>} : memref<2x1024xf32, #tpu.memory_space<vmem>>, vector<16xf32>,
        %add3A_2090 = arith.addf %mul3A_2085, %get3A_2089 : vector<16xf32>
        %swap3A_2091 = arith.index_cast %scan3A_41 : i32 to index
        %swap3A_2092 = arith.constant 976 : index
        %swap3A_2093 = tpu.vector_load %arg9[%swap3A_2091, %swap3A_2092] {strides = array<i32>} : memref<32x1024xf32, #tpu.memory_space<vmem>>, vector<16xf32>,
        tpu.vector_store %arg9[%swap3A_2091, %swap3A_2092], %add3A_2090 {strides = array<i32>} : memref<32x1024xf32, #tpu.memory_space<vmem>>, vector<16xf32>,
        %get3A_2094 = arith.index_cast %scan3A_41 : i32 to index
        %get3A_2095 = arith.constant 992 : index
        %get3A_2096 = tpu.vector_load %arg9[%get3A_2094, %get3A_2095] {strides = array<i32>} : memref<32x1024xf32, #tpu.memory_space<vmem>>, vector<16xf32>,
        %sub3A_2097 = arith.subf %get3A_2096, %mul3A_937 : vector<16xf32>
        %mul3A_2098 = arith.mulf %sub3A_2097, %mul3A_977 : vector<16xf32>
        %get3A_2099 = arith.constant 0 : i32
        %get3A_2100 = arith.index_cast %get3A_2099 : i32 to index
        %get3A_2101 = arith.constant 992 : index
        %get3A_2102 = tpu.vector_load %arg14[%get3A_2100, %get3A_2101] {strides = array<i32>} : memref<2x1024xf32, #tpu.memory_space<vmem>>, vector<16xf32>,
        %mul3A_2103 = arith.mulf %mul3A_2098, %get3A_2102 : vector<16xf32>
        %get3A_2104 = arith.constant 1 : i32
        %get3A_2105 = arith.index_cast %get3A_2104 : i32 to index
        %get3A_2106 = arith.constant 992 : index
        %get3A_2107 = tpu.vector_load %arg14[%get3A_2105, %get3A_2106] {strides = array<i32>} : memref<2x1024xf32, #tpu.memory_space<vmem>>, vector<16xf32>,
        %add3A_2108 = arith.addf %mul3A_2103, %get3A_2107 : vector<16xf32>
        %swap3A_2109 = arith.index_cast %scan3A_41 : i32 to index
        %swap3A_2110 = arith.constant 992 : index
        %swap3A_2111 = tpu.vector_load %arg9[%swap3A_2109, %swap3A_2110] {strides = array<i32>} : memref<32x1024xf32, #tpu.memory_space<vmem>>, vector<16xf32>,
        tpu.vector_store %arg9[%swap3A_2109, %swap3A_2110], %add3A_2108 {strides = array<i32>} : memref<32x1024xf32, #tpu.memory_space<vmem>>, vector<16xf32>,
        %get3A_2112 = arith.index_cast %scan3A_41 : i32 to index
        %get3A_2113 = arith.constant 1008 : index
        %get3A_2114 = tpu.vector_load %arg9[%get3A_2112, %get3A_2113] {strides = array<i32>} : memref<32x1024xf32, #tpu.memory_space<vmem>>, vector<16xf32>,
        %sub3A_2115 = arith.subf %get3A_2114, %mul3A_937 : vector<16xf32>
        %mul3A_2116 = arith.mulf %sub3A_2115, %mul3A_977 : vector<16xf32>
        %get3A_2117 = arith.constant 0 : i32
        %get3A_2118 = arith.index_cast %get3A_2117 : i32 to index
        %get3A_2119 = arith.constant 1008 : index
        %get3A_2120 = tpu.vector_load %arg14[%get3A_2118, %get3A_2119] {strides = array<i32>} : memref<2x1024xf32, #tpu.memory_space<vmem>>, vector<16xf32>,
        %mul3A_2121 = arith.mulf %mul3A_2116, %get3A_2120 : vector<16xf32>
        %get3A_2122 = arith.constant 1 : i32
        %get3A_2123 = arith.index_cast %get3A_2122 : i32 to index
        %get3A_2124 = arith.constant 1008 : index
        %get3A_2125 = tpu.vector_load %arg14[%get3A_2123, %get3A_2124] {strides = array<i32>} : memref<2x1024xf32, #tpu.memory_space<vmem>>, vector<16xf32>,
        %add3A_2126 = arith.addf %mul3A_2121, %get3A_2125 : vector<16xf32>
        %swap3A_2127 = arith.index_cast %scan3A_41 : i32 to index
        %swap3A_2128 = arith.constant 1008 : index
        %swap3A_2129 = tpu.vector_load %arg9[%swap3A_2127, %swap3A_2128] {strides = array<i32>} : memref<32x1024xf32, #tpu.memory_space<vmem>>, vector<16xf32>,
        tpu.vector_store %arg9[%swap3A_2127, %swap3A_2128], %add3A_2126 {strides = array<i32>} : memref<32x1024xf32, #tpu.memory_space<vmem>>, vector<16xf32>,
      }
      %scan3A_40 = arith.constant 32 : i32
      "tpu.region"() ({
        %run_scoped3A_41 = tpu.sem_alloc : memref<!tpu.dma_semaphore, #tpu.memory_space<semaphore_mem>>
        %dma_start3A_42 = arith.constant 0 : i32
        %dma_start3A_43 = tpu.memref_slice %arg8[%add3A_12, %dma_start3A_42] : memref<1024x1024xf32, #tpu.memory_space<hbm>> -> memref<32x1024xf32, #tpu.memory_space<hbm>>
        %dma_start3A_44 = arith.constant 0 : i32
        %dma_start3A_45 = tpu.memref_slice %arg8[%add3A_12, %dma_start3A_44] : memref<1024x1024xf32, #tpu.memory_space<hbm>> -> memref<32x1024xf32, #tpu.memory_space<hbm>>
        tpu.enqueue_dma source(%arg9 : memref<32x1024xf32, #tpu.memory_space<vmem>>) target(%dma_start3A_45 : memref<32x1024xf32, #tpu.memory_space<hbm>>) target_semaphore(%run_scoped3A_41 : memref<!tpu.dma_semaphore, #tpu.memory_space<semaphore_mem>>)
        %dma_wait3A_46 = arith.constant 0 : i32
        %dma_wait3A_47 = tpu.memref_slice %arg8[%add3A_12, %dma_wait3A_46] : memref<1024x1024xf32, #tpu.memory_space<hbm>> -> memref<32x1024xf32, #tpu.memory_space<hbm>>
        %dma_wait3A_48 = arith.constant 0 : i32
        %dma_wait3A_49 = tpu.memref_slice %arg8[%add3A_12, %dma_wait3A_48] : memref<1024x1024xf32, #tpu.memory_space<hbm>> -> memref<32x1024xf32, #tpu.memory_space<hbm>>
        tpu.wait_dma2 semaphore(%run_scoped3A_41 : memref<!tpu.dma_semaphore, #tpu.memory_space<semaphore_mem>>) src(%arg9 : memref<32x1024xf32, #tpu.memory_space<vmem>>) dst(%dma_wait3A_49 : memref<32x1024xf32, #tpu.memory_space<hbm>>)
        tpu.yield
      }) : () -> ()
    }
    %scan3A_8 = arith.constant 2 : i32
    return
  }
}

module attributes {stable_mosaic.version = 14 : i64} {
  func.func @_proj_body(%arg0: memref<304x1024xf32, #tpu.memory_space<vmem>>, %arg1: memref<8x1024xf32, #tpu.memory_space<vmem>>, %arg2: memref<1024x1024xf32, #tpu.memory_space<vmem>>, %arg3: memref<1x1024xf32, #tpu.memory_space<vmem>>, %arg4: memref<1024x1024xf32, #tpu.memory_space<vmem>>, %arg5: memref<1x1024xf32, #tpu.memory_space<vmem>>, %arg6: memref<1216x304xf32, #tpu.memory_space<vmem>>, %arg7: memref<1216x8xf32, #tpu.memory_space<vmem>>, %arg8: memref<1216x1024xf32, #tpu.memory_space<vmem>>, %arg9: memref<512x1024xf32, #tpu.memory_space<vmem>>) attributes {dimension_semantics = [], scalar_prefetch = 0 : i64, scratch_operands = 0 : i64, tpu.core_type = #tpu.core_type<tc>} {
    %get3A = arith.constant 0 : index
    %get3A_0 = arith.constant 0 : index
    %get3A_1 = vector.load %arg0[%get3A, %get3A_0] : memref<304x1024xf32, #tpu.memory_space<vmem>>, vector<304x1024xf32>
    %get3A_2 = arith.constant 0 : index
    %get3A_3 = arith.constant 0 : index
    %get3A_4 = vector.load %arg2[%get3A_2, %get3A_3] : memref<1024x1024xf32, #tpu.memory_space<vmem>>, vector<1024x1024xf32>
    %dot_general3A = arith.constant dense<0.000000e+00> : vector<304x1024xf32>
    %dot_general3A_5 = tpu.matmul %get3A_1, %get3A_4, %dot_general3A {dimension_numbers = #tpu.dot_dimension_numbers<[1], [0], [0], [1], [0, 0, 1, 1], [], []>, transpose_lhs_hint = false} : vector<304x1024xf32>, vector<1024x1024xf32>, vector<304x1024xf32> -> vector<304x1024xf32>
    %get3A_6 = arith.constant 0 : index
    %get3A_7 = arith.constant 0 : index
    %get3A_8 = vector.load %arg3[%get3A_6, %get3A_7] : memref<1x1024xf32, #tpu.memory_space<vmem>>, vector<1x1024xf32>
    %add3A = vector.broadcast %get3A_8 : vector<1x1024xf32> to vector<304x1024xf32>
    %add3A_9 = arith.addf %dot_general3A_5, %add3A : vector<304x1024xf32>
    %get3A_10 = arith.constant 0 : index
    %get3A_11 = arith.constant 0 : index
    %get3A_12 = vector.load %arg1[%get3A_10, %get3A_11] : memref<8x1024xf32, #tpu.memory_space<vmem>>, vector<8x1024xf32>
    %get3A_13 = arith.constant 0 : index
    %get3A_14 = arith.constant 0 : index
    %get3A_15 = vector.load %arg4[%get3A_13, %get3A_14] : memref<1024x1024xf32, #tpu.memory_space<vmem>>, vector<1024x1024xf32>
    %dot_general3A_16 = arith.constant dense<0.000000e+00> : vector<8x1024xf32>
    %dot_general3A_17 = tpu.matmul %get3A_12, %get3A_15, %dot_general3A_16 {dimension_numbers = #tpu.dot_dimension_numbers<[1], [0], [0], [1], [0, 0, 1, 1], [], []>, transpose_lhs_hint = false} : vector<8x1024xf32>, vector<1024x1024xf32>, vector<8x1024xf32> -> vector<8x1024xf32>
    %get3A_18 = arith.constant 0 : index
    %get3A_19 = arith.constant 0 : index
    %get3A_20 = vector.load %arg5[%get3A_18, %get3A_19] : memref<1x1024xf32, #tpu.memory_space<vmem>>, vector<1x1024xf32>
    %add3A_21 = vector.broadcast %get3A_20 : vector<1x1024xf32> to vector<8x1024xf32>
    %add3A_22 = arith.addf %dot_general3A_17, %add3A_21 : vector<8x1024xf32>
    %get3A_23 = arith.constant 0 : index
    %get3A_24 = arith.constant 0 : index
    %get3A_25 = vector.load %arg6[%get3A_23, %get3A_24] : memref<1216x304xf32, #tpu.memory_space<vmem>>, vector<1216x304xf32>
    %dot_general3A_26 = arith.constant dense<0.000000e+00> : vector<1216x1024xf32>
    %dot_general3A_27 = tpu.matmul %get3A_25, %add3A_9, %dot_general3A_26 {dimension_numbers = #tpu.dot_dimension_numbers<[1], [0], [0], [1], [0, 0, 1, 1], [], []>, transpose_lhs_hint = false} : vector<1216x304xf32>, vector<304x1024xf32>, vector<1216x1024xf32> -> vector<1216x1024xf32>
    %get3A_28 = arith.constant 0 : index
    %get3A_29 = arith.constant 0 : index
    %get3A_30 = vector.load %arg7[%get3A_28, %get3A_29] : memref<1216x8xf32, #tpu.memory_space<vmem>>, vector<1216x8xf32>
    %dot_general3A_31 = arith.constant dense<0.000000e+00> : vector<1216x1024xf32>
    %dot_general3A_32 = tpu.matmul %get3A_30, %add3A_22, %dot_general3A_31 {dimension_numbers = #tpu.dot_dimension_numbers<[1], [0], [0], [1], [0, 0, 1, 1], [], []>, transpose_lhs_hint = false} : vector<1216x8xf32>, vector<8x1024xf32>, vector<1216x1024xf32> -> vector<1216x1024xf32>
    %add3A_33 = arith.addf %dot_general3A_27, %dot_general3A_32 : vector<1216x1024xf32>
    %swap3A = arith.constant 0 : index
    %swap3A_34 = arith.constant 0 : index
    %swap3A_35 = vector.load %arg8[%swap3A, %swap3A_34] : memref<1216x1024xf32, #tpu.memory_space<vmem>>, vector<1216x1024xf32>
    tpu.vector_store %arg8[%swap3A, %swap3A_34], %add3A_33 {strides = array<i32>} : memref<1216x1024xf32, #tpu.memory_space<vmem>>, vector<1216x1024xf32>,
    %swap3A_36 = arith.constant 0 : index
    %swap3A_37 = arith.constant 0 : index
    %swap3A_38 = vector.load %arg9[%swap3A_36, %swap3A_37] : memref<512x1024xf32, #tpu.memory_space<vmem>>, vector<304x1024xf32>
    tpu.vector_store %arg9[%swap3A_36, %swap3A_37], %add3A_9 {strides = array<i32>} : memref<512x1024xf32, #tpu.memory_space<vmem>>, vector<304x1024xf32>,
    %broadcast_in_dim3A = arith.constant 0.000000e+00 : f32
    %broadcast_in_dim3A_39 = vector.broadcast %broadcast_in_dim3A : f32 to vector<80x1024xf32>
    %swap3A_40 = arith.constant 304 : index
    %swap3A_41 = arith.constant 0 : index
    %swap3A_42 = vector.load %arg9[%swap3A_40, %swap3A_41] : memref<512x1024xf32, #tpu.memory_space<vmem>>, vector<80x1024xf32>
    tpu.vector_store %arg9[%swap3A_40, %swap3A_41], %broadcast_in_dim3A_39 {strides = array<i32>} : memref<512x1024xf32, #tpu.memory_space<vmem>>, vector<80x1024xf32>,
    %swap3A_43 = arith.constant 384 : index
    %swap3A_44 = arith.constant 0 : index
    %swap3A_45 = vector.load %arg9[%swap3A_43, %swap3A_44] : memref<512x1024xf32, #tpu.memory_space<vmem>>, vector<8x1024xf32>
    tpu.vector_store %arg9[%swap3A_43, %swap3A_44], %add3A_22 {strides = array<i32>} : memref<512x1024xf32, #tpu.memory_space<vmem>>, vector<8x1024xf32>,
    %broadcast_in_dim3A_46 = arith.constant 0.000000e+00 : f32
    %broadcast_in_dim3A_47 = vector.broadcast %broadcast_in_dim3A_46 : f32 to vector<120x1024xf32>
    %swap3A_48 = arith.constant 392 : index
    %swap3A_49 = arith.constant 0 : index
    %swap3A_50 = vector.load %arg9[%swap3A_48, %swap3A_49] : memref<512x1024xf32, #tpu.memory_space<vmem>>, vector<120x1024xf32>
    tpu.vector_store %arg9[%swap3A_48, %swap3A_49], %broadcast_in_dim3A_47 {strides = array<i32>} : memref<512x1024xf32, #tpu.memory_space<vmem>>, vector<120x1024xf32>,
    return
  }
}

module attributes {stable_mosaic.version = 14 : i64} {
  func.func @_fused_body(%arg0: i32, %arg1: memref<1024x1024xf32, #tpu.memory_space<vmem>>, %arg2: memref<1024x1xi32, #tpu.memory_space<vmem>>, %arg3: memref<1024x1xi32, #tpu.memory_space<vmem>>, %arg4: memref<512x1024xf32, #tpu.memory_space<vmem>>, %arg5: memref<1x1024xf32, #tpu.memory_space<vmem>>, %arg6: memref<1x1024xf32, #tpu.memory_space<vmem>>, %arg7: memref<1024x1024xf32, #tpu.memory_space<vmem>>) attributes {dimension_semantics = [#tpu.dimension_semantics<arbitrary>], iteration_bounds = array<i64: 15>, scalar_prefetch = 0 : i64, scratch_operands = 0 : i64, tpu.core_type = #tpu.core_type<tc>, window_params = [{transform_indices = @transform_0, window_bounds = array<i64: 1024, 1024>}, {transform_indices = @transform_1, window_bounds = array<i64: 1024, 1>}, {transform_indices = @transform_2, window_bounds = array<i64: 1024, 1>}, {pipeline_mode = #tpu.pipeline_mode<synchronous>, transform_indices = @transform_3, window_bounds = array<i64: 512, 1024>}, {pipeline_mode = #tpu.pipeline_mode<synchronous>, transform_indices = @transform_4, window_bounds = array<i64: 1, 1024>}, {pipeline_mode = #tpu.pipeline_mode<synchronous>, transform_indices = @transform_5, window_bounds = array<i64: 1, 1024>}, {transform_indices = @transform_6, window_bounds = array<i64: 1024, 1024>}]} {
    %get3A = arith.constant 0 : index
    %get3A_0 = arith.constant 0 : index
    %get3A_1 = vector.load %arg1[%get3A, %get3A_0] : memref<1024x1024xf32, #tpu.memory_space<vmem>>, vector<1024x1024xf32>
    %get3A_2 = arith.constant 0 : index
    %get3A_3 = arith.constant 0 : index
    %get3A_4 = vector.load %arg2[%get3A_2, %get3A_3] : memref<1024x1xi32, #tpu.memory_space<vmem>>, vector<1024x1xi32>
    %get3A_5 = arith.constant 0 : index
    %get3A_6 = arith.constant 0 : index
    %get3A_7 = vector.load %arg3[%get3A_5, %get3A_6] : memref<1024x1xi32, #tpu.memory_space<vmem>>, vector<1024x1xi32>
    %iota3A = tpu.iota {dimensions = array<i32: 1>} : vector<1024x512xi32>
    %eq3A = vector.broadcast %get3A_4 : vector<1024x1xi32> to vector<1024x512xi32>
    %eq3A_8 = arith.cmpi eq, %iota3A, %eq3A : vector<1024x512xi32>
    %add3A = arith.constant 384 : i32
    %add3A_9 = vector.broadcast %add3A : i32 to vector<1024x1xi32>
    %add3A_10 = arith.addi %get3A_7, %add3A_9 : vector<1024x1xi32>
    %eq3A_11 = vector.broadcast %add3A_10 : vector<1024x1xi32> to vector<1024x512xi32>
    %eq3A_12 = arith.cmpi eq, %iota3A, %eq3A_11 : vector<1024x512xi32>
    %or3A = arith.ori %eq3A_8, %eq3A_12 : vector<1024x512xi1>
    %convert_element_type3A = arith.extui %or3A : vector<1024x512xi1> to vector<1024x512xi32>
    %convert_element_type3A_13 = arith.sitofp %convert_element_type3A : vector<1024x512xi32> to vector<1024x512xf32>
    %get3A_14 = arith.constant 0 : index
    %get3A_15 = arith.constant 0 : index
    %get3A_16 = vector.load %arg4[%get3A_14, %get3A_15] : memref<512x1024xf32, #tpu.memory_space<vmem>>, vector<512x1024xf32>
    %dot_general3A = arith.constant dense<0.000000e+00> : vector<1024x1024xf32>
    %dot_general3A_17 = tpu.matmul %convert_element_type3A_13, %get3A_16, %dot_general3A {dimension_numbers = #tpu.dot_dimension_numbers<[1], [0], [0], [1], [0, 0, 1, 1], [], []>, transpose_lhs_hint = false} : vector<1024x512xf32>, vector<512x1024xf32>, vector<1024x1024xf32> -> vector<1024x1024xf32>
    %add3A_18 = arith.addf %get3A_1, %dot_general3A_17 : vector<1024x1024xf32>
    %reduce_sum3A = arith.constant dense<0.000000e+00> : vector<1024xf32>
    %reduce_sum3A_19 = vector.multi_reduction <add>, %add3A_18, %reduce_sum3A [1] : vector<1024x1024xf32> to vector<1024xf32>
    %broadcast_in_dim3A = vector.shape_cast %reduce_sum3A_19 : vector<1024xf32> to vector<1024x1xf32>
    %div3A = arith.constant 1.024000e+03 : f32
    %div3A_20 = vector.broadcast %div3A : f32 to vector<1024x1xf32>
    %div3A_21 = arith.divf %broadcast_in_dim3A, %div3A_20 : vector<1024x1xf32>
    %sub3A = vector.broadcast %div3A_21 : vector<1024x1xf32> to vector<1024x1024xf32>
    %sub3A_22 = arith.subf %add3A_18, %sub3A : vector<1024x1024xf32>
    %mul3A = arith.mulf %sub3A_22, %sub3A_22 : vector<1024x1024xf32>
    %reduce_sum3A_23 = arith.constant dense<0.000000e+00> : vector<1024xf32>
    %reduce_sum3A_24 = vector.multi_reduction <add>, %mul3A, %reduce_sum3A_23 [1] : vector<1024x1024xf32> to vector<1024xf32>
    %broadcast_in_dim3A_25 = vector.shape_cast %reduce_sum3A_24 : vector<1024xf32> to vector<1024x1xf32>
    %div3A_26 = arith.constant 1.024000e+03 : f32
    %div3A_27 = vector.broadcast %div3A_26 : f32 to vector<1024x1xf32>
    %div3A_28 = arith.divf %broadcast_in_dim3A_25, %div3A_27 : vector<1024x1xf32>
    %add3A_29 = arith.constant 9.99999996E-13 : f32
    %add3A_30 = vector.broadcast %add3A_29 : f32 to vector<1024x1xf32>
    %add3A_31 = arith.addf %div3A_28, %add3A_30 : vector<1024x1xf32>
    %rsqrt3A = math.rsqrt %add3A_31 : vector<1024x1xf32>
    %get3A_32 = arith.constant 0 : index
    %get3A_33 = arith.constant 0 : index
    %get3A_34 = vector.load %arg5[%get3A_32, %get3A_33] : memref<1x1024xf32, #tpu.memory_space<vmem>>, vector<1x1024xf32>
    %mul3A_35 = vector.broadcast %rsqrt3A : vector<1024x1xf32> to vector<1024x1024xf32>
    %mul3A_36 = vector.broadcast %get3A_34 : vector<1x1024xf32> to vector<1024x1024xf32>
    %mul3A_37 = arith.mulf %mul3A_35, %mul3A_36 : vector<1024x1024xf32>
    %mul3A_38 = arith.mulf %sub3A_22, %mul3A_37 : vector<1024x1024xf32>
    %get3A_39 = arith.constant 0 : index
    %get3A_40 = arith.constant 0 : index
    %get3A_41 = vector.load %arg6[%get3A_39, %get3A_40] : memref<1x1024xf32, #tpu.memory_space<vmem>>, vector<1x1024xf32>
    %add3A_42 = vector.broadcast %get3A_41 : vector<1x1024xf32> to vector<1024x1024xf32>
    %add3A_43 = arith.addf %mul3A_38, %add3A_42 : vector<1024x1024xf32>
    %swap3A = arith.constant 0 : index
    %swap3A_44 = arith.constant 0 : index
    %swap3A_45 = vector.load %arg7[%swap3A, %swap3A_44] : memref<1024x1024xf32, #tpu.memory_space<vmem>>, vector<1024x1024xf32>
    tpu.vector_store %arg7[%swap3A, %swap3A_44], %add3A_43 {strides = array<i32>} : memref<1024x1024xf32, #tpu.memory_space<vmem>>, vector<1024x1024xf32>,
    return
  }
  func.func @transform_0(%arg0: i32) -> (i32, i32) {
    %add3A = arith.constant 1 : i32
    %add3A_0 = arith.addi %arg0, %add3A : i32
    %c0_i32 = arith.constant 0 : i32
    %c0_i32_1 = arith.constant 0 : i32
    return %add3A_0, %c0_i32 : i32, i32
  }
  func.func @transform_1(%arg0: i32) -> (i32, i32) {
    %add3A = arith.constant 1 : i32
    %add3A_0 = arith.addi %arg0, %add3A : i32
    %c0_i32 = arith.constant 0 : i32
    %c0_i32_1 = arith.constant 0 : i32
    return %add3A_0, %c0_i32 : i32, i32
  }
  func.func @transform_2(%arg0: i32) -> (i32, i32) {
    %add3A = arith.constant 1 : i32
    %add3A_0 = arith.addi %arg0, %add3A : i32
    %c0_i32 = arith.constant 0 : i32
    %c0_i32_1 = arith.constant 0 : i32
    return %add3A_0, %c0_i32 : i32, i32
  }
  func.func @transform_3(%arg0: i32) -> (i32, i32) {
    %c0_i32 = arith.constant 0 : i32
    %c0_i32_0 = arith.constant 0 : i32
    %c0_i32_1 = arith.constant 0 : i32
    return %c0_i32, %c0_i32_0 : i32, i32
  }
  func.func @transform_4(%arg0: i32) -> (i32, i32) {
    %c0_i32 = arith.constant 0 : i32
    %c0_i32_0 = arith.constant 0 : i32
    %c0_i32_1 = arith.constant 0 : i32
    return %c0_i32, %c0_i32_0 : i32, i32
  }
  func.func @transform_5(%arg0: i32) -> (i32, i32) {
    %c0_i32 = arith.constant 0 : i32
    %c0_i32_0 = arith.constant 0 : i32
    %c0_i32_1 = arith.constant 0 : i32
    return %c0_i32, %c0_i32_0 : i32, i32
  }
  func.func @transform_6(%arg0: i32) -> (i32, i32) {
    %c0_i32 = arith.constant 0 : i32
    %c0_i32_0 = arith.constant 0 : i32
    return %arg0, %c0_i32 : i32, i32
  }
}

</mosaic_0001>

<sc_bundles>
// kernel: kernel.5.cloned.1.call-start
scs
__scs_entry_jumppad:
0x0: {  	(pc) =	sbr.rel $0x88, $3  }
0x1: {  	(tag) =	ssettag $0x0;
	lr =	simm.s32 $0x1  }
0x2: {  	[smem:$0x3F98] =	sst lr;
	_ =	strace $0xD0000000  }
0x3: {  	_ = 	snop  }
0x4: {  	_ = 	snop  }
0x5: {  	_ = 	snop  }
0x6: {  	_ = 	snop  }
0x7: {  	_ = 	snop  }
__scs_overlays_trampoline_lowered:
0x8: {  	[smem:$0x3FA7] =	sst s0  }
0x9: {  	[smem:$0x3FA8] =	sst s1  }
0xa: {  	[smem:$0x3FA9] =	sst s2  }
0xb: {  	[smem:$0x3FAA] =	sst s3  }
0xc: {  	[smem:$0x3FAB] =	sst s4  }
0xd: {  	[smem:$0x3FAC] =	sst s5  }
0xe: {  	[smem:$0x3FAD] =	sst s6  }
0xf: {  	[smem:$0x3FAE] =	sst s7  }
0x10: {  	[smem:$0x3FAF] =	sst s8  }
0x11: {  	[smem:$0x3FB0] =	sst s9;
	s0 =	simm.s32 @!p0 $0x0  }
0x12: {  	s1 =	sld [smem:$0x3F96];
	s0 =	simm.s32 @p0 $0x1  }
0x13: {  	[smem:$0x3FB1] =	sst s0;
	s0 =	simm.s32 @!p1 $0x0  }
0x14: {  	s2 =	sld [smem:$0x3F95];
	s0 =	simm.s32 @p1 $0x1  }
0x15: {  	[smem:$0x3FB2] =	sst s0;
	s0 =	simm.s32 @!p2 $0x0  }
0x16: {  	s3 =	sld [smem:$0x3FDB];
	s0 =	simm.s32 @p2 $0x1  }
0x17: {  	s4 =	simm.s32 $0x1BF5;
	[smem:$0x3FB4] =	sst s0  }
0x18: {  	s0 =	sld [smem:$0x3F97];
	_ =	swait.ge [sflag:s4], $0x0  }
0x19: {  	s7 =	sld [smem:$0x3F98]  }
0x1a: {  	s8 =	sadd.s32 $0xFFFFE003, lr  }
0x1b: {  	s9 =	sadd.s32 $0xFFFFFEF7, lr;
	s5 =	simm.s32 $0xFFFFFFFF;
	p2 =	slt.u32 s8, $0xFFFFF086  }
0x1c: {  	p1 =	slt.u32 s9, $0xF7A;
	s5 =	simm.s32 @!p2 $0x0  }
0x1d: {  	s5 =	simm.s32 @p1 $0x1;
	p0 =	seq.s32 s7, s2  }
0x1e: {  	s7 =	smul.u32 @!p0 $0xF7A, s2;
	p2 =	seq.s32 @!p0 s5, $0x0  }
0x1f: {  	s9 =	smul.u32 $0xF7A, s1;
	s8 =	simm.s32 @!p0 $0x1BF5;
	p2 =	por !p2, p0  }
0x20: {  	[sflag:s8] =	ssyncset.s32 @!p0 $0xFFFFF086;
	s6 =	sadd.s32 @!p0 s3, s7;
	s7 =	simm.s32 @!p0 $0x108  }
0x21: {  	s3 =	sadd.s32 s3, s9;
	s6 =	sadd.s32 @!p0 $0x88, s6;
	s7 =	simm.s32 @p2 $0x1082  }
0x22: {  	[simem:s7], [sflag:s8] =	dma.local @!p0 [hbm:s6], $0xF7A  }
0x23: {  	s9 =	sor.u32 $0xD0000000, s2;
	s6 =	simm.s32 $0x108;
	_ =	swait.ge @!p0 [sflag:s8], $0x0  }
0x24: {  	s3 =	sadd.s32 $0x88, s3;
	s6 =	simm.s32 @!p1 $0x1082;
	[sflag:s4] =	ssyncset.s32 $0xFFFFF086  }
0x25: {  	[simem:s6], [sflag:s4] =	dma.local [hbm:s3], $0xF7A  }
0x26: {  	[smem:$0x3F98] =	sst s1;
	(tag) =	ssettag s2;
	_ =	strace s9  }
0x27: {  	s1 =	sld [smem:$0x3FA8]  }
0x28: {  	s2 =	sld [smem:$0x3FA9]  }
0x29: {  	s4 =	sld [smem:$0x3FAB]  }
0x2a: {  	p0 =	seq.s32 s5, $0x0;
	s5 =	sld [smem:$0x3FAC]  }
0x2b: {  	s6 =	sld [smem:$0x3FAD]  }
0x2c: {  	s7 =	sld [smem:$0x3FAE]  }
0x2d: {  	s3 =	simm.s32 $0x108;
	s8 =	sld [smem:$0x3FAF]  }
0x2e: {  	s3 =	simm.s32 @!p0 $0x1082;
	s9 =	sld [smem:$0x3FB0]  }
0x2f: {  	lr =	sadd.s32 s0, s3;
	s0 =	sld [smem:$0x3FA7]  }
0x30: {  	s3 =	sld [smem:$0x3FAA]  }
0x31: {  	[smem:$0x3FB3] =	sst s10  }
0x32: {  	s10 =	sld [smem:$0x3FB1];
	_ =	sdelay $0x3  }
0x33: {  	p0 =	seq.s32 s10, $0x1;
	s10 =	sld [smem:$0x3FB3];
	_ =	sdelay $0x3  }
0x34: {  	[smem:$0x3FB3] =	sst s10  }
0x35: {  	s10 =	sld [smem:$0x3FB2];
	_ =	sdelay $0x3  }
0x36: {  	p1 =	seq.s32 s10, $0x1;
	s10 =	sld [smem:$0x3FB3];
	_ =	sdelay $0x3  }
0x37: {  	[smem:$0x3FB3] =	sst s10  }
0x38: {  	s10 =	sld [smem:$0x3FB4]  }
0x39: {  	_ = 	snop;
	(pc) =	sbr.ind lr, $3  }
0x3a: {  	_ = 	snop  }
0x3b: {  	_ = 	snop  }
0x3c: {  	p2 =	seq.s32 s10, $0x1;
	s10 =	sld [smem:$0x3FB3]  }
0x3d: {  	_ =	shalt  }
0x3e: {  	_ =	shalt  }
0x3f: {  	_ =	shalt  }
0x40: {  	_ =	shalt  }
0x41: {  	_ =	shalt  }
0x42: {  	_ =	shalt  }
0x43: {  	_ =	shalt  }
0x44: {  	_ =	shalt  }
0x45: {  	_ =	shalt  }
0x46: {  	_ =	shalt  }
0x47: {  	_ =	shalt  }
0x48: {  	_ =	shalt  }
0x49: {  	_ =	shalt  }
0x4a: {  	_ =	shalt  }
0x4b: {  	_ =	shalt  }
0x4c: {  	_ =	shalt  }
0x4d: {  	_ =	shalt  }
0x4e: {  	_ =	shalt  }
0x4f: {  	_ =	shalt  }
0x50: {  	_ =	shalt  }
0x51: {  	_ =	shalt  }
0x52: {  	_ =	shalt  }
0x53: {  	_ =	shalt  }
0x54: {  	_ =	shalt  }
0x55: {  	_ =	shalt  }
0x56: {  	_ =	shalt  }
0x57: {  	_ =	shalt  }
0x58: {  	_ =	shalt  }
0x59: {  	_ =	shalt  }
0x5a: {  	_ =	shalt  }
0x5b: {  	_ =	shalt  }
0x5c: {  	_ =	shalt  }
0x5d: {  	_ =	shalt  }
0x5e: {  	_ =	shalt  }
0x5f: {  	_ =	shalt  }
0x60: {  	_ =	shalt  }
0x61: {  	_ =	shalt  }
0x62: {  	_ =	shalt  }
0x63: {  	_ =	shalt  }
0x64: {  	_ =	shalt  }
0x65: {  	_ =	shalt  }
0x66: {  	_ =	shalt  }
0x67: {  	_ =	shalt  }
0x68: {  	_ =	shalt  }
0x69: {  	_ =	shalt  }
0x6a: {  	_ =	shalt  }
0x6b: {  	_ =	shalt  }
0x6c: {  	_ =	shalt  }
0x6d: {  	_ =	shalt  }
0x6e: {  	_ =	shalt  }
0x6f: {  	_ =	shalt  }
0x70: {  	_ =	shalt  }
0x71: {  	_ =	shalt  }
0x72: {  	_ =	shalt  }
0x73: {  	_ =	shalt  }
0x74: {  	_ =	shalt  }
0x75: {  	_ =	shalt  }
0x76: {  	_ =	shalt  }
0x77: {  	_ =	shalt  }
0x78: {  	_ =	shalt  }
0x79: {  	_ =	shalt  }
0x7a: {  	_ =	shalt  }
0x7b: {  	_ =	shalt  }
0x7c: {  	_ =	shalt  }
0x7d: {  	_ =	shalt  }
0x7e: {  	_ =	shalt  }
0x7f: {  	_ =	shalt  }
0x80: {  	_ =	shalt  }
0x81: {  	_ =	shalt  }
0x82: {  	_ =	shalt  }
0x83: {  	_ =	shalt  }
0x84: {  	_ =	shalt  }
0x85: {  	_ =	shalt  }
0x86: {  	_ =	shalt  }
0x87: {  	_ =	shalt  }
.Lfunc_end0:
.L_simem_size_0:
called_computation_lowered:
.L_overlay_start_0:
0x88: {  	s0 =	sld [smem:$0x3FD9]  }
0x89: {  	s1 =	sld [smem:$0x3FFE];
	_ =	sdelay $0x3  }
0x8a: {  	s0 =	sadd.s32 s1, s0  }
0x8b: {  	[smem:$0x3FBF] =	sst s0  }
0x8c: {  	_ = 	snop  }
0x8d: {  	s0 =	sld [smem:$0x3FC7]  }
0x8e: {  	s16 =	sld [smem:$0x3FC2]  }
0x8f: {  	s2 =	sld [smem:$0x3FC1]  }
0x90: {  	s3 =	sld [smem:$0x3FD0];
	(tm) =	ssettm $0x1  }
0x91: {  	s4 =	sld [smem:$0x3FFB];
	_ =	sdelay $0x3  }
0x92: {  	_ =	strace s4  }
0x93: {  	s4 =	sld [smem:$0x3FFC];
	_ =	sdelay $0x3  }
0x94: {  	_ =	strace s4  }
0x95: {  	s4 =	sld [smem:$0x3FFD];
	_ =	sdelay $0x3  }
0x96: {  	_ =	strace s4  }
0x97: {  	_ =	strace $0x8FFFFFFF  }
0x98: {  	s17 =	sld [smem:$0x3FDB];
	_ =	sdelay $0x1  }
0x99: {  	s5 =	simm.s32 $_scs_section_size  }
0x9a: {  	s6 =	simm.s32 $_size__tile_overlayer_lowered;
	s7 =	simm.s32 $_tile_overlayer_lowered  }
0x9b: {  	s20 =	simm.s32 $0x1BFF;
	s19 =	sshll.u32 s7, $0x1;
	s4 =	sadd.s32 s5, s17  }
0x9c: {  	s8 =	simm.s32 $0x0;
	s18 =	sshll.u32 s6, $0x1;
	s6 =	sadd.s32 s19, s4  }
0x9d: {  	[timem:s8], [sflag:s20] =	dma.local [hbm:s6], s18  }
0x9e: {  	_ =	swait.ge [sflag:s20], s18  }
0x9f: {  	s5 =	ssub.s32 $0x0, s18;
	[sflag:s20] =	ssyncset.done $0x0  }
0xa0: {  	[sflag:s20] =	ssyncadd.s32 s5;
	_ =	sdelay $0x1  }
0xa1: {  	s21 =	simm.s32 $0x1B8B  }
0xa2: {  	_ =	swait.ge [sflag:s21], $0x1  }
0xa3: {  	[sflag:s21] =	ssyncset.done $0x0  }
0xa4: {  	s23 =	simm.s32 $0x1B8E;
	s22 =	sld [smem:$0x3FFE];
	[sflag:s21] =	ssyncadd.s32 $0xFFFFFFFF  }
0xa5: {  	s24 =	simm.s32 $execute0_lowered;
	[smem:$0x3FD2] =	sst s23  }
0xa6: {  	s6 =	sshll.u32 s24, $0x1;
	_ =	strace $0x80000046;
	[dreg:$0x1] =	wrdreg $0xFFFFFFFF  }
0xa7: {  	s25 =	simm.s32 $_size_execute0_lowered;
	s4 =	sadd.s32 s4, s6;
	[dreg:$0x0] =	wrdreg $0x0  }
0xa8: {  	s6 =	sshll.u32 s25, $0x1;
	[dreg:$0x2] =	wrdreg s4  }
0xa9: {  	[dreg:$0x3] =	wrdreg s6  }
0xaa: {  	[dreg:$0x4] =	wrdreg $0xC0  }
0xab: {  	_ =	task [dreg:s8], $0x5FFFF  }
0xac: {  	[dreg:$0x1] =	wrdreg $0xFFFFFFFF  }
0xad: {  	[dreg:$0x0] =	wrdreg $0x60  }
0xae: {  	[dreg:$0x2] =	wrdreg s0  }
0xaf: {  	[dreg:$0x3] =	wrdreg s22  }
0xb0: {  	[dreg:$0x4] =	wrdreg s3  }
0xb1: {  	[dreg:$0x5] =	wrdreg s16  }
0xb2: {  	[dreg:$0x6] =	wrdreg s2  }
0xb3: {  	[dreg:$0x7] =	wrdreg $0x9  }
0xb4: {  	_ =	task.clear_ibuf [dreg:s8], $0x8FFFF;
	_ =	strace $0x90000046  }
0xb5: {  	s26 =	simm.s32 $0x9;
	_ =	strace $0x80000048  }
0xb6: {  	_ =	swait.ge [sflag:s26], $0x1  }
0xb7: {  	[sflag:s26] =	ssyncadd.s32 $0xFFFFFFFF  }
0xb8: {  	_ =	strace $0x90000048  }
0xb9: {  	_ =	sfence  }
0xba: {  	s28 =	sld [smem:$0x0];
	_ =	sdelay $0x1  }
0xbb: {  	s29 =	srdreg.scid  }
0xbc: {  	s30 =	sshll.u32 s29, $0xD;
	s31 =	sshrl.u32 s29, $0x2  }
0xbd: {  	s1 =	sand.u32 $0x1, s29;
	s2 =	sand.u32 $0x4000, s30;
	s0 =	sadd.s32 s31, s28  }
0xbe: {  	s1 =	sor.u32 s2, s1;
	s0 =	sshll.u32 s0, $0x11  }
0xbf: {  	s0 =	sor.u32 s0, s1  }
0xc0: {  	s0 =	sadd.s32 $0x8F2B, s0  }
0xc1: {  	[sflag:s0] =	ssyncadd.remote.s32 $0x1  }
0xc2: {  	_ =	sfence.sel $0xFFFF  }
0xc3: {  	[dreg:$0x0] =	wrdreg $0xFFFFFFFF;
	(pc) =	sbr.abs _section_cstart, $3  }
0xc4: {  	[dreg:$0x1] =	wrdreg $0xFFFFFFFF  }
0xc5: {  	_ =	task.clear_ibuf [dreg:s8], $0x2FFFF;
	_ =	strace $0x9FFFFFFF  }
0xc6: {  	(tm) =	ssettm $0x7FFFFFFF  }
0xc7: {  	_ =	shalt  }
tec
execute0_lowered:
.L_overlay_start_1:
0x0: {  	(tag) =	ssettag $0x1  }
0x1: {  	s0 =	rddreg [dreg:$0x1]  }
0x2: {  	s2 =	rddreg [dreg:$0x2]  }
0x3: {  	s4 =	rddreg [dreg:$0x3];
	s3 =	simm.s32 $0x0  }
0x4: {  	[smem:$0x7FF] =	sst s3  }
0x5: {  	s1 =	rddreg [dreg:$0x4];
	s5 =	simm.s32 $0x10180;
	_ =	strace $0x80000047  }
0x6: {  	[tilespmem:s5], [sflag:$0x2] =	stream.linear.gather [hbm4b:s4+s3], $0x80, $0x38;
	[tilespmem:$0x10A00] =	vst v63  }
0x7: {  	s6 =	simm.s32 $0x10280;
	s20 =	sadd.s32 $0x10, s4  }
0x8: {  	[tilespmem:s6], [sflag:$0x2] =	stream.linear.gather [hbm4b:s20+s3], $0x80, $0x38;
	[tilespmem:$0x10A00] =	vst v63  }
0x9: {  	s22 =	simm.s32 $0x10380;
	s21 =	sadd.s32 $0x20, s4  }
0xa: {  	[tilespmem:s22], [sflag:$0x2] =	stream.linear.gather [hbm4b:s21+s3], $0x80, $0x38;
	[tilespmem:$0x10A00] =	vst v63  }
0xb: {  	s24 =	simm.s32 $0x10480;
	s23 =	sadd.s32 $0x30, s4  }
0xc: {  	[tilespmem:s24], [sflag:$0x2] =	stream.linear.gather [hbm4b:s23+s3], $0x80, $0x38;
	[tilespmem:$0x10A00] =	vst v63  }
0xd: {  	s26 =	simm.s32 $0x10580;
	s25 =	sadd.s32 $0x40, s4  }
0xe: {  	[tilespmem:s26], [sflag:$0x2] =	stream.linear.gather [hbm4b:s25+s3], $0x80, $0x38;
	[tilespmem:$0x10A00] =	vst v63  }
0xf: {  	s8 =	simm.s32 $0x10680;
	s7 =	sadd.s32 $0x50, s4  }
0x10: {  	[tilespmem:s8], [sflag:$0x2] =	stream.linear.gather [hbm4b:s7+s3], $0x80, $0x38;
	[tilespmem:$0x10A00] =	vst v63  }
0x11: {  	s10 =	simm.s32 $0x10780;
	s9 =	sadd.s32 $0x60, s4  }
0x12: {  	[tilespmem:s10], [sflag:$0x2] =	stream.linear.gather [hbm4b:s9+s3], $0x80, $0x38;
	[tilespmem:$0x10A00] =	vst v63  }
0x13: {  	s11 =	simm.s32 $0x10880;
	s4 =	sadd.s32 $0x70, s4  }
0x14: {  	[tilespmem:s11], [sflag:$0x2] =	stream.linear.gather [hbm4b:s4+s3], $0x80, $0x38;
	[tilespmem:$0x10A00] =	vst v63  }
0x15: {  	s4 =	simm.s32 $0x2  }
0x16: {  	_ =	swait.ge [sflag:s4], $0x400  }
0x17: {  	s12 =	simm.s32 $0x10200;
	v0 =	vimm.s32 $0xFEDCBA98;
	v1 =	vimm.s32 $0x76543210;
	s14 =	simm.s32 $0x10300;
	[sflag:s4] =	ssyncset.done $0x0  }
0x18: {  	s16 =	simm.s32 $0x10400;
	v2 =	vimm.s32 $0x13121110;
	v3 =	vimm.s32 $0x17161514;
	[sflag:s4] =	ssyncadd.s32 $0xFFFFFC00  }
0x19: {  	v4 =	vimm.s32 $0x1B1A1918;
	v5 =	vimm.s32 $0x1F1E1D1C;
	[tilespmem:s12], [sflag:$0x2] =	stream.linear.gather [hbm4b:s1+s3], $0x80, $0x38;
	[tilespmem:$0x10A00] =	vst v63  }
0x1a: {  	s18 =	simm.s32 $0x10500;
	vm0 =	vcmask $0x1F10;
	v6 =	vimm.s32 $0xBA98FEDC;
	v7 =	vimm.s32 $0x32107654;
	s13 =	sadd.s32 $0x10, s1  }
0x1b: {  	v8 =	vimm.s32 $0xDCFE98BA;
	v48 =	vimm.s32 $0x54761032;
	[tilespmem:s14], [sflag:$0x2] =	stream.linear.gather [hbm4b:s13+s3], $0x80, $0x38;
	[tilespmem:$0x10A00] =	vst v63  }
0x1c: {  	v9 =	vimm.s32 $0x19181B1A;
	v10 =	vimm.s32 $0x1D1C1F1E;
	v50 =	vimm.s32 $0x11101312;
	s15 =	sadd.s32 $0x20, s1  }
0x1d: {  	v51 =	vimm.s32 $0xEFCDAB89;
	v52 =	vimm.s32 $0x67452301;
	[tilespmem:s16], [sflag:$0x2] =	stream.linear.gather [hbm4b:s15+s3], $0x80, $0x38;
	[tilespmem:$0x10A00] =	vst v63  }
0x1e: {  	v53 =	vimm.s32 $0x15141716;
	v54 =	vimm.s32 $0x1A1B1819;
	v55 =	vimm.s32 $0x1E1F1C1D;
	s17 =	sadd.s32 $0x30, s1  }
0x1f: {  	v11 =	vimm.s32 $0x12131011;
	v12 =	vimm.s32 $0x16171415;
	v56 =	vlaneseq.u32;
	[tilespmem:s18], [sflag:$0x2] =	stream.linear.gather [hbm4b:s17+s3], $0x80, $0x38;
	[tilespmem:$0x10A00] =	vst v63  }
0x20: {  	v0 =	vunpack.c.l.s4.s8 v0;
	v1 =	vunpack.c.l.s4.s8 v1;
	v2 =	vunpack.c.0.s8.s32 v2;
	s19 =	sadd.s32 $0x40, s1;
	s20 =	simm.s32 $0x10600  }
0x21: {  	v3 =	vunpack.c.0.s8.s32 v3;
	v4 =	vunpack.c.0.s8.s32 v4;
	v5 =	vunpack.c.0.s8.s32 v5;
	[tilespmem:s20], [sflag:$0x2] =	stream.linear.gather [hbm4b:s19+s3], $0x80, $0x38;
	[tilespmem:$0x10A00] =	vst v63  }
0x22: {  	v6 =	vunpack.c.l.s4.s8 v6;
	v7 =	vunpack.c.l.s4.s8 v7;
	v47 =	vunpack.c.l.s4.s8 v8;
	s21 =	sadd.s32 $0x50, s1;
	s22 =	simm.s32 $0x10700  }
0x23: {  	v8 =	vunpack.c.l.s4.s8 v48;
	v9 =	vunpack.c.0.s8.s32 v9;
	v10 =	vunpack.c.0.s8.s32 v10;
	[tilespmem:s22], [sflag:$0x2] =	stream.linear.gather [hbm4b:s21+s3], $0x80, $0x38;
	[tilespmem:$0x10A00] =	vst v63  }
0x24: {  	v11 =	vunpack.c.0.s8.s32 v11;
	v12 =	vunpack.c.0.s8.s32 v12;
	v57 =	vshrl.u32 v56, $0x3;
	s23 =	sadd.s32 $0x60, s1;
	s24 =	simm.s32 $0x10800  }
0x25: {  	v58 =	vand.u32 $0x7, v56;
	v60 =	vor.u32 $0x8, v56;
	v59 =	vmul.u32 $0x8, v57;
	[tilespmem:s24], [sflag:$0x2] =	stream.linear.gather [hbm4b:s23+s3], $0x80, $0x38;
	[tilespmem:$0x10A00] =	vst v63  }
0x26: {  	v0 =	vunpack.c.0.s8.s32 v0;
	v1 =	vunpack.c.0.s8.s32 v1;
	v45 =	vsel vm0, v3, v2;
	s25 =	simm.s32 $0x10900;
	s1 =	sadd.s32 $0x70, s1  }
0x27: {  	v46 =	vsel vm0, v5, v4;
	v6 =	vunpack.c.0.s8.s32 v6;
	v7 =	vunpack.c.0.s8.s32 v7;
	[tilespmem:s25], [sflag:$0x2] =	stream.linear.gather [hbm4b:s1+s3], $0x80, $0x38;
	[tilespmem:$0x10A00] =	vst v63  }
0x28: {  	v8 =	vunpack.c.0.s8.s32 v8;
	v4 =	vsel vm0, v4, v5;
	v2 =	vsel vm0, v2, v3;
	_ =	swait.ge [sflag:s4], $0x400  }
0x29: {  	v49 =	vsel vm0, v10, v9;
	v5 =	vunpack.c.l.s4.s8 v51;
	v0 =	vand.u32 $0xF, v0;
	[tilespmem:$0x1FF50] =	vst v58  }
0x2a: {  	v14 =	vcombine.low v46, v45;
	v13 =	vcombine.low v0, v1;
	v0 =	vunpack.c.0.s8.s32 v47;
	[tilespmem:$0x1FF60] =	vst v59  }
0x2b: {  	v15 =	vcombine.low v2, v4;
	v6 =	vcombine.low v7, v6;
	v7 =	vunpack.c.l.s4.s8 v52;
	[tilespmem:$0x1FF70] =	vst v60  }
0x2c: {  	v4 =	vunpack.c.0.s8.s32 v50;
	v0 =	vcombine.low v8, v0;
	v8 =	vunpack.c.0.s8.s32 v53;
	[tilespmem:$0x1FF80] =	vst v13  }
0x2d: {  	p1 =	por $0x1, $0x1;
	v9 =	vunpack.c.0.s8.s32 v54;
	v5 =	vunpack.c.0.s8.s32 v5;
	v7 =	vunpack.c.0.s8.s32 v7;
	[tilespmem:$0x1FF90] =	vst v14  }
0x2e: {  	s28 =	simm.s32 $0xE000;
	s29 =	simm.s32 $0xE800;
	s30 =	simm.s32 $0xF000;
	v10 =	vunpack.c.0.s8.s32 v55;
	v6 =	vand.u32 $0xF, v6;
	v4 =	vsel vm0, v8, v4;
	[tilespmem:$0x1FFA0] =	vst v15  }
0x2f: {  	s31 =	simm.s32 $0xF800;
	s5 =	sadd.s32 $0x1E00, s0;
	s6 =	sadd.s32 $0x2600, s0;
	v5 =	vcombine.low v7, v5;
	v61 =	vand.u32 $0xF, v0;
	v62 =	vcombine.low v4, v49;
	[tilespmem:$0x1FFB0] =	vst v6  }
0x30: {  	v11 =	vsel vm0, v12, v11;
	v10 =	vsel vm0, v10, v9;
	s26 =	stileid.u32;
	s8 =	sadd.s32 $0x2E00, s0;
	s0 =	simm.s32 $0x1;
	[tilespmem:$0x1FFC0] =	vst v61  }
0x31: {  	v10 =	vcombine.low v11, v10;
	v63 =	vand.u32 $0xF, v5;
	s7 =	simm.s32 $0x10980;
	s9 =	sadd.s32 $0x200, s2;
	s10 =	sadd.s32 $0x300, s2;
	[tilespmem:$0x1FFD0] =	vst v62  }
0x32: {  	s14 =	sshll.u32 s26, $0x6;
	s26 =	simm.s32 $0xD800;
	[sflag:s4] =	ssyncset.done $0x0;
	[tilespmem:$0x1FFE0] =	vst v63  }
0x33: {  	vm0 =	vmmov $0xffff;
	s15 =	sadd.s32 $0x100, s2;
	s1 =	simm.s32 $0x0;
	[tilespmem:$0x1FFF0] =	vst v10;
	[sflag:s4] =	ssyncadd.s32 $0xFFFFFC00  }
.LBB2_1:
0x34: {  	s1 =	sor.u32 s14, s1  }
0x35: {  	s11 =	sshrl.u32 s1, $0x3  }
0x36: {  	s13 =	simm.s32 $0x10000;
	s12 =	sadd.s32 s5, s11  }
0x37: {  	[tilespmem:s13], [sflag:$0x2] =	stream.linear.gather [hbm4b:s12+s3], $0x20, $0x38;
	[tilespmem:$0x10A00] =	vst v63  }
0x38: {  	_ =	swait.ge [sflag:s4], $0x20  }
0x39: {  	[sflag:s4] =	ssyncset.done $0x0  }
0x3a: {  	s25 =	simm.s32 $0x10080;
	s11 =	sadd.s32 s6, s11;
	[sflag:s4] =	ssyncadd.s32 $0xFFFFFFE0  }
0x3b: {  	[tilespmem:s25], [sflag:$0x2] =	stream.linear.gather [hbm4b:s11+s3], $0x20, $0x38;
	[tilespmem:$0x10A00] =	vst v63  }
0x3c: {  	_ =	swait.ge [sflag:s4], $0x20  }
0x3d: {  	[sflag:s4] =	ssyncset.done $0x0  }
0x3e: {  	[sflag:s4] =	ssyncadd.s32 $0xFFFFFFE0  }
0x3f: {  	v0 =	vld [tilespmem:$0x10000]  }
0x40: {  	v3 =	vld [tilespmem:$0x10080];
	_ =	sdelay $0x3  }
0x41: {  	v1 =	vld [tilespmem:$0x1FF50];
	v0 =	vshll.u32 v0, $0x2  }
0x42: {  	v0 =	vadd.s32 v3, v0  }
0x43: {  	v2 =	vld [tilespmem:$0x1FF60];
	v3 =	vshll.u32 v0, $0x3  }
0x44: {  	v4 =	vand.u32 $0x7, v0;
	v3 =	vand.u32 $0xFFFFFFC0, v3  }
0x45: {  	v5 =	vld [tilespmem:$0x10010];
	v3 =	vor.u32 v4, v3  }
0x46: {  	v59 =	vld [tilespmem:$0x10090];
	v11 =	vperm.xlane v3, v1;
	_ =	sdelay $0x1  }
0x47: {  	v11 =	vadd.s32 v2, v11  }
0x48: {  	v61 =	vld [tilespmem:$0x1FF70]  }
0x49: {  	v5 =	vshll.u32 v5, $0x2  }
0x4a: {  	v60 =	vadd.s32 v59, v5;
	[tilespmem:$0x10100] =	vst v0  }
0x4b: {  	s12 =	simm.s32 $0x8000;
	[tilespmem:$0x10110] =	vst v60  }
0x4c: {  	[tilespmem:s12], [sflag:$0x1] =	stream.indirect_vreg.gather [hbm4b:s2+s3], $0x80, v11, vm0, $0xb8;
	[tilespmem:$0x10A00] =	vst v63  }
0x4d: {  	s13 =	simm.s32 $0x8800;
	v62 =	vperm.xlane v3, v61  }
0x4e: {  	[tilespmem:s13], [sflag:$0x1] =	stream.indirect_vreg.gather [hbm4b:s15+s3], $0x80, v11, vm0, $0xb8;
	[tilespmem:$0x10A00] =	vst v63  }
0x4f: {  	s16 =	simm.s32 $0x9000;
	v0 =	vadd.s32 v2, v62  }
0x50: {  	[tilespmem:s16], [sflag:$0x1] =	stream.indirect_vreg.gather [hbm4b:s9+s3], $0x80, v11, vm0, $0xb8;
	[tilespmem:$0x10A00] =	vst v63  }
0x51: {  	s17 =	simm.s32 $0x9800  }
0x52: {  	[tilespmem:s17], [sflag:$0x1] =	stream.indirect_vreg.gather [hbm4b:s10+s3], $0x80, v11, vm0, $0xb8;
	[tilespmem:$0x10A00] =	vst v63  }
0x53: {  	s18 =	simm.s32 $0xA000  }
0x54: {  	[tilespmem:s18], [sflag:$0x1] =	stream.indirect_vreg.gather [hbm4b:s2+s3], $0x80, v0, vm0, $0xb8;
	[tilespmem:$0x10A00] =	vst v63  }
0x55: {  	s19 =	simm.s32 $0xA800  }
0x56: {  	[tilespmem:s19], [sflag:$0x1] =	stream.indirect_vreg.gather [hbm4b:s15+s3], $0x80, v0, vm0, $0xb8;
	[tilespmem:$0x10A00] =	vst v63  }
0x57: {  	s20 =	simm.s32 $0xB000  }
0x58: {  	[tilespmem:s20], [sflag:$0x1] =	stream.indirect_vreg.gather [hbm4b:s9+s3], $0x80, v0, vm0, $0xb8;
	[tilespmem:$0x10A00] =	vst v63  }
0x59: {  	s21 =	simm.s32 $0xB800  }
0x5a: {  	[tilespmem:s21], [sflag:$0x1] =	stream.indirect_vreg.gather [hbm4b:s10+s3], $0x80, v0, vm0, $0xb8;
	[tilespmem:$0x10A00] =	vst v63  }
0x5b: {  	v0 =	vld [tilespmem:$0x10110];
	_ =	sdelay $0x4  }
0x5c: {  	v63 =	vshll.u32 v0, $0x3  }
0x5d: {  	v0 =	vand.u32 $0x7, v0;
	v3 =	vand.u32 $0xFFFFFFC0, v63  }
0x5e: {  	v0 =	vor.u32 v0, v3  }
0x5f: {  	v3 =	vperm.xlane v0, v1;
	_ =	sdelay $0x1  }
0x60: {  	v3 =	vadd.s32 v2, v3;
	_ =	sdelay $0x3  }
0x61: {  	s22 =	simm.s32 $0xC000  }
0x62: {  	[tilespmem:s22], [sflag:$0x1] =	stream.indirect_vreg.gather [hbm4b:s2+s3], $0x80, v3, vm0, $0xb8;
	[tilespmem:$0x10A00] =	vst v63  }
0x63: {  	s23 =	simm.s32 $0xC800;
	v0 =	vperm.xlane v0, v61  }
0x64: {  	[tilespmem:s23], [sflag:$0x1] =	stream.indirect_vreg.gather [hbm4b:s15+s3], $0x80, v3, vm0, $0xb8;
	[tilespmem:$0x10A00] =	vst v63  }
0x65: {  	s24 =	simm.s32 $0xD000;
	v0 =	vadd.s32 v2, v0  }
0x66: {  	[tilespmem:s24], [sflag:$0x1] =	stream.indirect_vreg.gather [hbm4b:s9+s3], $0x80, v3, vm0, $0xb8;
	[tilespmem:$0x10A00] =	vst v63  }
0x67: {  	_ = 	snop  }
0x68: {  	[tilespmem:s26], [sflag:$0x1] =	stream.indirect_vreg.gather [hbm4b:s10+s3], $0x80, v3, vm0, $0xb8;
	[tilespmem:$0x10A00] =	vst v63  }
0x69: {  	_ = 	snop  }
0x6a: {  	[tilespmem:s28], [sflag:$0x1] =	stream.indirect_vreg.gather [hbm4b:s2+s3], $0x80, v0, vm0, $0xb8;
	[tilespmem:$0x10A00] =	vst v63  }
0x6b: {  	_ = 	snop  }
0x6c: {  	[tilespmem:s29], [sflag:$0x1] =	stream.indirect_vreg.gather [hbm4b:s15+s3], $0x80, v0, vm0, $0xb8;
	[tilespmem:$0x10A00] =	vst v63  }
0x6d: {  	_ = 	snop  }
0x6e: {  	[tilespmem:s30], [sflag:$0x1] =	stream.indirect_vreg.gather [hbm4b:s9+s3], $0x80, v0, vm0, $0xb8;
	[tilespmem:$0x10A00] =	vst v63  }
0x6f: {  	s1 =	sshll.u32 s1, $0x7;
	s25 =	rddreg [dreg:$0x0]  }
0x70: {  	[tilespmem:s31], [sflag:$0x1] =	stream.indirect_vreg.gather [hbm4b:s10+s3], $0x80, v0, vm0, $0xb8;
	[tilespmem:$0x10A00] =	vst v63  }
0x71: {  	s11 =	sadd.s32 s25, s1  }
0x72: {  	[tilespmem:s3], [sflag:$0x2] =	stream.linear.gather [hbm4b:s11+s3], $0x8000, $0x38;
	[tilespmem:$0x10A00] =	vst v63  }
0x73: {  	_ =	swait.ge [sflag:s4], $0x8000  }
0x74: {  	[sflag:s4] =	ssyncset.done $0x0  }
0x75: {  	[sflag:s4] =	ssyncadd.s32 $0xFFFF8000  }
0x76: {  	p0 =	por p1, p1;
	_ =	swait.ge [sflag:s0], $0x8000  }
0x77: {  	s12 =	simm.s32 $0x0;
	s13 =	simm.s32 $0x0;
	[sflag:s0] =	ssyncset.done $0x0  }
0x78: {  	s16 =	simm.s32 $0x0;
	s11 =	simm.s32 $0xFFFF8000;
	[sflag:s0] =	ssyncadd.s32 $0xFFFF8000  }
.LBB2_2:
0x79: {  	s17 =	sadd.s32 $0x8000, s11  }
0x7a: {  	s18 =	sand.u32 $0x380, s16;
	s17 =	sand.u32 $0x6000, s17  }
0x7b: {  	s17 =	sor.u32 s18, s17  }
0x7c: {  	v0 =	vld [tilespmem:s17+$0x0]  }
0x7d: {  	v3 =	vld [tilespmem:s17+$0x8000]  }
0x7e: {  	v4 =	vld [tilespmem:s17+$0x10]  }
0x7f: {  	v5 =	vld [tilespmem:s17+$0x8010]  }
0x80: {  	v11 =	vld [tilespmem:s17+$0x20]  }
0x81: {  	v12 =	vld [tilespmem:s17+$0x8020]  }
0x82: {  	v13 =	vld [tilespmem:s17+$0x30]  }
0x83: {  	v14 =	vld [tilespmem:s17+$0x8030]  }
0x84: {  	v15 =	vld [tilespmem:s17+$0x40]  }
0x85: {  	v16 =	vld [tilespmem:s17+$0x8040]  }
0x86: {  	v17 =	vld [tilespmem:s17+$0x50]  }
0x87: {  	v18 =	vld [tilespmem:s17+$0x8050]  }
0x88: {  	v19 =	vld [tilespmem:s17+$0x60]  }
0x89: {  	v20 =	vld [tilespmem:s17+$0x8060]  }
0x8a: {  	v21 =	vld [tilespmem:s17+$0x70]  }
0x8b: {  	v22 =	vld [tilespmem:s17+$0x8070]  }
0x8c: {  	v23 =	vld [tilespmem:s17+$0x400]  }
0x8d: {  	v24 =	vld [tilespmem:s17+$0x8400]  }
0x8e: {  	v25 =	vld [tilespmem:s17+$0x410]  }
0x8f: {  	v26 =	vld [tilespmem:s17+$0x8410]  }
0x90: {  	v27 =	vld [tilespmem:s17+$0x420]  }
0x91: {  	v28 =	vld [tilespmem:s17+$0x8420]  }
0x92: {  	v29 =	vld [tilespmem:s17+$0x430]  }
0x93: {  	v30 =	vld [tilespmem:s17+$0x8430]  }
0x94: {  	v31 =	vld [tilespmem:s17+$0x440]  }
0x95: {  	v32 =	vld [tilespmem:s17+$0x8440]  }
0x96: {  	v33 =	vld [tilespmem:s17+$0x450]  }
0x97: {  	v34 =	vld [tilespmem:s17+$0x8450]  }
0x98: {  	v49 =	vld [tilespmem:s17+$0x460]  }
0x99: {  	v36 =	vld [tilespmem:s17+$0x8460]  }
0x9a: {  	v37 =	vld [tilespmem:s17+$0x470]  }
0x9b: {  	v38 =	vld [tilespmem:s17+$0x8470]  }
0x9c: {  	v39 =	vld [tilespmem:s17+$0x800]  }
0x9d: {  	v40 =	vld [tilespmem:s17+$0x8800]  }
0x9e: {  	v41 =	vld [tilespmem:s17+$0x810]  }
0x9f: {  	v42 =	vld [tilespmem:s17+$0x8810]  }
0xa0: {  	v43 =	vld [tilespmem:s17+$0x820]  }
0xa1: {  	v44 =	vld [tilespmem:s17+$0x8820]  }
0xa2: {  	v45 =	vld [tilespmem:s17+$0x830]  }
0xa3: {  	v46 =	vld [tilespmem:s17+$0x8830]  }
0xa4: {  	v47 =	vld [tilespmem:s17+$0x840]  }
0xa5: {  	v1 =	vld [tilespmem:s17+$0x8840]  }
0xa6: {  	v2 =	vld [tilespmem:s17+$0x850]  }
0xa7: {  	v6 =	vld [tilespmem:s17+$0x8850]  }
0xa8: {  	v7 =	vld [tilespmem:s17+$0x860]  }
0xa9: {  	v8 =	vld [tilespmem:s17+$0x8860]  }
0xaa: {  	v9 =	vld [tilespmem:s17+$0x870]  }
0xab: {  	v10 =	vld [tilespmem:s17+$0x8870]  }
0xac: {  	v35 =	vld [tilespmem:s17+$0xC00]  }
0xad: {  	v48 =	vld [tilespmem:s17+$0x8C00]  }
0xae: {  	v50 =	vld [tilespmem:s17+$0xC10]  }
0xaf: {  	v51 =	vld [tilespmem:s17+$0x8C10]  }
0xb0: {  	v52 =	vld [tilespmem:s17+$0xC20]  }
0xb1: {  	v53 =	vld [tilespmem:s17+$0x8C20]  }
0xb2: {  	v54 =	vld [tilespmem:s17+$0xC30]  }
0xb3: {  	v55 =	vld [tilespmem:s17+$0x8C30]  }
0xb4: {  	v56 =	vld [tilespmem:s17+$0xC40]  }
0xb5: {  	v57 =	vld [tilespmem:s17+$0x8C40]  }
0xb6: {  	v58 =	vld [tilespmem:s17+$0xC50]  }
0xb7: {  	v59 =	vld [tilespmem:s17+$0x8C50]  }
0xb8: {  	v60 =	vld [tilespmem:s17+$0xC60]  }
0xb9: {  	v61 =	vld [tilespmem:s17+$0x8C60]  }
0xba: {  	v62 =	vld [tilespmem:s17+$0xC70]  }
0xbb: {  	[tilespmem:$0x1FE40] =	vst v35;
	v35 =	vadd.f32 v5, v4;
	v4 =	vld [tilespmem:s17+$0x8C70]  }
0xbc: {  	[tilespmem:$0x1FE50] =	vst v48;
	v5 =	vld [tilespmem:s17+$0x1000]  }
0xbd: {  	[tilespmem:$0x1FE60] =	vst v50;
	v63 =	vadd.f32 v3, v0;
	v0 =	vld [tilespmem:s17+$0x9000]  }
0xbe: {  	[tilespmem:$0x1FE70] =	vst v51;
	v48 =	vadd.f32 v14, v13;
	v14 =	vld [tilespmem:s17+$0x1010]  }
0xbf: {  	[tilespmem:$0x1FE80] =	vst v52;
	v12 =	vadd.f32 v12, v11;
	v11 =	vadd.f32 v16, v15;
	v15 =	vld [tilespmem:s17+$0x9010]  }
0xc0: {  	[tilespmem:$0x1FE90] =	vst v53;
	v16 =	vld [tilespmem:s17+$0x1020]  }
0xc1: {  	[tilespmem:$0x1FEA0] =	vst v54;
	v13 =	vadd.f32 v18, v17;
	v17 =	vld [tilespmem:s17+$0x9020]  }
0xc2: {  	[tilespmem:$0x1FF20] =	vst v62;
	v62 =	vadd.f32 v26, v25;
	v26 =	vld [tilespmem:s17+$0x1030]  }
0xc3: {  	[tilespmem:$0x1FED0] =	vst v57;
	v57 =	vadd.f32 v20, v19;
	v19 =	vld [tilespmem:s17+$0x9030]  }
0xc4: {  	[tilespmem:$0x1FF00] =	vst v60;
	v60 =	vadd.f32 v30, v29;
	v30 =	vld [tilespmem:s17+$0x1040]  }
0xc5: {  	[tilespmem:$0x1FEE0] =	vst v58;
	v58 =	vadd.f32 v22, v21;
	v21 =	vld [tilespmem:s17+$0x9040]  }
0xc6: {  	[tilespmem:$0x1FEB0] =	vst v55;
	v22 =	vld [tilespmem:s17+$0x1050]  }
0xc7: {  	[tilespmem:$0x1FF10] =	vst v61;
	v61 =	vadd.f32 v24, v23;
	v23 =	vld [tilespmem:s17+$0x9050]  }
0xc8: {  	[tilespmem:$0x1FEC0] =	vst v56;
	v24 =	vld [tilespmem:s17+$0x1060]  }
0xc9: {  	[tilespmem:$0x1FEF0] =	vst v59;
	v25 =	vld [tilespmem:s17+$0x9060]  }
0xca: {  	v59 =	vadd.f32 v28, v27;
	v27 =	vld [tilespmem:s17+$0x1070];
	[tilespmem:s17+$0x0] =	vst v63  }
0xcb: {  	v28 =	vld [tilespmem:s17+$0x9070];
	[tilespmem:s17+$0x10] =	vst v35  }
0xcc: {  	v51 =	vadd.f32 v36, v49;
	v29 =	vld [tilespmem:s17+$0x1400];
	[tilespmem:s17+$0x20] =	vst v12  }
0xcd: {  	v49 =	vadd.f32 v44, v43;
	v44 =	vadd.f32 v6, v2;
	v6 =	vld [tilespmem:s17+$0x9410];
	[tilespmem:s17+$0x30] =	vst v48  }
0xce: {  	v53 =	vadd.f32 v40, v39;
	v39 =	vadd.f32 v8, v7;
	v7 =	vld [tilespmem:s17+$0x1420];
	[tilespmem:s17+$0x40] =	vst v11  }
0xcf: {  	v3 =	vld [tilespmem:s17+$0x1450];
	[tilespmem:s17+$0x50] =	vst v13  }
0xd0: {  	v2 =	vld [tilespmem:s17+$0x9450];
	[tilespmem:s17+$0x60] =	vst v57  }
0xd1: {  	v47 =	vadd.f32 v1, v47;
	v1 =	vld [tilespmem:s17+$0x1460];
	[tilespmem:s17+$0x70] =	vst v58  }
0xd2: {  	v8 =	vld [tilespmem:$0x1FE40];
	[tilespmem:s17+$0x400] =	vst v61  }
0xd3: {  	v40 =	vadd.f32 v10, v9;
	v9 =	vld [tilespmem:$0x1FE50];
	[tilespmem:s17+$0x410] =	vst v62  }
0xd4: {  	v56 =	vadd.f32 v32, v31;
	v10 =	vld [tilespmem:$0x1FE60];
	[tilespmem:s17+$0x420] =	vst v59  }
0xd5: {  	v55 =	vadd.f32 v34, v33;
	v18 =	vld [tilespmem:$0x1FE70];
	[tilespmem:s17+$0x430] =	vst v60  }
0xd6: {  	v20 =	vld [tilespmem:$0x1FE80];
	[tilespmem:s17+$0x440] =	vst v56  }
0xd7: {  	v52 =	vadd.f32 v38, v37;
	v31 =	vld [tilespmem:$0x1FE90];
	[tilespmem:s17+$0x450] =	vst v55  }
0xd8: {  	v32 =	vld [tilespmem:$0x1FEA0];
	[tilespmem:s17+$0x460] =	vst v51  }
0xd9: {  	v54 =	vadd.f32 v42, v41;
	v33 =	vld [tilespmem:$0x1FEB0];
	[tilespmem:s17+$0x470] =	vst v52  }
0xda: {  	v34 =	vld [tilespmem:$0x1FEC0];
	[tilespmem:s17+$0x800] =	vst v53  }
0xdb: {  	v50 =	vadd.f32 v46, v45;
	v36 =	vld [tilespmem:$0x1FED0];
	[tilespmem:s17+$0x810] =	vst v54  }
0xdc: {  	v37 =	vld [tilespmem:$0x1FEE0];
	[tilespmem:s17+$0x820] =	vst v49  }
0xdd: {  	v38 =	vld [tilespmem:$0x1FEF0];
	[tilespmem:s17+$0x830] =	vst v50  }
0xde: {  	[tilespmem:$0x1FF40] =	vst v5;
	v5 =	vld [tilespmem:s17+$0x9400]  }
0xdf: {  	[tilespmem:$0x1FF30] =	vst v4;
	v4 =	vld [tilespmem:s17+$0x1410]  }
0xe0: {  	[tilespmem:s17+$0x840] =	vst v47;
	v14 =	vadd.f32 v15, v14;
	v15 =	vld [tilespmem:s17+$0x1470]  }
0xe1: {  	[tilespmem:s17+$0x850] =	vst v44;
	v41 =	vadd.f32 v9, v8;
	v8 =	vld [tilespmem:s17+$0x9420]  }
0xe2: {  	[tilespmem:s17+$0x860] =	vst v39;
	v9 =	vld [tilespmem:s17+$0x1430]  }
0xe3: {  	[tilespmem:s17+$0x870] =	vst v40;
	v46 =	vadd.f32 v31, v20;
	v31 =	vld [tilespmem:$0x1FF00]  }
0xe4: {  	v45 =	vadd.f32 v18, v10;
	v42 =	vadd.f32 v33, v32;
	v32 =	vld [tilespmem:$0x1FF10];
	[tilespmem:s17+$0x1010] =	vst v14  }
0xe5: {  	v33 =	vld [tilespmem:$0x1FF20];
	[tilespmem:s17+$0xC00] =	vst v41  }
0xe6: {  	v43 =	vadd.f32 v36, v34;
	v34 =	vld [tilespmem:$0x1FF30];
	[tilespmem:s17+$0xC10] =	vst v45  }
0xe7: {  	v36 =	vld [tilespmem:$0x1FF40];
	[tilespmem:s17+$0xC20] =	vst v46  }
0xe8: {  	v10 =	vld [tilespmem:s17+$0x9430];
	v38 =	vadd.f32 v38, v37;
	[tilespmem:s17+$0xC30] =	vst v42  }
0xe9: {  	v18 =	vld [tilespmem:s17+$0x1440];
	[tilespmem:s17+$0xC40] =	vst v43;
	v6 =	vadd.f32 v6, v4  }
0xea: {  	v20 =	vld [tilespmem:s17+$0x9440];
	[tilespmem:s17+$0xC50] =	vst v38;
	v37 =	vadd.f32 v32, v31  }
0xeb: {  	v4 =	vld [tilespmem:s17+$0x1830];
	v33 =	vadd.f32 v34, v33;
	[tilespmem:s17+$0x1410] =	vst v6  }
0xec: {  	v34 =	vadd.f32 v0, v36;
	v0 =	vld [tilespmem:s17+$0x9460];
	[tilespmem:s17+$0xC60] =	vst v37  }
0xed: {  	v36 =	vadd.f32 v17, v16;
	v16 =	vld [tilespmem:s17+$0x9470];
	[tilespmem:s17+$0xC70] =	vst v33  }
0xee: {  	v31 =	vadd.f32 v19, v26;
	v17 =	vld [tilespmem:s17+$0x1800];
	[tilespmem:s17+$0x1000] =	vst v34  }
0xef: {  	v32 =	vadd.f32 v21, v30;
	v19 =	vld [tilespmem:s17+$0x9800];
	[tilespmem:s17+$0x1020] =	vst v36  }
0xf0: {  	v30 =	vadd.f32 v23, v22;
	v23 =	vld [tilespmem:s17+$0x1810];
	[tilespmem:s17+$0x1030] =	vst v31  }
0xf1: {  	v26 =	vadd.f32 v25, v24;
	v24 =	vld [tilespmem:s17+$0x9810];
	[tilespmem:s17+$0x1040] =	vst v32  }
0xf2: {  	v21 =	vadd.f32 v28, v27;
	v25 =	vld [tilespmem:s17+$0x1820];
	[tilespmem:s17+$0x1050] =	vst v30  }
0xf3: {  	v22 =	vadd.f32 v5, v29;
	v29 =	vld [tilespmem:s17+$0x9820];
	[tilespmem:s17+$0x1060] =	vst v26  }
0xf4: {  	v27 =	vadd.f32 v8, v7;
	v5 =	vld [tilespmem:s17+$0x9830];
	[tilespmem:s17+$0x1070] =	vst v21  }
0xf5: {  	v28 =	vadd.f32 v10, v9;
	v10 =	vld [tilespmem:s17+$0x1840];
	[tilespmem:s17+$0x1400] =	vst v22  }
0xf6: {  	v7 =	vadd.f32 v20, v18;
	v18 =	vld [tilespmem:s17+$0x1850];
	[tilespmem:s17+$0x1420] =	vst v27  }
0xf7: {  	v8 =	vadd.f32 v2, v3;
	v2 =	vld [tilespmem:s17+$0x9850];
	[tilespmem:s17+$0x1430] =	vst v28  }
0xf8: {  	[tilespmem:s17+$0x1440] =	vst v7;
	v20 =	vadd.f32 v0, v1;
	v0 =	vld [tilespmem:s17+$0x1860]  }
0xf9: {  	[tilespmem:s17+$0x1450] =	vst v8;
	v9 =	vadd.f32 v16, v15;
	v1 =	vld [tilespmem:s17+$0x9860]  }
0xfa: {  	v15 =	vadd.f32 v19, v17;
	v19 =	vld [tilespmem:s17+$0x1870];
	[tilespmem:s17+$0x1460] =	vst v20  }
0xfb: {  	v16 =	vadd.f32 v24, v23;
	v23 =	vld [tilespmem:s17+$0x9870];
	[tilespmem:s17+$0x1470] =	vst v9  }
0xfc: {  	v17 =	vadd.f32 v29, v25;
	v29 =	vld [tilespmem:s17+$0x9840];
	[tilespmem:s17+$0x1800] =	vst v15  }
0xfd: {  	v5 =	vadd.f32 v5, v4;
	[tilespmem:s17+$0x1810] =	vst v16  }
0xfe: {  	v3 =	vadd.f32 v2, v18;
	[tilespmem:s17+$0x1820] =	vst v17  }
0xff: {  	s25 =	sand.u32 $0x7, s12;
	[tilespmem:s17+$0x1830] =	vst v5;
	v2 =	vadd.f32 v1, v0  }
0x100: {  	s18 =	sshll.u32 s25, $0x7;
	[tilespmem:s17+$0x1850] =	vst v3;
	v1 =	vadd.f32 v23, v19  }
0x101: {  	s25 =	sadd.s32 s18, s13;
	v29 =	vadd.f32 v29, v10;
	[tilespmem:s17+$0x1860] =	vst v2  }
0x102: {  	s18 =	sor.u32 $0x1C00, s25;
	[tilespmem:s17+$0x1870] =	vst v1  }
0x103: {  	[tilespmem:s17+$0x1840] =	vst v29;
	v24 =	vld [tilespmem:s18+$0x0]  }
0x104: {  	v25 =	vld [tilespmem:s18+$0x8000];
	_ =	sdelay $0x3  }
0x105: {  	v18 =	vadd.f32 $0.0e+00, v35  }
0x106: {  	v10 =	vadd.f32 $0.0e+00, v63;
	v0 =	vmul.f32 v63, v63;
	v4 =	vadd.f32 v25, v24  }
0x107: {  	v19 =	vmul.f32 v35, v35;
	v23 =	vadd.f32 $0.0e+00, v12;
	v63 =	vmul.f32 v11, v11  }
0x108: {  	s19 =	sor.u32 $0x1C10, s25;
	v12 =	vmul.f32 v12, v12;
	v10 =	vadd.f32 v11, v10;
	v11 =	vmul.f32 v13, v13;
	[tilespmem:s18+$0x0] =	vst v4  }
0x109: {  	v0 =	vadd.f32 v63, v0;
	v13 =	vadd.f32 v13, v18;
	v63 =	vmul.f32 v57, v57;
	v35 =	vld [tilespmem:s19+$0x0]  }
0x10a: {  	v23 =	vadd.f32 v57, v23;
	v57 =	vmul.f32 v62, v62;
	v11 =	vadd.f32 v11, v19;
	v24 =	vld [tilespmem:s19+$0x8000]  }
0x10b: {  	v12 =	vadd.f32 v63, v12;
	v63 =	vmul.f32 v61, v61;
	v10 =	vadd.f32 v61, v10  }
0x10c: {  	v19 =	vmul.f32 v58, v58;
	v13 =	vadd.f32 v62, v13;
	v18 =	vadd.f32 v59, v23  }
0x10d: {  	v0 =	vadd.f32 v63, v0;
	v25 =	vadd.f32 $0.0e+00, v48;
	v48 =	vmul.f32 v48, v48  }
0x10e: {  	v11 =	vadd.f32 v57, v11;
	v63 =	vmul.f32 v56, v56;
	v10 =	vadd.f32 v56, v10  }
0x10f: {  	v57 =	vmul.f32 v55, v55;
	v19 =	vadd.f32 v19, v48;
	v48 =	vadd.f32 v24, v35  }
0x110: {  	v13 =	vadd.f32 v55, v13;
	v25 =	vadd.f32 v58, v25;
	v58 =	vmul.f32 v59, v59  }
0x111: {  	s20 =	sor.u32 $0x1C20, s25;
	v18 =	vadd.f32 v51, v18;
	v0 =	vadd.f32 v63, v0;
	[tilespmem:s19+$0x0] =	vst v48  }
0x112: {  	v61 =	vmul.f32 v60, v60;
	v11 =	vadd.f32 v57, v11;
	v12 =	vadd.f32 v58, v12;
	v58 =	vld [tilespmem:s20+$0x0]  }
0x113: {  	v10 =	vadd.f32 v53, v10;
	v63 =	vmul.f32 v54, v54;
	v62 =	vadd.f32 v60, v25;
	v60 =	vld [tilespmem:s20+$0x8000]  }
0x114: {  	v13 =	vadd.f32 v54, v13;
	v18 =	vadd.f32 v49, v18  }
0x115: {  	v11 =	vadd.f32 v63, v11;
	v10 =	vadd.f32 v47, v10  }
0x116: {  	v13 =	vadd.f32 v44, v13;
	v24 =	vadd.f32 v52, v62;
	v62 =	vmul.f32 v53, v53  }
0x117: {  	v18 =	vadd.f32 v39, v18;
	v19 =	vadd.f32 v61, v19  }
0x118: {  	v59 =	vmul.f32 v51, v51;
	v25 =	vadd.f32 v62, v0;
	v0 =	vadd.f32 v60, v58  }
0x119: {  	v61 =	vmul.f32 v52, v52;
	v10 =	vadd.f32 v41, v10;
	v13 =	vadd.f32 v45, v13  }
0x11a: {  	s21 =	sor.u32 $0x1C30, s25;
	v56 =	vmul.f32 v49, v49;
	v18 =	vadd.f32 v46, v18;
	v12 =	vadd.f32 v59, v12;
	[tilespmem:s20+$0x0] =	vst v0  }
0x11b: {  	v57 =	vmul.f32 v50, v50;
	v19 =	vadd.f32 v61, v19;
	v10 =	vadd.f32 v43, v10;
	v61 =	vld [tilespmem:s21+$0x0]  }
0x11c: {  	v59 =	vmul.f32 v44, v44;
	v13 =	vadd.f32 v38, v13;
	v18 =	vadd.f32 v37, v18;
	v63 =	vld [tilespmem:s21+$0x8000]  }
0x11d: {  	v55 =	vmul.f32 v34, v34;
	v12 =	vadd.f32 v56, v12;
	v19 =	vadd.f32 v57, v19  }
0x11e: {  	v49 =	vmul.f32 v43, v43;
	v11 =	vadd.f32 v59, v11;
	v10 =	vadd.f32 v34, v10  }
0x11f: {  	v53 =	vmul.f32 v33, v33;
	v13 =	vadd.f32 v14, v13;
	v18 =	vadd.f32 v36, v18  }
0x120: {  	v57 =	vmul.f32 v36, v36;
	v24 =	vadd.f32 v50, v24;
	v10 =	vadd.f32 v32, v10  }
0x121: {  	v62 =	vmul.f32 v40, v40;
	v13 =	vadd.f32 v30, v13;
	v35 =	vadd.f32 v63, v61  }
0x122: {  	v18 =	vadd.f32 v26, v18;
	v24 =	vadd.f32 v40, v24;
	v40 =	vmul.f32 v45, v45  }
0x123: {  	s22 =	sor.u32 $0x1C40, s25;
	v19 =	vadd.f32 v62, v19;
	v45 =	vmul.f32 v46, v46;
	v46 =	vmul.f32 v42, v42;
	[tilespmem:s21+$0x0] =	vst v35  }
0x124: {  	v36 =	vmul.f32 v6, v6;
	v10 =	vadd.f32 v22, v10;
	v6 =	vadd.f32 v6, v13;
	v52 =	vld [tilespmem:s22+$0x0]  }
0x125: {  	v50 =	vmul.f32 v38, v38;
	v11 =	vadd.f32 v40, v11;
	v19 =	vadd.f32 v46, v19;
	v54 =	vld [tilespmem:s22+$0x8000]  }
0x126: {  	v6 =	vadd.f32 v8, v6;
	v58 =	vmul.f32 v47, v47;
	v47 =	vadd.f32 v42, v24  }
0x127: {  	v60 =	vmul.f32 v39, v39;
	v11 =	vadd.f32 v50, v11;
	v19 =	vadd.f32 v53, v19  }
0x128: {  	v42 =	vmul.f32 v7, v7;
	v7 =	vadd.f32 v7, v10;
	v6 =	vadd.f32 v16, v6  }
0x129: {  	v56 =	vmul.f32 v14, v14;
	v25 =	vadd.f32 v58, v25;
	v12 =	vadd.f32 v60, v12  }
0x12a: {  	v39 =	vmul.f32 v41, v41;
	v23 =	vadd.f32 v33, v47;
	v14 =	vadd.f32 v54, v52  }
0x12b: {  	v11 =	vadd.f32 v56, v11;
	v58 =	vmul.f32 v31, v31;
	v7 =	vadd.f32 v15, v7  }
0x12c: {  	s23 =	sor.u32 $0x1C50, s25;
	v60 =	vmul.f32 v30, v30;
	v25 =	vadd.f32 v39, v25;
	v12 =	vadd.f32 v45, v12;
	[tilespmem:s22+$0x0] =	vst v14  }
0x12d: {  	v51 =	vmul.f32 v37, v37;
	v23 =	vadd.f32 v31, v23;
	v19 =	vadd.f32 v58, v19;
	v63 =	vld [tilespmem:s23+$0x0]  }
0x12e: {  	v43 =	vmul.f32 v8, v8;
	v11 =	vadd.f32 v60, v11;
	v39 =	vadd.f32 v27, v18;
	v34 =	vld [tilespmem:s23+$0x8000]  }
0x12f: {  	v62 =	vmul.f32 v21, v21;
	v7 =	vadd.f32 v29, v7;
	v24 =	vadd.f32 v49, v25  }
0x130: {  	v59 =	vmul.f32 v32, v32;
	v12 =	vadd.f32 v51, v12;
	v21 =	vadd.f32 v21, v23  }
0x131: {  	v38 =	vmul.f32 v27, v27;
	v19 =	vadd.f32 v62, v19;
	v11 =	vadd.f32 v36, v11  }
0x132: {  	v40 =	vmul.f32 v28, v28;
	v46 =	vadd.f32 v20, v39;
	v24 =	vadd.f32 v55, v24  }
0x133: {  	v50 =	vmul.f32 v15, v15;
	v12 =	vadd.f32 v57, v12;
	v41 =	vadd.f32 v34, v63  }
0x134: {  	v47 =	vmul.f32 v9, v9;
	v21 =	vadd.f32 v28, v21;
	v18 =	vadd.f32 v40, v19  }
0x135: {  	s24 =	sor.u32 $0x1C60, s25;
	v61 =	vmul.f32 v26, v26;
	v10 =	vadd.f32 v43, v11;
	v11 =	vadd.f32 v17, v46;
	[tilespmem:s23+$0x0] =	vst v41  }
0x136: {  	v57 =	vmul.f32 v3, v3;
	v3 =	vadd.f32 v3, v6;
	v24 =	vadd.f32 v59, v24;
	v49 =	vld [tilespmem:s24+$0x0]  }
0x137: {  	v33 =	vmul.f32 v22, v22;
	v12 =	vadd.f32 v61, v12;
	v9 =	vadd.f32 v9, v21;
	v51 =	vld [tilespmem:s24+$0x8000]  }
0x138: {  	v58 =	vmul.f32 v2, v2;
	v13 =	vadd.f32 v47, v18;
	v2 =	vadd.f32 v2, v11  }
0x139: {  	v61 =	vmul.f32 v4, v4;
	v4 =	vadd.f32 v4, v7;
	v37 =	vadd.f32 v33, v24  }
0x13a: {  	v45 =	vmul.f32 v20, v20;
	v3 =	vadd.f32 v48, v3;
	v12 =	vadd.f32 v38, v12  }
0x13b: {  	v19 =	vmul.f32 v0, v0;
	v0 =	vadd.f32 v0, v2;
	v44 =	vadd.f32 v42, v37  }
0x13c: {  	v53 =	vmul.f32 v17, v17;
	v8 =	vadd.f32 v45, v12;
	v56 =	vadd.f32 v51, v49  }
0x13d: {  	v52 =	vmul.f32 v16, v16;
	v12 =	vadd.f32 v50, v44;
	v54 =	vmul.f32 v5, v5  }
0x13e: {  	s25 =	sor.u32 $0x1C70, s25;
	v55 =	vmul.f32 v29, v29;
	v8 =	vadd.f32 v53, v8;
	v5 =	vadd.f32 v5, v9;
	[tilespmem:s24+$0x0] =	vst v56  }
0x13f: {  	v10 =	vadd.f32 v52, v10;
	v13 =	vadd.f32 v54, v13;
	v62 =	vld [tilespmem:s25+$0x0]  }
0x140: {  	v9 =	vadd.f32 v55, v12;
	v8 =	vadd.f32 v58, v8;
	v17 =	vld [tilespmem:s25+$0x8000]  }
0x141: {  	v60 =	vmul.f32 v1, v1;
	v1 =	vadd.f32 v1, v5;
	v4 =	vadd.f32 v14, v4  }
0x142: {  	v16 =	vmul.f32 v48, v48;
	v59 =	vadd.f32 v57, v10;
	v18 =	vadd.f32 v61, v9  }
0x143: {  	v22 =	vmul.f32 v14, v14;
	v21 =	vadd.f32 v19, v8;
	v1 =	vadd.f32 v35, v1  }
0x144: {  	v20 =	vmul.f32 v35, v35;
	v6 =	vadd.f32 v16, v59;
	v63 =	vadd.f32 v60, v13  }
0x145: {  	v7 =	vadd.f32 v22, v18;
	v27 =	vmul.f32 v41, v41;
	v25 =	vadd.f32 v17, v62  }
0x146: {  	v5 =	vadd.f32 v20, v63;
	v3 =	vadd.f32 v41, v3  }
0x147: {  	v6 =	vadd.f32 v27, v6;
	v28 =	vmul.f32 v56, v56;
	v29 =	vmul.f32 v25, v25  }
0x148: {  	v26 =	vld [tilespmem:$0x1FF80];
	v0 =	vadd.f32 v56, v0;
	v1 =	vadd.f32 v25, v1  }
0x149: {  	v24 =	vld [tilespmem:$0x1FF90];
	v2 =	vadd.f32 v28, v21;
	v5 =	vadd.f32 v29, v5  }
0x14a: {  	v3 =	vadd.f32 v3, v4;
	v0 =	vadd.f32 v1, v0  }
0x14b: {  	v33 =	vadd.f32 v6, v7;
	v2 =	vadd.f32 v5, v2  }
0x14c: {  	v0 =	vadd.f32 v0, v3  }
0x14d: {  	[tilespmem:s25+$0x0] =	vst v25;
	v1 =	vadd.f32 v2, v33  }
0x14e: {  	[tilespmem:$0x10980] =	vst v0  }
0x14f: {  	v35 =	vld [tilespmem:$0x1FFB0];
	[tilespmem:$0x10990] =	vst v1  }
0x150: {  	v37 =	vld.idx.msk [tilespmem:v26+s7+$0x0], $0xffff  }
0x151: {  	v38 =	vld.idx.msk [tilespmem:v24+s7+$0x0], $0xffff  }
0x152: {  	v30 =	vld [tilespmem:$0x1FFA0];
	_ =	sdelay $0x2  }
0x153: {  	v0 =	vadd.f32 v37, v0  }
0x154: {  	v1 =	vadd.f32 v38, v1  }
0x155: {  	[tilespmem:$0x10980] =	vst v0  }
0x156: {  	v34 =	vld [tilespmem:$0x1FFC0];
	[tilespmem:$0x10990] =	vst v1  }
0x157: {  	v39 =	vld.idx.msk [tilespmem:v35+s7+$0x0], $0xffff  }
0x158: {  	v40 =	vld.idx.msk [tilespmem:v30+s7+$0x0], $0xffff  }
0x159: {  	v31 =	vld [tilespmem:$0x1FFD0];
	_ =	sdelay $0x2  }
0x15a: {  	v0 =	vadd.f32 v39, v0  }
0x15b: {  	v1 =	vadd.f32 v40, v1  }
0x15c: {  	[tilespmem:$0x10980] =	vst v0  }
0x15d: {  	v36 =	vld [tilespmem:$0x1FFE0];
	[tilespmem:$0x10990] =	vst v1  }
0x15e: {  	v41 =	vld.idx.msk [tilespmem:v34+s7+$0x0], $0xffff  }
0x15f: {  	v42 =	vld.idx.msk [tilespmem:v31+s7+$0x0], $0xffff;
	_ =	sdelay $0x1  }
0x160: {  	v32 =	vld [tilespmem:$0x1FFF0];
	_ =	sdelay $0x1  }
0x161: {  	v0 =	vadd.f32 v41, v0  }
0x162: {  	v1 =	vadd.f32 v42, v1  }
0x163: {  	[tilespmem:$0x10980] =	vst v0  }
0x164: {  	[tilespmem:$0x10990] =	vst v1  }
0x165: {  	v43 =	vld.idx.msk [tilespmem:v36+s7+$0x0], $0xffff;
	_ =	sdelay $0x1  }
0x166: {  	v44 =	vld.idx.msk [tilespmem:v32+s7+$0x0], $0xffff;
	_ =	sdelay $0x2  }
0x167: {  	v0 =	vadd.f32 v43, v0;
	_ =	sdelay $0x1  }
0x168: {  	v1 =	vadd.f32 v44, v1;
	v11 =	vmul.f32 $9.765625000e-04, v0;
	_ =	sdelay $0x1  }
0x169: {  	v45 =	vmul.f32 $9.765625000e-04, v1;
	v46 =	vmul.f32 v11, v11;
	_ =	sdelay $0x1  }
0x16a: {  	v0 =	vsub.f32 v45, v46;
	_ =	sdelay $0x1  }
0x16b: {  	v0 =	vadd.f32 $9.999999960e-13, v0;
	_ =	sdelay $0x1  }
0x16c: {  	v47 =	vshra.s32 v0, $0x1;
	v0 =	vmul.f32 $5.000000000e-01, v0  }
0x16d: {  	v1 =	vsub.s32 $0x5F3759DF, v47  }
0x16e: {  	v48 =	vmul.f32 v1, v0;
	_ =	sdelay $0x1  }
0x16f: {  	v2 =	vmul.f32 v1, v48;
	_ =	sdelay $0x1  }
0x170: {  	v2 =	vsub.f32 $1.500000000e+00, v2;
	_ =	sdelay $0x1  }
0x171: {  	v1 =	vmul.f32 v1, v2;
	_ =	sdelay $0x1  }
0x172: {  	v2 =	vmul.f32 v1, v0;
	_ =	sdelay $0x1  }
0x173: {  	v2 =	vmul.f32 v2, v1;
	_ =	sdelay $0x1  }
0x174: {  	v2 =	vsub.f32 $1.500000000e+00, v2;
	_ =	sdelay $0x1  }
0x175: {  	v1 =	vmul.f32 v2, v1;
	_ =	sdelay $0x1  }
0x176: {  	v2 =	vmul.f32 v1, v0;
	_ =	sdelay $0x1  }
0x177: {  	v2 =	vmul.f32 v2, v1;
	_ =	sdelay $0x1  }
0x178: {  	v2 =	vsub.f32 $1.500000000e+00, v2;
	_ =	sdelay $0x1  }
0x179: {  	v1 =	vmul.f32 v2, v1;
	_ =	sdelay $0x1  }
0x17a: {  	v0 =	vmul.f32 v1, v0  }
0x17b: {  	v49 =	vld [tilespmem:s17+$0x0]  }
0x17c: {  	v0 =	vmul.f32 v0, v1;
	_ =	sdelay $0x1  }
0x17d: {  	v0 =	vsub.f32 $1.500000000e+00, v0  }
0x17e: {  	v50 =	vld [tilespmem:$0x10180]  }
0x17f: {  	v51 =	vsub.f32 v49, v11;
	v12 =	vmul.f32 v0, v1  }
0x180: {  	v52 =	vld [tilespmem:$0x10200]  }
0x181: {  	v0 =	vmul.f32 v12, v51;
	_ =	sdelay $0x1  }
0x182: {  	v0 =	vmul.f32 v0, v50  }
0x183: {  	v53 =	vld [tilespmem:s17+$0x10]  }
0x184: {  	v0 =	vadd.f32 v0, v52;
	_ =	sdelay $0x1  }
0x185: {  	[tilespmem:s17+$0x0] =	vst v0  }
0x186: {  	v0 =	vld [tilespmem:$0x10190]  }
0x187: {  	v54 =	vsub.f32 v53, v11  }
0x188: {  	v55 =	vld [tilespmem:$0x10210]  }
0x189: {  	v1 =	vmul.f32 v12, v54;
	_ =	sdelay $0x1  }
0x18a: {  	v0 =	vmul.f32 v1, v0  }
0x18b: {  	v56 =	vld [tilespmem:s17+$0x20]  }
0x18c: {  	v0 =	vadd.f32 v0, v55;
	_ =	sdelay $0x1  }
0x18d: {  	[tilespmem:s17+$0x10] =	vst v0  }
0x18e: {  	v0 =	vld [tilespmem:$0x101A0]  }
0x18f: {  	v1 =	vsub.f32 v56, v11  }
0x190: {  	v57 =	vld [tilespmem:$0x10220]  }
0x191: {  	v1 =	vmul.f32 v12, v1;
	_ =	sdelay $0x1  }
0x192: {  	v0 =	vmul.f32 v1, v0  }
0x193: {  	v58 =	vld [tilespmem:s17+$0x30]  }
0x194: {  	v0 =	vadd.f32 v0, v57;
	_ =	sdelay $0x1  }
0x195: {  	[tilespmem:s17+$0x20] =	vst v0  }
0x196: {  	v0 =	vld [tilespmem:$0x101B0]  }
0x197: {  	v1 =	vsub.f32 v58, v11  }
0x198: {  	v59 =	vld [tilespmem:$0x10230]  }
0x199: {  	v1 =	vmul.f32 v12, v1;
	_ =	sdelay $0x1  }
0x19a: {  	v0 =	vmul.f32 v1, v0  }
0x19b: {  	v60 =	vld [tilespmem:s17+$0x40]  }
0x19c: {  	v0 =	vadd.f32 v0, v59;
	_ =	sdelay $0x1  }
0x19d: {  	[tilespmem:s17+$0x30] =	vst v0  }
0x19e: {  	v0 =	vld [tilespmem:$0x101C0]  }
0x19f: {  	v1 =	vsub.f32 v60, v11  }
0x1a0: {  	v61 =	vld [tilespmem:$0x10240]  }
0x1a1: {  	v1 =	vmul.f32 v12, v1;
	_ =	sdelay $0x1  }
0x1a2: {  	v0 =	vmul.f32 v1, v0  }
0x1a3: {  	v62 =	vld [tilespmem:s17+$0x50]  }
0x1a4: {  	v0 =	vadd.f32 v0, v61;
	_ =	sdelay $0x1  }
0x1a5: {  	[tilespmem:s17+$0x40] =	vst v0  }
0x1a6: {  	v0 =	vld [tilespmem:$0x101D0]  }
0x1a7: {  	v1 =	vsub.f32 v62, v11  }
0x1a8: {  	v63 =	vld [tilespmem:$0x10250]  }
0x1a9: {  	v1 =	vmul.f32 v12, v1;
	_ =	sdelay $0x1  }
0x1aa: {  	v0 =	vmul.f32 v1, v0  }
0x1ab: {  	v4 =	vld [tilespmem:s17+$0x60]  }
0x1ac: {  	v0 =	vadd.f32 v0, v63;
	_ =	sdelay $0x1  }
0x1ad: {  	[tilespmem:s17+$0x50] =	vst v0  }
0x1ae: {  	v0 =	vld [tilespmem:$0x101E0]  }
0x1af: {  	v1 =	vsub.f32 v4, v11  }
0x1b0: {  	v5 =	vld [tilespmem:$0x10260]  }
0x1b1: {  	v1 =	vmul.f32 v1, v12;
	_ =	sdelay $0x1  }
0x1b2: {  	v0 =	vmul.f32 v1, v0  }
0x1b3: {  	v6 =	vld [tilespmem:s17+$0x70]  }
0x1b4: {  	v0 =	vadd.f32 v0, v5;
	_ =	sdelay $0x1  }
0x1b5: {  	[tilespmem:s17+$0x60] =	vst v0  }
0x1b6: {  	v0 =	vld [tilespmem:$0x101F0]  }
0x1b7: {  	v1 =	vsub.f32 v6, v11  }
0x1b8: {  	v7 =	vld [tilespmem:$0x10270]  }
0x1b9: {  	v1 =	vmul.f32 v1, v12;
	_ =	sdelay $0x1  }
0x1ba: {  	v0 =	vmul.f32 v1, v0  }
0x1bb: {  	v8 =	vld [tilespmem:s17+$0x400]  }
0x1bc: {  	v0 =	vadd.f32 v0, v7;
	_ =	sdelay $0x1  }
0x1bd: {  	[tilespmem:s17+$0x70] =	vst v0  }
0x1be: {  	v0 =	vld [tilespmem:$0x10280]  }
0x1bf: {  	v1 =	vsub.f32 v8, v11  }
0x1c0: {  	v9 =	vld [tilespmem:$0x10300]  }
0x1c1: {  	v1 =	vmul.f32 v1, v12;
	_ =	sdelay $0x1  }
0x1c2: {  	v0 =	vmul.f32 v1, v0  }
0x1c3: {  	v10 =	vld [tilespmem:s17+$0x410]  }
0x1c4: {  	v0 =	vadd.f32 v0, v9;
	_ =	sdelay $0x1  }
0x1c5: {  	[tilespmem:s17+$0x400] =	vst v0  }
0x1c6: {  	v0 =	vld [tilespmem:$0x10290]  }
0x1c7: {  	v1 =	vsub.f32 v10, v11  }
0x1c8: {  	v13 =	vld [tilespmem:$0x10310]  }
0x1c9: {  	v1 =	vmul.f32 v1, v12;
	_ =	sdelay $0x1  }
0x1ca: {  	v0 =	vmul.f32 v1, v0  }
0x1cb: {  	v14 =	vld [tilespmem:s17+$0x420]  }
0x1cc: {  	v0 =	vadd.f32 v0, v13;
	_ =	sdelay $0x1  }
0x1cd: {  	[tilespmem:s17+$0x410] =	vst v0  }
0x1ce: {  	v0 =	vld [tilespmem:$0x102A0]  }
0x1cf: {  	v1 =	vsub.f32 v14, v11  }
0x1d0: {  	v15 =	vld [tilespmem:$0x10320]  }
0x1d1: {  	v1 =	vmul.f32 v1, v12;
	_ =	sdelay $0x1  }
0x1d2: {  	v0 =	vmul.f32 v1, v0  }
0x1d3: {  	v16 =	vld [tilespmem:s17+$0x430]  }
0x1d4: {  	v0 =	vadd.f32 v0, v15;
	_ =	sdelay $0x1  }
0x1d5: {  	[tilespmem:s17+$0x420] =	vst v0  }
0x1d6: {  	v0 =	vld [tilespmem:$0x102B0]  }
0x1d7: {  	v1 =	vsub.f32 v16, v11  }
0x1d8: {  	v17 =	vld [tilespmem:$0x10330]  }
0x1d9: {  	v1 =	vmul.f32 v1, v12;
	_ =	sdelay $0x1  }
0x1da: {  	v0 =	vmul.f32 v1, v0  }
0x1db: {  	v18 =	vld [tilespmem:s17+$0x440]  }
0x1dc: {  	v0 =	vadd.f32 v0, v17;
	_ =	sdelay $0x1  }
0x1dd: {  	[tilespmem:s17+$0x430] =	vst v0  }
0x1de: {  	v0 =	vld [tilespmem:$0x102C0]  }
0x1df: {  	v1 =	vsub.f32 v18, v11  }
0x1e0: {  	v19 =	vld [tilespmem:$0x10340]  }
0x1e1: {  	v1 =	vmul.f32 v1, v12;
	_ =	sdelay $0x1  }
0x1e2: {  	v0 =	vmul.f32 v1, v0  }
0x1e3: {  	v20 =	vld [tilespmem:s17+$0x450]  }
0x1e4: {  	v0 =	vadd.f32 v0, v19;
	_ =	sdelay $0x1  }
0x1e5: {  	[tilespmem:s17+$0x440] =	vst v0  }
0x1e6: {  	v0 =	vld [tilespmem:$0x102D0]  }
0x1e7: {  	v1 =	vsub.f32 v20, v11  }
0x1e8: {  	v21 =	vld [tilespmem:$0x10350]  }
0x1e9: {  	v1 =	vmul.f32 v1, v12;
	_ =	sdelay $0x1  }
0x1ea: {  	v0 =	vmul.f32 v1, v0  }
0x1eb: {  	v22 =	vld [tilespmem:s17+$0x460]  }
0x1ec: {  	v0 =	vadd.f32 v0, v21;
	_ =	sdelay $0x1  }
0x1ed: {  	[tilespmem:s17+$0x450] =	vst v0  }
0x1ee: {  	v0 =	vld [tilespmem:$0x102E0]  }
0x1ef: {  	v1 =	vsub.f32 v22, v11  }
0x1f0: {  	v23 =	vld [tilespmem:$0x10360]  }
0x1f1: {  	v1 =	vmul.f32 v1, v12;
	_ =	sdelay $0x1  }
0x1f2: {  	v0 =	vmul.f32 v1, v0  }
0x1f3: {  	v24 =	vld [tilespmem:s17+$0x470]  }
0x1f4: {  	v0 =	vadd.f32 v0, v23;
	_ =	sdelay $0x1  }
0x1f5: {  	[tilespmem:s17+$0x460] =	vst v0  }
0x1f6: {  	v0 =	vld [tilespmem:$0x102F0]  }
0x1f7: {  	v1 =	vsub.f32 v24, v11  }
0x1f8: {  	v25 =	vld [tilespmem:$0x10370]  }
0x1f9: {  	v1 =	vmul.f32 v1, v12;
	_ =	sdelay $0x1  }
0x1fa: {  	v0 =	vmul.f32 v1, v0  }
0x1fb: {  	v26 =	vld [tilespmem:s17+$0x800]  }
0x1fc: {  	v0 =	vadd.f32 v0, v25;
	_ =	sdelay $0x1  }
0x1fd: {  	[tilespmem:s17+$0x470] =	vst v0  }
0x1fe: {  	v0 =	vld [tilespmem:$0x10380]  }
0x1ff: {  	v1 =	vsub.f32 v26, v11  }
0x200: {  	v27 =	vld [tilespmem:$0x10400]  }
0x201: {  	v1 =	vmul.f32 v1, v12;
	_ =	sdelay $0x1  }
0x202: {  	v0 =	vmul.f32 v1, v0  }
0x203: {  	v28 =	vld [tilespmem:s17+$0x810]  }
0x204: {  	v0 =	vadd.f32 v0, v27;
	_ =	sdelay $0x1  }
0x205: {  	[tilespmem:s17+$0x800] =	vst v0  }
0x206: {  	v0 =	vld [tilespmem:$0x10390]  }
0x207: {  	v1 =	vsub.f32 v28, v11  }
0x208: {  	v29 =	vld [tilespmem:$0x10410]  }
0x209: {  	v1 =	vmul.f32 v1, v12;
	_ =	sdelay $0x1  }
0x20a: {  	v0 =	vmul.f32 v1, v0  }
0x20b: {  	v30 =	vld [tilespmem:s17+$0x820]  }
0x20c: {  	v0 =	vadd.f32 v0, v29;
	_ =	sdelay $0x1  }
0x20d: {  	[tilespmem:s17+$0x810] =	vst v0  }
0x20e: {  	v0 =	vld [tilespmem:$0x103A0]  }
0x20f: {  	v1 =	vsub.f32 v30, v11  }
0x210: {  	v31 =	vld [tilespmem:$0x10420]  }
0x211: {  	v1 =	vmul.f32 v1, v12;
	_ =	sdelay $0x1  }
0x212: {  	v0 =	vmul.f32 v1, v0  }
0x213: {  	v32 =	vld [tilespmem:s17+$0x830]  }
0x214: {  	v0 =	vadd.f32 v0, v31;
	_ =	sdelay $0x1  }
0x215: {  	[tilespmem:s17+$0x820] =	vst v0  }
0x216: {  	v0 =	vld [tilespmem:$0x103B0]  }
0x217: {  	v1 =	vsub.f32 v32, v11  }
0x218: {  	v33 =	vld [tilespmem:$0x10430]  }
0x219: {  	v1 =	vmul.f32 v1, v12;
	_ =	sdelay $0x1  }
0x21a: {  	v0 =	vmul.f32 v1, v0  }
0x21b: {  	v34 =	vld [tilespmem:s17+$0x840]  }
0x21c: {  	v0 =	vadd.f32 v0, v33;
	_ =	sdelay $0x1  }
0x21d: {  	[tilespmem:s17+$0x830] =	vst v0  }
0x21e: {  	v0 =	vld [tilespmem:$0x103C0]  }
0x21f: {  	v1 =	vsub.f32 v34, v11  }
0x220: {  	v35 =	vld [tilespmem:$0x10440]  }
0x221: {  	v1 =	vmul.f32 v1, v12;
	_ =	sdelay $0x1  }
0x222: {  	v0 =	vmul.f32 v1, v0  }
0x223: {  	v36 =	vld [tilespmem:s17+$0x850]  }
0x224: {  	v0 =	vadd.f32 v0, v35;
	_ =	sdelay $0x1  }
0x225: {  	[tilespmem:s17+$0x840] =	vst v0  }
0x226: {  	v0 =	vld [tilespmem:$0x103D0]  }
0x227: {  	v1 =	vsub.f32 v36, v11  }
0x228: {  	v37 =	vld [tilespmem:$0x10450]  }
0x229: {  	v1 =	vmul.f32 v1, v12;
	_ =	sdelay $0x1  }
0x22a: {  	v0 =	vmul.f32 v1, v0  }
0x22b: {  	v38 =	vld [tilespmem:s17+$0x860]  }
0x22c: {  	v0 =	vadd.f32 v0, v37;
	_ =	sdelay $0x1  }
0x22d: {  	[tilespmem:s17+$0x850] =	vst v0  }
0x22e: {  	v0 =	vld [tilespmem:$0x103E0]  }
0x22f: {  	v1 =	vsub.f32 v38, v11  }
0x230: {  	v39 =	vld [tilespmem:$0x10460]  }
0x231: {  	v1 =	vmul.f32 v1, v12;
	_ =	sdelay $0x1  }
0x232: {  	v0 =	vmul.f32 v1, v0  }
0x233: {  	v40 =	vld [tilespmem:s17+$0x870]  }
0x234: {  	v0 =	vadd.f32 v0, v39;
	_ =	sdelay $0x1  }
0x235: {  	[tilespmem:s17+$0x860] =	vst v0  }
0x236: {  	v0 =	vld [tilespmem:$0x103F0]  }
0x237: {  	v1 =	vsub.f32 v40, v11  }
0x238: {  	v41 =	vld [tilespmem:$0x10470]  }
0x239: {  	v1 =	vmul.f32 v1, v12;
	_ =	sdelay $0x1  }
0x23a: {  	v0 =	vmul.f32 v1, v0  }
0x23b: {  	v42 =	vld [tilespmem:s17+$0xC00]  }
0x23c: {  	v0 =	vadd.f32 v0, v41;
	_ =	sdelay $0x1  }
0x23d: {  	[tilespmem:s17+$0x870] =	vst v0  }
0x23e: {  	v0 =	vld [tilespmem:$0x10480]  }
0x23f: {  	v1 =	vsub.f32 v42, v11  }
0x240: {  	v43 =	vld [tilespmem:$0x10500]  }
0x241: {  	v1 =	vmul.f32 v1, v12;
	_ =	sdelay $0x1  }
0x242: {  	v0 =	vmul.f32 v1, v0  }
0x243: {  	v44 =	vld [tilespmem:s17+$0xC10]  }
0x244: {  	v0 =	vadd.f32 v0, v43;
	_ =	sdelay $0x1  }
0x245: {  	[tilespmem:s17+$0xC00] =	vst v0  }
0x246: {  	v0 =	vld [tilespmem:$0x10490]  }
0x247: {  	v1 =	vsub.f32 v44, v11  }
0x248: {  	v45 =	vld [tilespmem:$0x10510]  }
0x249: {  	v1 =	vmul.f32 v1, v12;
	_ =	sdelay $0x1  }
0x24a: {  	v0 =	vmul.f32 v1, v0  }
0x24b: {  	v46 =	vld [tilespmem:s17+$0xC20]  }
0x24c: {  	v0 =	vadd.f32 v0, v45;
	_ =	sdelay $0x1  }
0x24d: {  	[tilespmem:s17+$0xC10] =	vst v0  }
0x24e: {  	v0 =	vld [tilespmem:$0x104A0]  }
0x24f: {  	v1 =	vsub.f32 v46, v11  }
0x250: {  	v47 =	vld [tilespmem:$0x10520]  }
0x251: {  	v1 =	vmul.f32 v1, v12;
	_ =	sdelay $0x1  }
0x252: {  	v0 =	vmul.f32 v1, v0  }
0x253: {  	v48 =	vld [tilespmem:s17+$0xC30]  }
0x254: {  	v0 =	vadd.f32 v0, v47;
	_ =	sdelay $0x1  }
0x255: {  	[tilespmem:s17+$0xC20] =	vst v0  }
0x256: {  	v0 =	vld [tilespmem:$0x104B0]  }
0x257: {  	v1 =	vsub.f32 v48, v11  }
0x258: {  	v49 =	vld [tilespmem:$0x10530]  }
0x259: {  	v1 =	vmul.f32 v1, v12;
	_ =	sdelay $0x1  }
0x25a: {  	v0 =	vmul.f32 v1, v0  }
0x25b: {  	v50 =	vld [tilespmem:s17+$0xC40]  }
0x25c: {  	v0 =	vadd.f32 v0, v49;
	_ =	sdelay $0x1  }
0x25d: {  	[tilespmem:s17+$0xC30] =	vst v0  }
0x25e: {  	v0 =	vld [tilespmem:$0x104C0]  }
0x25f: {  	v1 =	vsub.f32 v50, v11  }
0x260: {  	v51 =	vld [tilespmem:$0x10540]  }
0x261: {  	v1 =	vmul.f32 v1, v12;
	_ =	sdelay $0x1  }
0x262: {  	v0 =	vmul.f32 v1, v0  }
0x263: {  	v52 =	vld [tilespmem:s17+$0xC50]  }
0x264: {  	v0 =	vadd.f32 v0, v51;
	_ =	sdelay $0x1  }
0x265: {  	[tilespmem:s17+$0xC40] =	vst v0  }
0x266: {  	v0 =	vld [tilespmem:$0x104D0]  }
0x267: {  	v1 =	vsub.f32 v52, v11  }
0x268: {  	v53 =	vld [tilespmem:$0x10550]  }
0x269: {  	v1 =	vmul.f32 v1, v12;
	_ =	sdelay $0x1  }
0x26a: {  	v0 =	vmul.f32 v1, v0  }
0x26b: {  	v54 =	vld [tilespmem:s17+$0xC60]  }
0x26c: {  	v0 =	vadd.f32 v0, v53;
	_ =	sdelay $0x1  }
0x26d: {  	[tilespmem:s17+$0xC50] =	vst v0  }
0x26e: {  	v0 =	vld [tilespmem:$0x104E0]  }
0x26f: {  	v1 =	vsub.f32 v54, v11  }
0x270: {  	v55 =	vld [tilespmem:$0x10560]  }
0x271: {  	v1 =	vmul.f32 v1, v12;
	_ =	sdelay $0x1  }
0x272: {  	v0 =	vmul.f32 v1, v0  }
0x273: {  	v56 =	vld [tilespmem:s17+$0xC70]  }
0x274: {  	v0 =	vadd.f32 v0, v55;
	_ =	sdelay $0x1  }
0x275: {  	[tilespmem:s17+$0xC60] =	vst v0  }
0x276: {  	v0 =	vld [tilespmem:$0x104F0]  }
0x277: {  	v1 =	vsub.f32 v56, v11  }
0x278: {  	v57 =	vld [tilespmem:$0x10570]  }
0x279: {  	v1 =	vmul.f32 v1, v12;
	_ =	sdelay $0x1  }
0x27a: {  	v0 =	vmul.f32 v1, v0  }
0x27b: {  	v58 =	vld [tilespmem:s17+$0x1000]  }
0x27c: {  	v0 =	vadd.f32 v0, v57;
	_ =	sdelay $0x1  }
0x27d: {  	[tilespmem:s17+$0xC70] =	vst v0  }
0x27e: {  	v0 =	vld [tilespmem:$0x10580]  }
0x27f: {  	v1 =	vsub.f32 v58, v11  }
0x280: {  	v59 =	vld [tilespmem:$0x10600]  }
0x281: {  	v1 =	vmul.f32 v1, v12;
	_ =	sdelay $0x1  }
0x282: {  	v0 =	vmul.f32 v1, v0  }
0x283: {  	v60 =	vld [tilespmem:s17+$0x1010]  }
0x284: {  	v0 =	vadd.f32 v0, v59;
	_ =	sdelay $0x1  }
0x285: {  	[tilespmem:s17+$0x1000] =	vst v0  }
0x286: {  	v0 =	vld [tilespmem:$0x10590]  }
0x287: {  	v1 =	vsub.f32 v60, v11  }
0x288: {  	v61 =	vld [tilespmem:$0x10610]  }
0x289: {  	v1 =	vmul.f32 v1, v12;
	_ =	sdelay $0x1  }
0x28a: {  	v0 =	vmul.f32 v1, v0  }
0x28b: {  	v62 =	vld [tilespmem:s17+$0x1020]  }
0x28c: {  	v0 =	vadd.f32 v0, v61;
	_ =	sdelay $0x1  }
0x28d: {  	[tilespmem:s17+$0x1010] =	vst v0  }
0x28e: {  	v0 =	vld [tilespmem:$0x105A0]  }
0x28f: {  	v1 =	vsub.f32 v62, v11  }
0x290: {  	v63 =	vld [tilespmem:$0x10620]  }
0x291: {  	v1 =	vmul.f32 v1, v12;
	_ =	sdelay $0x1  }
0x292: {  	v0 =	vmul.f32 v1, v0  }
0x293: {  	v4 =	vld [tilespmem:s17+$0x1030]  }
0x294: {  	v0 =	vadd.f32 v0, v63;
	_ =	sdelay $0x1  }
0x295: {  	[tilespmem:s17+$0x1020] =	vst v0  }
0x296: {  	v0 =	vld [tilespmem:$0x105B0]  }
0x297: {  	v1 =	vsub.f32 v4, v11  }
0x298: {  	v5 =	vld [tilespmem:$0x10630]  }
0x299: {  	v1 =	vmul.f32 v1, v12;
	_ =	sdelay $0x1  }
0x29a: {  	v0 =	vmul.f32 v1, v0  }
0x29b: {  	v6 =	vld [tilespmem:s17+$0x1040]  }
0x29c: {  	v0 =	vadd.f32 v0, v5;
	_ =	sdelay $0x1  }
0x29d: {  	[tilespmem:s17+$0x1030] =	vst v0  }
0x29e: {  	v0 =	vld [tilespmem:$0x105C0]  }
0x29f: {  	v1 =	vsub.f32 v6, v11  }
0x2a0: {  	v7 =	vld [tilespmem:$0x10640]  }
0x2a1: {  	v1 =	vmul.f32 v1, v12;
	_ =	sdelay $0x1  }
0x2a2: {  	v0 =	vmul.f32 v1, v0  }
0x2a3: {  	v8 =	vld [tilespmem:s17+$0x1050]  }
0x2a4: {  	v0 =	vadd.f32 v0, v7;
	_ =	sdelay $0x1  }
0x2a5: {  	[tilespmem:s17+$0x1040] =	vst v0  }
0x2a6: {  	v0 =	vld [tilespmem:$0x105D0]  }
0x2a7: {  	v1 =	vsub.f32 v8, v11  }
0x2a8: {  	v9 =	vld [tilespmem:$0x10650]  }
0x2a9: {  	v1 =	vmul.f32 v1, v12;
	_ =	sdelay $0x1  }
0x2aa: {  	v0 =	vmul.f32 v1, v0  }
0x2ab: {  	v10 =	vld [tilespmem:s17+$0x1060]  }
0x2ac: {  	v0 =	vadd.f32 v0, v9;
	_ =	sdelay $0x1  }
0x2ad: {  	[tilespmem:s17+$0x1050] =	vst v0  }
0x2ae: {  	v0 =	vld [tilespmem:$0x105E0]  }
0x2af: {  	v1 =	vsub.f32 v10, v11  }
0x2b0: {  	v13 =	vld [tilespmem:$0x10660]  }
0x2b1: {  	v1 =	vmul.f32 v1, v12;
	_ =	sdelay $0x1  }
0x2b2: {  	v0 =	vmul.f32 v1, v0  }
0x2b3: {  	v14 =	vld [tilespmem:s17+$0x1070]  }
0x2b4: {  	v0 =	vadd.f32 v0, v13;
	_ =	sdelay $0x1  }
0x2b5: {  	[tilespmem:s17+$0x1060] =	vst v0  }
0x2b6: {  	v0 =	vld [tilespmem:$0x105F0]  }
0x2b7: {  	v1 =	vsub.f32 v14, v11  }
0x2b8: {  	v15 =	vld [tilespmem:$0x10670]  }
0x2b9: {  	v1 =	vmul.f32 v1, v12;
	_ =	sdelay $0x1  }
0x2ba: {  	v0 =	vmul.f32 v1, v0  }
0x2bb: {  	v16 =	vld [tilespmem:s17+$0x1400]  }
0x2bc: {  	v0 =	vadd.f32 v0, v15;
	_ =	sdelay $0x1  }
0x2bd: {  	[tilespmem:s17+$0x1070] =	vst v0  }
0x2be: {  	v0 =	vld [tilespmem:$0x10680]  }
0x2bf: {  	v1 =	vsub.f32 v16, v11  }
0x2c0: {  	v17 =	vld [tilespmem:$0x10700]  }
0x2c1: {  	v1 =	vmul.f32 v1, v12;
	_ =	sdelay $0x1  }
0x2c2: {  	v0 =	vmul.f32 v1, v0  }
0x2c3: {  	v18 =	vld [tilespmem:s17+$0x1410]  }
0x2c4: {  	v0 =	vadd.f32 v0, v17;
	_ =	sdelay $0x1  }
0x2c5: {  	[tilespmem:s17+$0x1400] =	vst v0  }
0x2c6: {  	v0 =	vld [tilespmem:$0x10690]  }
0x2c7: {  	v1 =	vsub.f32 v18, v11  }
0x2c8: {  	v19 =	vld [tilespmem:$0x10710]  }
0x2c9: {  	v1 =	vmul.f32 v1, v12;
	_ =	sdelay $0x1  }
0x2ca: {  	v0 =	vmul.f32 v1, v0  }
0x2cb: {  	v20 =	vld [tilespmem:s17+$0x1420]  }
0x2cc: {  	v0 =	vadd.f32 v0, v19;
	_ =	sdelay $0x1  }
0x2cd: {  	[tilespmem:s17+$0x1410] =	vst v0  }
0x2ce: {  	v0 =	vld [tilespmem:$0x106A0]  }
0x2cf: {  	v1 =	vsub.f32 v20, v11  }
0x2d0: {  	v21 =	vld [tilespmem:$0x10720]  }
0x2d1: {  	v1 =	vmul.f32 v1, v12;
	_ =	sdelay $0x1  }
0x2d2: {  	v0 =	vmul.f32 v1, v0  }
0x2d3: {  	v22 =	vld [tilespmem:s17+$0x1430]  }
0x2d4: {  	v0 =	vadd.f32 v0, v21;
	_ =	sdelay $0x1  }
0x2d5: {  	[tilespmem:s17+$0x1420] =	vst v0  }
0x2d6: {  	v0 =	vld [tilespmem:$0x106B0]  }
0x2d7: {  	v1 =	vsub.f32 v22, v11  }
0x2d8: {  	v23 =	vld [tilespmem:$0x10730]  }
0x2d9: {  	v1 =	vmul.f32 v1, v12;
	_ =	sdelay $0x1  }
0x2da: {  	v0 =	vmul.f32 v1, v0  }
0x2db: {  	v24 =	vld [tilespmem:s17+$0x1440]  }
0x2dc: {  	v0 =	vadd.f32 v0, v23;
	_ =	sdelay $0x1  }
0x2dd: {  	[tilespmem:s17+$0x1430] =	vst v0  }
0x2de: {  	v0 =	vld [tilespmem:$0x106C0]  }
0x2df: {  	v1 =	vsub.f32 v24, v11  }
0x2e0: {  	v25 =	vld [tilespmem:$0x10740]  }
0x2e1: {  	v1 =	vmul.f32 v1, v12;
	_ =	sdelay $0x1  }
0x2e2: {  	v0 =	vmul.f32 v1, v0  }
0x2e3: {  	v26 =	vld [tilespmem:s17+$0x1450]  }
0x2e4: {  	v0 =	vadd.f32 v0, v25;
	_ =	sdelay $0x1  }
0x2e5: {  	[tilespmem:s17+$0x1440] =	vst v0  }
0x2e6: {  	v0 =	vld [tilespmem:$0x106D0]  }
0x2e7: {  	v1 =	vsub.f32 v26, v11  }
0x2e8: {  	v27 =	vld [tilespmem:$0x10750]  }
0x2e9: {  	v1 =	vmul.f32 v1, v12;
	_ =	sdelay $0x1  }
0x2ea: {  	v0 =	vmul.f32 v1, v0  }
0x2eb: {  	v28 =	vld [tilespmem:s17+$0x1460]  }
0x2ec: {  	v0 =	vadd.f32 v0, v27;
	_ =	sdelay $0x1  }
0x2ed: {  	[tilespmem:s17+$0x1450] =	vst v0  }
0x2ee: {  	v0 =	vld [tilespmem:$0x106E0]  }
0x2ef: {  	v1 =	vsub.f32 v28, v11  }
0x2f0: {  	v29 =	vld [tilespmem:$0x10760]  }
0x2f1: {  	v1 =	vmul.f32 v1, v12;
	_ =	sdelay $0x1  }
0x2f2: {  	v0 =	vmul.f32 v1, v0  }
0x2f3: {  	v30 =	vld [tilespmem:s17+$0x1470]  }
0x2f4: {  	v0 =	vadd.f32 v0, v29;
	_ =	sdelay $0x1  }
0x2f5: {  	[tilespmem:s17+$0x1460] =	vst v0  }
0x2f6: {  	v0 =	vld [tilespmem:$0x106F0]  }
0x2f7: {  	v1 =	vsub.f32 v30, v11  }
0x2f8: {  	v31 =	vld [tilespmem:$0x10770]  }
0x2f9: {  	v1 =	vmul.f32 v1, v12;
	_ =	sdelay $0x1  }
0x2fa: {  	v0 =	vmul.f32 v1, v0  }
0x2fb: {  	v32 =	vld [tilespmem:s17+$0x1800]  }
0x2fc: {  	v0 =	vadd.f32 v0, v31;
	_ =	sdelay $0x1  }
0x2fd: {  	[tilespmem:s17+$0x1470] =	vst v0  }
0x2fe: {  	v0 =	vld [tilespmem:$0x10780]  }
0x2ff: {  	v1 =	vsub.f32 v32, v11  }
0x300: {  	v33 =	vld [tilespmem:$0x10800]  }
0x301: {  	v1 =	vmul.f32 v1, v12;
	_ =	sdelay $0x1  }
0x302: {  	v0 =	vmul.f32 v1, v0  }
0x303: {  	v34 =	vld [tilespmem:s17+$0x1810]  }
0x304: {  	v0 =	vadd.f32 v0, v33;
	_ =	sdelay $0x1  }
0x305: {  	[tilespmem:s17+$0x1800] =	vst v0  }
0x306: {  	v0 =	vld [tilespmem:$0x10790]  }
0x307: {  	v1 =	vsub.f32 v34, v11  }
0x308: {  	v35 =	vld [tilespmem:$0x10810]  }
0x309: {  	v1 =	vmul.f32 v1, v12;
	_ =	sdelay $0x1  }
0x30a: {  	v0 =	vmul.f32 v1, v0  }
0x30b: {  	v36 =	vld [tilespmem:s17+$0x1820]  }
0x30c: {  	v0 =	vadd.f32 v0, v35;
	_ =	sdelay $0x1  }
0x30d: {  	[tilespmem:s17+$0x1810] =	vst v0  }
0x30e: {  	v0 =	vld [tilespmem:$0x107A0]  }
0x30f: {  	v1 =	vsub.f32 v36, v11  }
0x310: {  	v37 =	vld [tilespmem:$0x10820]  }
0x311: {  	v1 =	vmul.f32 v1, v12;
	_ =	sdelay $0x1  }
0x312: {  	v0 =	vmul.f32 v1, v0  }
0x313: {  	v38 =	vld [tilespmem:s17+$0x1830]  }
0x314: {  	v0 =	vadd.f32 v0, v37;
	_ =	sdelay $0x1  }
0x315: {  	[tilespmem:s17+$0x1820] =	vst v0  }
0x316: {  	v0 =	vld [tilespmem:$0x107B0]  }
0x317: {  	v1 =	vsub.f32 v38, v11  }
0x318: {  	v39 =	vld [tilespmem:$0x10830]  }
0x319: {  	v1 =	vmul.f32 v1, v12;
	_ =	sdelay $0x1  }
0x31a: {  	v0 =	vmul.f32 v1, v0  }
0x31b: {  	v40 =	vld [tilespmem:s17+$0x1840]  }
0x31c: {  	v0 =	vadd.f32 v0, v39;
	_ =	sdelay $0x1  }
0x31d: {  	[tilespmem:s17+$0x1830] =	vst v0  }
0x31e: {  	v0 =	vld [tilespmem:$0x107C0]  }
0x31f: {  	v1 =	vsub.f32 v40, v11  }
0x320: {  	v41 =	vld [tilespmem:$0x10840]  }
0x321: {  	v1 =	vmul.f32 v1, v12;
	_ =	sdelay $0x1  }
0x322: {  	v0 =	vmul.f32 v1, v0  }
0x323: {  	v42 =	vld [tilespmem:s17+$0x1850]  }
0x324: {  	v0 =	vadd.f32 v0, v41;
	_ =	sdelay $0x1  }
0x325: {  	[tilespmem:s17+$0x1840] =	vst v0  }
0x326: {  	v0 =	vld [tilespmem:$0x107D0]  }
0x327: {  	v1 =	vsub.f32 v42, v11  }
0x328: {  	v43 =	vld [tilespmem:$0x10850]  }
0x329: {  	v1 =	vmul.f32 v1, v12;
	_ =	sdelay $0x1  }
0x32a: {  	v0 =	vmul.f32 v1, v0  }
0x32b: {  	v44 =	vld [tilespmem:s17+$0x1860]  }
0x32c: {  	v0 =	vadd.f32 v0, v43;
	_ =	sdelay $0x1  }
0x32d: {  	[tilespmem:s17+$0x1850] =	vst v0  }
0x32e: {  	v0 =	vld [tilespmem:$0x107E0]  }
0x32f: {  	v1 =	vsub.f32 v44, v11  }
0x330: {  	v45 =	vld [tilespmem:$0x10860]  }
0x331: {  	v1 =	vmul.f32 v1, v12;
	_ =	sdelay $0x1  }
0x332: {  	v0 =	vmul.f32 v1, v0  }
0x333: {  	v46 =	vld [tilespmem:s17+$0x1870]  }
0x334: {  	v0 =	vadd.f32 v0, v45;
	_ =	sdelay $0x1  }
0x335: {  	[tilespmem:s17+$0x1860] =	vst v0  }
0x336: {  	v0 =	vld [tilespmem:$0x107F0]  }
0x337: {  	v1 =	vsub.f32 v46, v11  }
0x338: {  	v47 =	vld [tilespmem:$0x10870]  }
0x339: {  	v1 =	vmul.f32 v1, v12;
	_ =	sdelay $0x1  }
0x33a: {  	v0 =	vmul.f32 v1, v0;
	_ =	sdelay $0x1  }
0x33b: {  	v0 =	vadd.f32 v0, v47;
	_ =	sdelay $0x1  }
0x33c: {  	[tilespmem:s17+$0x1870] =	vst v0  }
0x33d: {  	v0 =	vld [tilespmem:s18+$0x0];
	_ =	sdelay $0x3  }
0x33e: {  	v48 =	vld [tilespmem:$0x10880]  }
0x33f: {  	v0 =	vsub.f32 v0, v11  }
0x340: {  	v49 =	vld [tilespmem:$0x10900]  }
0x341: {  	v0 =	vmul.f32 v0, v12;
	_ =	sdelay $0x1  }
0x342: {  	v0 =	vmul.f32 v0, v48;
	_ =	sdelay $0x1  }
0x343: {  	v0 =	vadd.f32 v0, v49;
	_ =	sdelay $0x1  }
0x344: {  	[tilespmem:s18+$0x0] =	vst v0  }
0x345: {  	v0 =	vld [tilespmem:s19+$0x0];
	_ =	sdelay $0x3  }
0x346: {  	v50 =	vld [tilespmem:$0x10890]  }
0x347: {  	v0 =	vsub.f32 v0, v11  }
0x348: {  	v51 =	vld [tilespmem:$0x10910]  }
0x349: {  	v0 =	vmul.f32 v0, v12;
	_ =	sdelay $0x1  }
0x34a: {  	v0 =	vmul.f32 v0, v50;
	_ =	sdelay $0x1  }
0x34b: {  	v0 =	vadd.f32 v0, v51;
	_ =	sdelay $0x1  }
0x34c: {  	[tilespmem:s19+$0x0] =	vst v0  }
0x34d: {  	v0 =	vld [tilespmem:s20+$0x0];
	_ =	sdelay $0x3  }
0x34e: {  	v52 =	vld [tilespmem:$0x108A0]  }
0x34f: {  	v0 =	vsub.f32 v0, v11  }
0x350: {  	v53 =	vld [tilespmem:$0x10920]  }
0x351: {  	v0 =	vmul.f32 v0, v12;
	_ =	sdelay $0x1  }
0x352: {  	v0 =	vmul.f32 v0, v52;
	_ =	sdelay $0x1  }
0x353: {  	v0 =	vadd.f32 v0, v53;
	_ =	sdelay $0x1  }
0x354: {  	[tilespmem:s20+$0x0] =	vst v0  }
0x355: {  	v0 =	vld [tilespmem:s21+$0x0];
	_ =	sdelay $0x3  }
0x356: {  	v54 =	vld [tilespmem:$0x108B0]  }
0x357: {  	v0 =	vsub.f32 v0, v11  }
0x358: {  	v55 =	vld [tilespmem:$0x10930]  }
0x359: {  	v0 =	vmul.f32 v0, v12;
	_ =	sdelay $0x1  }
0x35a: {  	v0 =	vmul.f32 v0, v54;
	_ =	sdelay $0x1  }
0x35b: {  	v0 =	vadd.f32 v0, v55;
	_ =	sdelay $0x1  }
0x35c: {  	[tilespmem:s21+$0x0] =	vst v0  }
0x35d: {  	v0 =	vld [tilespmem:s22+$0x0];
	_ =	sdelay $0x3  }
0x35e: {  	v56 =	vld [tilespmem:$0x108C0]  }
0x35f: {  	v0 =	vsub.f32 v0, v11  }
0x360: {  	v57 =	vld [tilespmem:$0x10940]  }
0x361: {  	v0 =	vmul.f32 v0, v12;
	_ =	sdelay $0x1  }
0x362: {  	v0 =	vmul.f32 v0, v56;
	_ =	sdelay $0x1  }
0x363: {  	v0 =	vadd.f32 v0, v57;
	_ =	sdelay $0x1  }
0x364: {  	[tilespmem:s22+$0x0] =	vst v0  }
0x365: {  	v0 =	vld [tilespmem:s23+$0x0];
	_ =	sdelay $0x3  }
0x366: {  	v58 =	vld [tilespmem:$0x108D0]  }
0x367: {  	v0 =	vsub.f32 v0, v11  }
0x368: {  	v59 =	vld [tilespmem:$0x10950]  }
0x369: {  	v0 =	vmul.f32 v0, v12;
	_ =	sdelay $0x1  }
0x36a: {  	v0 =	vmul.f32 v0, v58;
	_ =	sdelay $0x1  }
0x36b: {  	v0 =	vadd.f32 v0, v59;
	_ =	sdelay $0x1  }
0x36c: {  	[tilespmem:s23+$0x0] =	vst v0  }
0x36d: {  	v0 =	vld [tilespmem:s24+$0x0];
	_ =	sdelay $0x3  }
0x36e: {  	v60 =	vld [tilespmem:$0x108E0]  }
0x36f: {  	v0 =	vsub.f32 v0, v11  }
0x370: {  	v61 =	vld [tilespmem:$0x10960]  }
0x371: {  	v0 =	vmul.f32 v0, v12;
	_ =	sdelay $0x1  }
0x372: {  	v0 =	vmul.f32 v0, v60;
	_ =	sdelay $0x1  }
0x373: {  	v0 =	vadd.f32 v0, v61;
	_ =	sdelay $0x1  }
0x374: {  	[tilespmem:s24+$0x0] =	vst v0  }
0x375: {  	v0 =	vld [tilespmem:s25+$0x0];
	_ =	sdelay $0x3  }
0x376: {  	v62 =	vld [tilespmem:$0x108F0]  }
0x377: {  	v0 =	vsub.f32 v0, v11  }
0x378: {  	v63 =	vld [tilespmem:$0x10970]  }
0x379: {  	v0 =	vmul.f32 v0, v12  }
0x37a: {  	p1 =	sne.s32 s16, $0xF80  }
.Ltmp0:
0x37b: {  	v0 =	vmul.f32 v0, v62;
	(pc) =	sbr.rel @p1 .LBB2_2-.Ltmp0, $4  }
0x37c: {  	_ = 	snop  }
0x37d: {  	v0 =	vadd.f32 v0, v63  }
0x37e: {  	s12 =	sadd.s32 $0x1, s12  }
0x37f: {  	s11 =	sadd.s32 $0x400, s11;
	s16 =	sadd.s32 $0x80, s16;
	s13 =	sadd.s32 $0x400, s13;
	[tilespmem:s25+$0x0] =	vst v0  }
.Ltmp1:
0x380: {  	s1 =	sadd.s32 s8, s1;
	(pc) =	sbr.rel @p0 .LBB2_1-.Ltmp1, $4  }
0x381: {  	[hbm4b:s1+s3] =	stream.linear.scatter [tilespmem:s3], [sflag:$0x2], $0x8000, $0x38;
	[tilespmem:$0x10A00] =	vst v63  }
0x382: {  	_ =	swait.ge [sflag:s4], $0x8000  }
0x383: {  	[sflag:s4] =	ssyncset.done $0x0  }
0x384: {  	p1 =	por $0x0, $0x0;
	s1 =	simm.s32 $0x20;
	[sflag:s4] =	ssyncadd.s32 $0xFFFF8000  }
0x385: {  	_ =	sfence.sel $0x180000  }
0x386: {  	[bflag:$0x0] =	sbarrier.arrive $0xFFFF  }
0x387: {  	_ =	strace $0x90000047  }
0x388: {  	s0 =	stileid.u32;
	[bflag:$0x2] =	sbarrier.arrive $0xFFFF  }
0x389: {  	p0 =	sne.s32 s0, $0x0;
	s0 =	rddreg [dreg:$0x5]  }
0x38a: {  	s0 =	sadd.s32 @!p0 $0x100000, s0  }
0x38b: {  	[sflag:s0] =	ssyncadd.tile.s32 @!p0 $0x1;
	_ =	shalt  }
.Lfunc_end2:
_tile_overlayer_lowered:
.L_overlay_start_2:
0x38c: {  	(tag) =	ssettag $0x2  }
0x38d: {  	s0 =	rddreg [dreg:$0x0];
	s2 =	stileid.u32  }
0x38e: {  	s1 =	rddreg [dreg:$0x1];
	p0 =	sne.s32 s2, $0x0  }
0x38f: {  	s3 =	rddreg [dreg:$0x2];
	[bflag:$0x3] =	sbarrier.arrive $0xFFFF;
	s2 =	simm.s32 @!p0 $0x1C02  }
0x390: {  	[timem:s3], [sflag:s2] =	dma.local @!p0 [hbm:s0], s1  }
0x391: {  	s0 =	simm.s32 @!p0 $0x2  }
0x392: {  	_ =	swait.ge @!p0 [sflag:s0], s1  }
0x393: {  	s1 =	ssub.s32 @!p0 $0x0, s1;
	[sflag:s0] =	ssyncset.done @!p0 $0x0  }
0x394: {  	[sflag:s0] =	ssyncadd.s32 @!p0 s1  }
0x395: {  	[bflag:$0x3] =	sbarrier.arrive $0xFFFF  }
0x396: {  	_ =	shalt  }

</sc_bundles>
